<compile_context>
chip_gen: v7x
topology: tpu7x:2x2x1
jax: 0.10.2.dev20260603
libtpu: 0.0.44.dev20260713+nightly
codegen_flags: <defaults>
</compile_context>

<pallas_src>
import functools
import math

import jax
import jax.numpy as jnp
from jax import lax
from jax.experimental import pallas as pl
from jax.experimental.pallas import tpu as pltpu
from jax.experimental.pallas import tpu_sc as plsc

D_MODEL = 128
SCALE = math.sqrt(float(D_MODEL))
LANES = 16

NUM_CORES = 2
NUM_SUBCORES = 16
NW = NUM_CORES * NUM_SUBCORES

N_SEQ = 4096
SEQ_LEN = 50
SEQ_PER_W = N_SEQ // NW
N_CHUNKS = SEQ_LEN
CHUNK = SEQ_PER_W
NBUF = 4
LAG = 2

_mesh = plsc.VectorSubcoreMesh(core_axis_name="c", subcore_axis_name="s")


def _scale_buf(buf):

    @plsc.parallel_loop(0, CHUNK, step=1, unroll=2)
    def _row(r):
        for k in range(D_MODEL // LANES):
            sl = (r, pl.ds(k * LANES, LANES))
            buf[sl] = buf[sl] * SCALE


@functools.partial(
    pl.kernel,
    out_type=jax.ShapeDtypeStruct((SEQ_LEN, N_SEQ, D_MODEL), jnp.float32),
    mesh=_mesh,
    compiler_params=pltpu.CompilerParams(use_tc_tiling_on_sc=True),
    scratch_types=[
        pltpu.VMEM((N_CHUNKS, CHUNK), jnp.int32),
        [pltpu.VMEM((CHUNK, D_MODEL), jnp.float32)] * NBUF,
        [pltpu.SemaphoreType.DMA] * NBUF,
        [pltpu.SemaphoreType.DMA] * NBUF,
    ],
)
def _emb_lookup(xt_hbm, lut_hbm, out_hbm, idx_v, bufs, gsems, osems):
    wid = lax.axis_index("s") * NUM_CORES + lax.axis_index("c")
    s0 = wid * SEQ_PER_W

    HALF = CHUNK // 2

    def gather_start(j, bi):
        for h in range(2):
            pltpu.async_copy(
                lut_hbm.at[idx_v.at[j, pl.ds(h * HALF, HALF)]],
                bufs[bi].at[pl.ds(h * HALF, HALF)],
                gsems[bi],
            )

    def gather_wait(j, bi):
        for h in range(2):
            pltpu.make_async_copy(
                lut_hbm.at[idx_v.at[j, pl.ds(h * HALF, HALF)]],
                bufs[bi].at[pl.ds(h * HALF, HALF)],
                gsems[bi],
            ).wait()

    def out_start(j, bi):
        pltpu.async_copy(bufs[bi], out_hbm.at[j, pl.ds(s0, CHUNK)], osems[bi])

    def out_wait(j, bi):
        pltpu.make_async_copy(
            bufs[bi], out_hbm.at[j, pl.ds(s0, CHUNK)], osems[bi]
        ).wait()

    pltpu.sync_copy(xt_hbm.at[:, wid], idx_v)

    for j in range(LAG):
        gather_start(j, j)

    def chunk_step(j, bi, wait_out, ahead):
        gather_wait(j, bi)
        if wait_out:
            out_wait(j - LAG, (bi - LAG) % NBUF)
        if ahead:
            gather_start(j + LAG, (bi + LAG) % NBUF)
        _scale_buf(bufs[bi])
        out_start(j, bi)

    for j in range(LAG):
        chunk_step(j, j % NBUF, wait_out=False, ahead=True)
    for j in range(LAG, 2 * LAG):
        chunk_step(j, j % NBUF, wait_out=True, ahead=True)

    n_main = (N_CHUNKS - 3 * LAG) // NBUF * NBUF
    main_lo = 2 * LAG

    def ring_body(g, carry):
        for b in range(NBUF):
            j = main_lo + NBUF * g + b
            chunk_step(j, b, wait_out=True, ahead=True)
        return carry

    lax.fori_loop(0, n_main // NBUF, ring_body, 0, unroll=False)

    for j in range(main_lo + n_main, N_CHUNKS - LAG):
        chunk_step(j, j % NBUF, wait_out=True, ahead=True)
    for j in range(N_CHUNKS - LAG, N_CHUNKS):
        chunk_step(j, j % NBUF, wait_out=True, ahead=False)
    for j in range(N_CHUNKS - LAG, N_CHUNKS):
        out_wait(j, j % NBUF)


def kernel(x, lut):
    xt = jnp.transpose(x.astype(jnp.int32), (1, 0)).reshape(
        SEQ_LEN, NW, SEQ_PER_W
    )
    out_tmajor = _emb_lookup(xt, lut)
    return jnp.transpose(out_tmajor, (1, 0, 2))

# --- scband reference (transcript-rebuilt; emitter-appended) ---
"""Pipeline reference for scband-embeddings-47124381172390 (READ-ONLY COPY).

The authoritative reference and input builder live on the scoring server;
editing this copy changes nothing except your own understanding.
"""

import jax, jax.numpy as jnp
import numpy as np
import math

D_MODEL = 128
VOCAB = 100000

def setup_inputs(seed: int = 0) -> dict:
    key = jax.random.key(seed)
    k1, k2 = jax.random.split(key)
    x = jax.random.randint(k1, (4096, 50), 0, VOCAB, dtype=jnp.int64)
    lut = jax.random.normal(k2, (VOCAB, D_MODEL), dtype=jnp.float32)
    return {"x": x, "lut": lut}

def reference(x, lut):
    # Embeddings.forward: self.lut(x) * sqrt(d_model)
    emb = jnp.take(lut, x, axis=0)
    return emb * math.sqrt(D_MODEL)

if __name__ == "__main__":
    import jax
    _d = setup_inputs()
    print(jax.jit(kernel)(*tuple(_d.values())))

</pallas_src>

<mosaic_0001>
#map = affine_map<(d0, d1) -> (0, 0, 0)>
#map1 = affine_map<(d0, d1) -> (0, 0)>
module attributes {stable_mosaic.version = 14 : i64} {
  func.func @_emb_lookup(%arg0: i32, %arg1: i32, %arg2: memref<50x32x128xi32, #tpu.memory_space<hbm>>, %arg3: memref<100000x128xf32, #tpu.memory_space<hbm>>, %arg4: memref<50x4096x128xf32, #tpu.memory_space<hbm>>, %arg5: memref<50x128xi32, #tpu.memory_space<vmem>>, %arg6: memref<128x128xf32, #tpu.memory_space<vmem>>, %arg7: memref<128x128xf32, #tpu.memory_space<vmem>>, %arg8: memref<128x128xf32, #tpu.memory_space<vmem>>, %arg9: memref<128x128xf32, #tpu.memory_space<vmem>>, %arg10: memref<!tpu.dma_semaphore, #tpu.memory_space<semaphore_mem>>, %arg11: memref<!tpu.dma_semaphore, #tpu.memory_space<semaphore_mem>>, %arg12: memref<!tpu.dma_semaphore, #tpu.memory_space<semaphore_mem>>, %arg13: memref<!tpu.dma_semaphore, #tpu.memory_space<semaphore_mem>>, %arg14: memref<!tpu.dma_semaphore, #tpu.memory_space<semaphore_mem>>, %arg15: memref<!tpu.dma_semaphore, #tpu.memory_space<semaphore_mem>>, %arg16: memref<!tpu.dma_semaphore, #tpu.memory_space<semaphore_mem>>, %arg17: memref<!tpu.dma_semaphore, #tpu.memory_space<semaphore_mem>>) attributes {dimension_semantics = [#tpu.dimension_semantics<core_parallel>, #tpu.dimension_semantics<subcore_parallel>], iteration_bounds = array<i64: 2, 16>, scalar_prefetch = 0 : i64, scratch_operands = 13 : i64, tpu.core_type = #tpu.core_type<sc_vector_subcore>, window_params = [{transform_indices = #map}, {transform_indices = #map1}, {transform_indices = #map}]} {
    %mul3A = arith.constant 2 : i32
    %mul3A_0 = arith.muli %arg1, %mul3A : i32
    %add3A = arith.addi %mul3A_0, %arg0 : i32
    %mul3A_1 = arith.constant 128 : i32
    %mul3A_2 = arith.muli %add3A, %mul3A_1 : i32
    "tpu.region"() ({
      %run_scoped3A = tpu.sem_alloc : memref<!tpu.dma_semaphore, #tpu.memory_space<semaphore_mem>>
      %dma_start3A_347 = arith.constant 0 : i32
      %dma_start3A_348 = arith.constant 0 : i32
      %dma_start3A_349 = tpu.memref_slice %arg2[%dma_start3A_347, %add3A, %dma_start3A_348] : memref<50x32x128xi32, #tpu.memory_space<hbm>> -> memref<50x1x128xi32, #tpu.memory_space<hbm>>
      %dma_start3A_350 = tpu.memref_squeeze %dma_start3A_349 : memref<50x1x128xi32, #tpu.memory_space<hbm>> -> memref<50x128xi32, #tpu.memory_space<hbm>>
      %dma_start3A_351 = arith.constant 0 : i32
      %dma_start3A_352 = arith.constant 0 : i32
      %dma_start3A_353 = tpu.memref_slice %arg2[%dma_start3A_351, %add3A, %dma_start3A_352] : memref<50x32x128xi32, #tpu.memory_space<hbm>> -> memref<50x1x128xi32, #tpu.memory_space<hbm>>
      %dma_start3A_354 = tpu.memref_squeeze %dma_start3A_353 : memref<50x1x128xi32, #tpu.memory_space<hbm>> -> memref<50x128xi32, #tpu.memory_space<hbm>>
      tpu.enqueue_dma source(%dma_start3A_354 : memref<50x128xi32, #tpu.memory_space<hbm>>) target(%arg5 : memref<50x128xi32, #tpu.memory_space<vmem>>) target_semaphore(%run_scoped3A : memref<!tpu.dma_semaphore, #tpu.memory_space<semaphore_mem>>)
      %dma_wait3A_355 = arith.constant 0 : i32
      %dma_wait3A_356 = arith.constant 0 : i32
      %dma_wait3A_357 = tpu.memref_slice %arg2[%dma_wait3A_355, %add3A, %dma_wait3A_356] : memref<50x32x128xi32, #tpu.memory_space<hbm>> -> memref<50x1x128xi32, #tpu.memory_space<hbm>>
      %dma_wait3A_358 = tpu.memref_squeeze %dma_wait3A_357 : memref<50x1x128xi32, #tpu.memory_space<hbm>> -> memref<50x128xi32, #tpu.memory_space<hbm>>
      %dma_wait3A_359 = arith.constant 0 : i32
      %dma_wait3A_360 = arith.constant 0 : i32
      %dma_wait3A_361 = tpu.memref_slice %arg2[%dma_wait3A_359, %add3A, %dma_wait3A_360] : memref<50x32x128xi32, #tpu.memory_space<hbm>> -> memref<50x1x128xi32, #tpu.memory_space<hbm>>
      %dma_wait3A_362 = tpu.memref_squeeze %dma_wait3A_361 : memref<50x1x128xi32, #tpu.memory_space<hbm>> -> memref<50x128xi32, #tpu.memory_space<hbm>>
      tpu.wait_dma2 semaphore(%run_scoped3A : memref<!tpu.dma_semaphore, #tpu.memory_space<semaphore_mem>>) src(%dma_wait3A_362 : memref<50x128xi32, #tpu.memory_space<hbm>>) dst(%arg5 : memref<50x128xi32, #tpu.memory_space<vmem>>)
      tpu.yield
    }) : () -> ()
    %dma_start3A = arith.constant 0 : i32
    %dma_start3A_3 = arith.constant 0 : i32
    %dma_start3A_4 = arith.constant 0 : i32
    %dma_start3A_5 = tpu.memref_slice %arg6[%dma_start3A_3, %dma_start3A_4] : memref<128x128xf32, #tpu.memory_space<vmem>> -> memref<64x128xf32, #tpu.memory_space<vmem>>
    %dma_start3A_6 = arith.constant 0 : i32
    %dma_start3A_7 = tpu.memref_slice %arg5[%dma_start3A, %dma_start3A_6] : memref<50x128xi32, #tpu.memory_space<vmem>> -> memref<1x64xi32, #tpu.memory_space<vmem>>
    %dma_start3A_8 = tpu.memref_squeeze %dma_start3A_7 : memref<1x64xi32, #tpu.memory_space<vmem>> -> memref<64xi32, #tpu.memory_space<vmem>>
    %dma_start3A_9 = arith.constant 0 : i32
    %dma_start3A_10 = arith.constant 0 : i32
    %dma_start3A_11 = tpu.memref_slice %arg3[%dma_start3A_9, %dma_start3A_10] : memref<100000x128xf32, #tpu.memory_space<hbm>> -> memref<100000x128xf32, #tpu.memory_space<hbm>>
    tpu.enqueue_indirect_dma source(%dma_start3A_11 : memref<100000x128xf32, #tpu.memory_space<hbm>>) target(%dma_start3A_5 : memref<64x128xf32, #tpu.memory_space<vmem>>) offsets(%dma_start3A_8 : memref<64xi32, #tpu.memory_space<vmem>>) semaphore(%arg10 : memref<!tpu.dma_semaphore, #tpu.memory_space<semaphore_mem>>)
    %dma_start3A_12 = arith.constant 0 : i32
    %dma_start3A_13 = arith.constant 64 : i32
    %dma_start3A_14 = arith.constant 0 : i32
    %dma_start3A_15 = tpu.memref_slice %arg6[%dma_start3A_13, %dma_start3A_14] : memref<128x128xf32, #tpu.memory_space<vmem>> -> memref<64x128xf32, #tpu.memory_space<vmem>>
    %dma_start3A_16 = arith.constant 64 : i32
    %dma_start3A_17 = tpu.memref_slice %arg5[%dma_start3A_12, %dma_start3A_16] : memref<50x128xi32, #tpu.memory_space<vmem>> -> memref<1x64xi32, #tpu.memory_space<vmem>>
    %dma_start3A_18 = tpu.memref_squeeze %dma_start3A_17 : memref<1x64xi32, #tpu.memory_space<vmem>> -> memref<64xi32, #tpu.memory_space<vmem>>
    %dma_start3A_19 = arith.constant 0 : i32
    %dma_start3A_20 = arith.constant 0 : i32
    %dma_start3A_21 = tpu.memref_slice %arg3[%dma_start3A_19, %dma_start3A_20] : memref<100000x128xf32, #tpu.memory_space<hbm>> -> memref<100000x128xf32, #tpu.memory_space<hbm>>
    tpu.enqueue_indirect_dma source(%dma_start3A_21 : memref<100000x128xf32, #tpu.memory_space<hbm>>) target(%dma_start3A_15 : memref<64x128xf32, #tpu.memory_space<vmem>>) offsets(%dma_start3A_18 : memref<64xi32, #tpu.memory_space<vmem>>) semaphore(%arg10 : memref<!tpu.dma_semaphore, #tpu.memory_space<semaphore_mem>>)
    %dma_start3A_22 = arith.constant 1 : i32
    %dma_start3A_23 = arith.constant 0 : i32
    %dma_start3A_24 = arith.constant 0 : i32
    %dma_start3A_25 = tpu.memref_slice %arg7[%dma_start3A_23, %dma_start3A_24] : memref<128x128xf32, #tpu.memory_space<vmem>> -> memref<64x128xf32, #tpu.memory_space<vmem>>
    %dma_start3A_26 = arith.constant 0 : i32
    %dma_start3A_27 = tpu.memref_slice %arg5[%dma_start3A_22, %dma_start3A_26] : memref<50x128xi32, #tpu.memory_space<vmem>> -> memref<1x64xi32, #tpu.memory_space<vmem>>
    %dma_start3A_28 = tpu.memref_squeeze %dma_start3A_27 : memref<1x64xi32, #tpu.memory_space<vmem>> -> memref<64xi32, #tpu.memory_space<vmem>>
    %dma_start3A_29 = arith.constant 0 : i32
    %dma_start3A_30 = arith.constant 0 : i32
    %dma_start3A_31 = tpu.memref_slice %arg3[%dma_start3A_29, %dma_start3A_30] : memref<100000x128xf32, #tpu.memory_space<hbm>> -> memref<100000x128xf32, #tpu.memory_space<hbm>>
    tpu.enqueue_indirect_dma source(%dma_start3A_31 : memref<100000x128xf32, #tpu.memory_space<hbm>>) target(%dma_start3A_25 : memref<64x128xf32, #tpu.memory_space<vmem>>) offsets(%dma_start3A_28 : memref<64xi32, #tpu.memory_space<vmem>>) semaphore(%arg11 : memref<!tpu.dma_semaphore, #tpu.memory_space<semaphore_mem>>)
    %dma_start3A_32 = arith.constant 1 : i32
    %dma_start3A_33 = arith.constant 64 : i32
    %dma_start3A_34 = arith.constant 0 : i32
    %dma_start3A_35 = tpu.memref_slice %arg7[%dma_start3A_33, %dma_start3A_34] : memref<128x128xf32, #tpu.memory_space<vmem>> -> memref<64x128xf32, #tpu.memory_space<vmem>>
    %dma_start3A_36 = arith.constant 64 : i32
    %dma_start3A_37 = tpu.memref_slice %arg5[%dma_start3A_32, %dma_start3A_36] : memref<50x128xi32, #tpu.memory_space<vmem>> -> memref<1x64xi32, #tpu.memory_space<vmem>>
    %dma_start3A_38 = tpu.memref_squeeze %dma_start3A_37 : memref<1x64xi32, #tpu.memory_space<vmem>> -> memref<64xi32, #tpu.memory_space<vmem>>
    %dma_start3A_39 = arith.constant 0 : i32
    %dma_start3A_40 = arith.constant 0 : i32
    %dma_start3A_41 = tpu.memref_slice %arg3[%dma_start3A_39, %dma_start3A_40] : memref<100000x128xf32, #tpu.memory_space<hbm>> -> memref<100000x128xf32, #tpu.memory_space<hbm>>
    tpu.enqueue_indirect_dma source(%dma_start3A_41 : memref<100000x128xf32, #tpu.memory_space<hbm>>) target(%dma_start3A_35 : memref<64x128xf32, #tpu.memory_space<vmem>>) offsets(%dma_start3A_38 : memref<64xi32, #tpu.memory_space<vmem>>) semaphore(%arg11 : memref<!tpu.dma_semaphore, #tpu.memory_space<semaphore_mem>>)
    %dma_wait3A = arith.constant 0 : i32
    %dma_wait3A_42 = arith.constant 0 : i32
    %dma_wait3A_43 = arith.constant 0 : i32
    %dma_wait3A_44 = tpu.memref_slice %arg6[%dma_wait3A_42, %dma_wait3A_43] : memref<128x128xf32, #tpu.memory_space<vmem>> -> memref<64x128xf32, #tpu.memory_space<vmem>>
    %dma_wait3A_45 = arith.constant 0 : i32
    %dma_wait3A_46 = tpu.memref_slice %arg5[%dma_wait3A, %dma_wait3A_45] : memref<50x128xi32, #tpu.memory_space<vmem>> -> memref<1x64xi32, #tpu.memory_space<vmem>>
    %dma_wait3A_47 = tpu.memref_squeeze %dma_wait3A_46 : memref<1x64xi32, #tpu.memory_space<vmem>> -> memref<64xi32, #tpu.memory_space<vmem>>
    %dma_wait3A_48 = arith.constant 0 : i32
    %dma_wait3A_49 = arith.constant 0 : i32
    %dma_wait3A_50 = tpu.memref_slice %arg3[%dma_wait3A_48, %dma_wait3A_49] : memref<100000x128xf32, #tpu.memory_space<hbm>> -> memref<100000x128xf32, #tpu.memory_space<hbm>>
    tpu.wait_indirect_dma semaphore(%arg10 : memref<!tpu.dma_semaphore, #tpu.memory_space<semaphore_mem>>) src(%dma_wait3A_50 : memref<100000x128xf32, #tpu.memory_space<hbm>>) dst(%dma_wait3A_44 : memref<64x128xf32, #tpu.memory_space<vmem>>)
    %dma_wait3A_51 = arith.constant 0 : i32
    %dma_wait3A_52 = arith.constant 64 : i32
    %dma_wait3A_53 = arith.constant 0 : i32
    %dma_wait3A_54 = tpu.memref_slice %arg6[%dma_wait3A_52, %dma_wait3A_53] : memref<128x128xf32, #tpu.memory_space<vmem>> -> memref<64x128xf32, #tpu.memory_space<vmem>>
    %dma_wait3A_55 = arith.constant 64 : i32
    %dma_wait3A_56 = tpu.memref_slice %arg5[%dma_wait3A_51, %dma_wait3A_55] : memref<50x128xi32, #tpu.memory_space<vmem>> -> memref<1x64xi32, #tpu.memory_space<vmem>>
    %dma_wait3A_57 = tpu.memref_squeeze %dma_wait3A_56 : memref<1x64xi32, #tpu.memory_space<vmem>> -> memref<64xi32, #tpu.memory_space<vmem>>
    %dma_wait3A_58 = arith.constant 0 : i32
    %dma_wait3A_59 = arith.constant 0 : i32
    %dma_wait3A_60 = tpu.memref_slice %arg3[%dma_wait3A_58, %dma_wait3A_59] : memref<100000x128xf32, #tpu.memory_space<hbm>> -> memref<100000x128xf32, #tpu.memory_space<hbm>>
    tpu.wait_indirect_dma semaphore(%arg10 : memref<!tpu.dma_semaphore, #tpu.memory_space<semaphore_mem>>) src(%dma_wait3A_60 : memref<100000x128xf32, #tpu.memory_space<hbm>>) dst(%dma_wait3A_54 : memref<64x128xf32, #tpu.memory_space<vmem>>)
    %dma_start3A_61 = arith.constant 2 : i32
    %dma_start3A_62 = arith.constant 0 : i32
    %dma_start3A_63 = arith.constant 0 : i32
    %dma_start3A_64 = tpu.memref_slice %arg8[%dma_start3A_62, %dma_start3A_63] : memref<128x128xf32, #tpu.memory_space<vmem>> -> memref<64x128xf32, #tpu.memory_space<vmem>>
    %dma_start3A_65 = arith.constant 0 : i32
    %dma_start3A_66 = tpu.memref_slice %arg5[%dma_start3A_61, %dma_start3A_65] : memref<50x128xi32, #tpu.memory_space<vmem>> -> memref<1x64xi32, #tpu.memory_space<vmem>>
    %dma_start3A_67 = tpu.memref_squeeze %dma_start3A_66 : memref<1x64xi32, #tpu.memory_space<vmem>> -> memref<64xi32, #tpu.memory_space<vmem>>
    %dma_start3A_68 = arith.constant 0 : i32
    %dma_start3A_69 = arith.constant 0 : i32
    %dma_start3A_70 = tpu.memref_slice %arg3[%dma_start3A_68, %dma_start3A_69] : memref<100000x128xf32, #tpu.memory_space<hbm>> -> memref<100000x128xf32, #tpu.memory_space<hbm>>
    tpu.enqueue_indirect_dma source(%dma_start3A_70 : memref<100000x128xf32, #tpu.memory_space<hbm>>) target(%dma_start3A_64 : memref<64x128xf32, #tpu.memory_space<vmem>>) offsets(%dma_start3A_67 : memref<64xi32, #tpu.memory_space<vmem>>) semaphore(%arg12 : memref<!tpu.dma_semaphore, #tpu.memory_space<semaphore_mem>>)
    %dma_start3A_71 = arith.constant 2 : i32
    %dma_start3A_72 = arith.constant 64 : i32
    %dma_start3A_73 = arith.constant 0 : i32
    %dma_start3A_74 = tpu.memref_slice %arg8[%dma_start3A_72, %dma_start3A_73] : memref<128x128xf32, #tpu.memory_space<vmem>> -> memref<64x128xf32, #tpu.memory_space<vmem>>
    %dma_start3A_75 = arith.constant 64 : i32
    %dma_start3A_76 = tpu.memref_slice %arg5[%dma_start3A_71, %dma_start3A_75] : memref<50x128xi32, #tpu.memory_space<vmem>> -> memref<1x64xi32, #tpu.memory_space<vmem>>
    %dma_start3A_77 = tpu.memref_squeeze %dma_start3A_76 : memref<1x64xi32, #tpu.memory_space<vmem>> -> memref<64xi32, #tpu.memory_space<vmem>>
    %dma_start3A_78 = arith.constant 0 : i32
    %dma_start3A_79 = arith.constant 0 : i32
    %dma_start3A_80 = tpu.memref_slice %arg3[%dma_start3A_78, %dma_start3A_79] : memref<100000x128xf32, #tpu.memory_space<hbm>> -> memref<100000x128xf32, #tpu.memory_space<hbm>>
    tpu.enqueue_indirect_dma source(%dma_start3A_80 : memref<100000x128xf32, #tpu.memory_space<hbm>>) target(%dma_start3A_74 : memref<64x128xf32, #tpu.memory_space<vmem>>) offsets(%dma_start3A_77 : memref<64xi32, #tpu.memory_space<vmem>>) semaphore(%arg12 : memref<!tpu.dma_semaphore, #tpu.memory_space<semaphore_mem>>)
    %parallel_loop3A = arith.constant 0 : i32
    %parallel_loop3A_81 = arith.constant 128 : i32
    %parallel_loop3A_82 = arith.constant 1 : i32
    scf.for %parallel_loop3A_347 = %parallel_loop3A to %parallel_loop3A_81 step %parallel_loop3A_82  : i32 {
      %parallel_loop3A_348 = arith.index_cast %parallel_loop3A_347 : i32 to index
      %parallel_loop3A_349 = arith.constant 0 : index
      %parallel_loop3A_350 = tpu.vector_load %arg6[%parallel_loop3A_348, %parallel_loop3A_349] {strides = array<i32>} : memref<128x128xf32, #tpu.memory_space<vmem>>, vector<1x16xf32>,
      %parallel_loop3A_351 = vector.shape_cast %parallel_loop3A_350 : vector<1x16xf32> to vector<16xf32>
      %parallel_loop3A_352 = arith.constant 11.3137083 : f32
      %parallel_loop3A_353 = vector.broadcast %parallel_loop3A_352 : f32 to vector<16xf32>
      %parallel_loop3A_354 = arith.mulf %parallel_loop3A_351, %parallel_loop3A_353 : vector<16xf32>
      %parallel_loop3A_355 = arith.index_cast %parallel_loop3A_347 : i32 to index
      %parallel_loop3A_356 = arith.constant 0 : index
      %parallel_loop3A_357 = tpu.vector_load %arg6[%parallel_loop3A_355, %parallel_loop3A_356] {strides = array<i32>} : memref<128x128xf32, #tpu.memory_space<vmem>>, vector<1x16xf32>,
      %parallel_loop3A_358 = vector.shape_cast %parallel_loop3A_357 : vector<1x16xf32> to vector<16xf32>
      %parallel_loop3A_359 = vector.shape_cast %parallel_loop3A_354 : vector<16xf32> to vector<1x16xf32>
      tpu.vector_store %arg6[%parallel_loop3A_355, %parallel_loop3A_356], %parallel_loop3A_359 {strides = array<i32>} : memref<128x128xf32, #tpu.memory_space<vmem>>, vector<1x16xf32>,
      %parallel_loop3A_360 = arith.index_cast %parallel_loop3A_347 : i32 to index
      %parallel_loop3A_361 = arith.constant 16 : index
      %parallel_loop3A_362 = tpu.vector_load %arg6[%parallel_loop3A_360, %parallel_loop3A_361] {strides = array<i32>} : memref<128x128xf32, #tpu.memory_space<vmem>>, vector<1x16xf32>,
      %parallel_loop3A_363 = vector.shape_cast %parallel_loop3A_362 : vector<1x16xf32> to vector<16xf32>
      %parallel_loop3A_364 = arith.constant 11.3137083 : f32
      %parallel_loop3A_365 = vector.broadcast %parallel_loop3A_364 : f32 to vector<16xf32>
      %parallel_loop3A_366 = arith.mulf %parallel_loop3A_363, %parallel_loop3A_365 : vector<16xf32>
      %parallel_loop3A_367 = arith.index_cast %parallel_loop3A_347 : i32 to index
      %parallel_loop3A_368 = arith.constant 16 : index
      %parallel_loop3A_369 = tpu.vector_load %arg6[%parallel_loop3A_367, %parallel_loop3A_368] {strides = array<i32>} : memref<128x128xf32, #tpu.memory_space<vmem>>, vector<1x16xf32>,
      %parallel_loop3A_370 = vector.shape_cast %parallel_loop3A_369 : vector<1x16xf32> to vector<16xf32>
      %parallel_loop3A_371 = vector.shape_cast %parallel_loop3A_366 : vector<16xf32> to vector<1x16xf32>
      tpu.vector_store %arg6[%parallel_loop3A_367, %parallel_loop3A_368], %parallel_loop3A_371 {strides = array<i32>} : memref<128x128xf32, #tpu.memory_space<vmem>>, vector<1x16xf32>,
      %parallel_loop3A_372 = arith.index_cast %parallel_loop3A_347 : i32 to index
      %parallel_loop3A_373 = arith.constant 32 : index
      %parallel_loop3A_374 = tpu.vector_load %arg6[%parallel_loop3A_372, %parallel_loop3A_373] {strides = array<i32>} : memref<128x128xf32, #tpu.memory_space<vmem>>, vector<1x16xf32>,
      %parallel_loop3A_375 = vector.shape_cast %parallel_loop3A_374 : vector<1x16xf32> to vector<16xf32>
      %parallel_loop3A_376 = arith.constant 11.3137083 : f32
      %parallel_loop3A_377 = vector.broadcast %parallel_loop3A_376 : f32 to vector<16xf32>
      %parallel_loop3A_378 = arith.mulf %parallel_loop3A_375, %parallel_loop3A_377 : vector<16xf32>
      %parallel_loop3A_379 = arith.index_cast %parallel_loop3A_347 : i32 to index
      %parallel_loop3A_380 = arith.constant 32 : index
      %parallel_loop3A_381 = tpu.vector_load %arg6[%parallel_loop3A_379, %parallel_loop3A_380] {strides = array<i32>} : memref<128x128xf32, #tpu.memory_space<vmem>>, vector<1x16xf32>,
      %parallel_loop3A_382 = vector.shape_cast %parallel_loop3A_381 : vector<1x16xf32> to vector<16xf32>
      %parallel_loop3A_383 = vector.shape_cast %parallel_loop3A_378 : vector<16xf32> to vector<1x16xf32>
      tpu.vector_store %arg6[%parallel_loop3A_379, %parallel_loop3A_380], %parallel_loop3A_383 {strides = array<i32>} : memref<128x128xf32, #tpu.memory_space<vmem>>, vector<1x16xf32>,
      %parallel_loop3A_384 = arith.index_cast %parallel_loop3A_347 : i32 to index
      %parallel_loop3A_385 = arith.constant 48 : index
      %parallel_loop3A_386 = tpu.vector_load %arg6[%parallel_loop3A_384, %parallel_loop3A_385] {strides = array<i32>} : memref<128x128xf32, #tpu.memory_space<vmem>>, vector<1x16xf32>,
      %parallel_loop3A_387 = vector.shape_cast %parallel_loop3A_386 : vector<1x16xf32> to vector<16xf32>
      %parallel_loop3A_388 = arith.constant 11.3137083 : f32
      %parallel_loop3A_389 = vector.broadcast %parallel_loop3A_388 : f32 to vector<16xf32>
      %parallel_loop3A_390 = arith.mulf %parallel_loop3A_387, %parallel_loop3A_389 : vector<16xf32>
      %parallel_loop3A_391 = arith.index_cast %parallel_loop3A_347 : i32 to index
      %parallel_loop3A_392 = arith.constant 48 : index
      %parallel_loop3A_393 = tpu.vector_load %arg6[%parallel_loop3A_391, %parallel_loop3A_392] {strides = array<i32>} : memref<128x128xf32, #tpu.memory_space<vmem>>, vector<1x16xf32>,
      %parallel_loop3A_394 = vector.shape_cast %parallel_loop3A_393 : vector<1x16xf32> to vector<16xf32>
      %parallel_loop3A_395 = vector.shape_cast %parallel_loop3A_390 : vector<16xf32> to vector<1x16xf32>
      tpu.vector_store %arg6[%parallel_loop3A_391, %parallel_loop3A_392], %parallel_loop3A_395 {strides = array<i32>} : memref<128x128xf32, #tpu.memory_space<vmem>>, vector<1x16xf32>,
      %parallel_loop3A_396 = arith.index_cast %parallel_loop3A_347 : i32 to index
      %parallel_loop3A_397 = arith.constant 64 : index
      %parallel_loop3A_398 = tpu.vector_load %arg6[%parallel_loop3A_396, %parallel_loop3A_397] {strides = array<i32>} : memref<128x128xf32, #tpu.memory_space<vmem>>, vector<1x16xf32>,
      %parallel_loop3A_399 = vector.shape_cast %parallel_loop3A_398 : vector<1x16xf32> to vector<16xf32>
      %parallel_loop3A_400 = arith.constant 11.3137083 : f32
      %parallel_loop3A_401 = vector.broadcast %parallel_loop3A_400 : f32 to vector<16xf32>
      %parallel_loop3A_402 = arith.mulf %parallel_loop3A_399, %parallel_loop3A_401 : vector<16xf32>
      %parallel_loop3A_403 = arith.index_cast %parallel_loop3A_347 : i32 to index
      %parallel_loop3A_404 = arith.constant 64 : index
      %parallel_loop3A_405 = tpu.vector_load %arg6[%parallel_loop3A_403, %parallel_loop3A_404] {strides = array<i32>} : memref<128x128xf32, #tpu.memory_space<vmem>>, vector<1x16xf32>,
      %parallel_loop3A_406 = vector.shape_cast %parallel_loop3A_405 : vector<1x16xf32> to vector<16xf32>
      %parallel_loop3A_407 = vector.shape_cast %parallel_loop3A_402 : vector<16xf32> to vector<1x16xf32>
      tpu.vector_store %arg6[%parallel_loop3A_403, %parallel_loop3A_404], %parallel_loop3A_407 {strides = array<i32>} : memref<128x128xf32, #tpu.memory_space<vmem>>, vector<1x16xf32>,
      %parallel_loop3A_408 = arith.index_cast %parallel_loop3A_347 : i32 to index
      %parallel_loop3A_409 = arith.constant 80 : index
      %parallel_loop3A_410 = tpu.vector_load %arg6[%parallel_loop3A_408, %parallel_loop3A_409] {strides = array<i32>} : memref<128x128xf32, #tpu.memory_space<vmem>>, vector<1x16xf32>,
      %parallel_loop3A_411 = vector.shape_cast %parallel_loop3A_410 : vector<1x16xf32> to vector<16xf32>
      %parallel_loop3A_412 = arith.constant 11.3137083 : f32
      %parallel_loop3A_413 = vector.broadcast %parallel_loop3A_412 : f32 to vector<16xf32>
      %parallel_loop3A_414 = arith.mulf %parallel_loop3A_411, %parallel_loop3A_413 : vector<16xf32>
      %parallel_loop3A_415 = arith.index_cast %parallel_loop3A_347 : i32 to index
      %parallel_loop3A_416 = arith.constant 80 : index
      %parallel_loop3A_417 = tpu.vector_load %arg6[%parallel_loop3A_415, %parallel_loop3A_416] {strides = array<i32>} : memref<128x128xf32, #tpu.memory_space<vmem>>, vector<1x16xf32>,
      %parallel_loop3A_418 = vector.shape_cast %parallel_loop3A_417 : vector<1x16xf32> to vector<16xf32>
      %parallel_loop3A_419 = vector.shape_cast %parallel_loop3A_414 : vector<16xf32> to vector<1x16xf32>
      tpu.vector_store %arg6[%parallel_loop3A_415, %parallel_loop3A_416], %parallel_loop3A_419 {strides = array<i32>} : memref<128x128xf32, #tpu.memory_space<vmem>>, vector<1x16xf32>,
      %parallel_loop3A_420 = arith.index_cast %parallel_loop3A_347 : i32 to index
      %parallel_loop3A_421 = arith.constant 96 : index
      %parallel_loop3A_422 = tpu.vector_load %arg6[%parallel_loop3A_420, %parallel_loop3A_421] {strides = array<i32>} : memref<128x128xf32, #tpu.memory_space<vmem>>, vector<1x16xf32>,
      %parallel_loop3A_423 = vector.shape_cast %parallel_loop3A_422 : vector<1x16xf32> to vector<16xf32>
      %parallel_loop3A_424 = arith.constant 11.3137083 : f32
      %parallel_loop3A_425 = vector.broadcast %parallel_loop3A_424 : f32 to vector<16xf32>
      %parallel_loop3A_426 = arith.mulf %parallel_loop3A_423, %parallel_loop3A_425 : vector<16xf32>
      %parallel_loop3A_427 = arith.index_cast %parallel_loop3A_347 : i32 to index
      %parallel_loop3A_428 = arith.constant 96 : index
      %parallel_loop3A_429 = tpu.vector_load %arg6[%parallel_loop3A_427, %parallel_loop3A_428] {strides = array<i32>} : memref<128x128xf32, #tpu.memory_space<vmem>>, vector<1x16xf32>,
      %parallel_loop3A_430 = vector.shape_cast %parallel_loop3A_429 : vector<1x16xf32> to vector<16xf32>
      %parallel_loop3A_431 = vector.shape_cast %parallel_loop3A_426 : vector<16xf32> to vector<1x16xf32>
      tpu.vector_store %arg6[%parallel_loop3A_427, %parallel_loop3A_428], %parallel_loop3A_431 {strides = array<i32>} : memref<128x128xf32, #tpu.memory_space<vmem>>, vector<1x16xf32>,
      %parallel_loop3A_432 = arith.index_cast %parallel_loop3A_347 : i32 to index
      %parallel_loop3A_433 = arith.constant 112 : index
      %parallel_loop3A_434 = tpu.vector_load %arg6[%parallel_loop3A_432, %parallel_loop3A_433] {strides = array<i32>} : memref<128x128xf32, #tpu.memory_space<vmem>>, vector<1x16xf32>,
      %parallel_loop3A_435 = vector.shape_cast %parallel_loop3A_434 : vector<1x16xf32> to vector<16xf32>
      %parallel_loop3A_436 = arith.constant 11.3137083 : f32
      %parallel_loop3A_437 = vector.broadcast %parallel_loop3A_436 : f32 to vector<16xf32>
      %parallel_loop3A_438 = arith.mulf %parallel_loop3A_435, %parallel_loop3A_437 : vector<16xf32>
      %parallel_loop3A_439 = arith.index_cast %parallel_loop3A_347 : i32 to index
      %parallel_loop3A_440 = arith.constant 112 : index
      %parallel_loop3A_441 = tpu.vector_load %arg6[%parallel_loop3A_439, %parallel_loop3A_440] {strides = array<i32>} : memref<128x128xf32, #tpu.memory_space<vmem>>, vector<1x16xf32>,
      %parallel_loop3A_442 = vector.shape_cast %parallel_loop3A_441 : vector<1x16xf32> to vector<16xf32>
      %parallel_loop3A_443 = vector.shape_cast %parallel_loop3A_438 : vector<16xf32> to vector<1x16xf32>
      tpu.vector_store %arg6[%parallel_loop3A_439, %parallel_loop3A_440], %parallel_loop3A_443 {strides = array<i32>} : memref<128x128xf32, #tpu.memory_space<vmem>>, vector<1x16xf32>,
    } {sc.loop_unroll_factor = 2 : i64, sc.parallel_access}
    %dma_start3A_83 = arith.constant 0 : i32
    %dma_start3A_84 = arith.constant 0 : i32
    %dma_start3A_85 = tpu.memref_slice %arg4[%dma_start3A_83, %mul3A_2, %dma_start3A_84] : memref<50x4096x128xf32, #tpu.memory_space<hbm>> -> memref<1x128x128xf32, #tpu.memory_space<hbm>>
    %dma_start3A_86 = tpu.memref_squeeze %dma_start3A_85 : memref<1x128x128xf32, #tpu.memory_space<hbm>> -> memref<128x128xf32, #tpu.memory_space<hbm>>
    %dma_start3A_87 = arith.constant 0 : i32
    %dma_start3A_88 = tpu.memref_slice %arg4[%dma_start3A_83, %mul3A_2, %dma_start3A_87] : memref<50x4096x128xf32, #tpu.memory_space<hbm>> -> memref<1x128x128xf32, #tpu.memory_space<hbm>>
    %dma_start3A_89 = tpu.memref_squeeze %dma_start3A_88 : memref<1x128x128xf32, #tpu.memory_space<hbm>> -> memref<128x128xf32, #tpu.memory_space<hbm>>
    tpu.enqueue_dma source(%arg6 : memref<128x128xf32, #tpu.memory_space<vmem>>) target(%dma_start3A_89 : memref<128x128xf32, #tpu.memory_space<hbm>>) target_semaphore(%arg14 : memref<!tpu.dma_semaphore, #tpu.memory_space<semaphore_mem>>)
    %dma_wait3A_90 = arith.constant 1 : i32
    %dma_wait3A_91 = arith.constant 0 : i32
    %dma_wait3A_92 = arith.constant 0 : i32
    %dma_wait3A_93 = tpu.memref_slice %arg7[%dma_wait3A_91, %dma_wait3A_92] : memref<128x128xf32, #tpu.memory_space<vmem>> -> memref<64x128xf32, #tpu.memory_space<vmem>>
    %dma_wait3A_94 = arith.constant 0 : i32
    %dma_wait3A_95 = tpu.memref_slice %arg5[%dma_wait3A_90, %dma_wait3A_94] : memref<50x128xi32, #tpu.memory_space<vmem>> -> memref<1x64xi32, #tpu.memory_space<vmem>>
    %dma_wait3A_96 = tpu.memref_squeeze %dma_wait3A_95 : memref<1x64xi32, #tpu.memory_space<vmem>> -> memref<64xi32, #tpu.memory_space<vmem>>
    %dma_wait3A_97 = arith.constant 0 : i32
    %dma_wait3A_98 = arith.constant 0 : i32
    %dma_wait3A_99 = tpu.memref_slice %arg3[%dma_wait3A_97, %dma_wait3A_98] : memref<100000x128xf32, #tpu.memory_space<hbm>> -> memref<100000x128xf32, #tpu.memory_space<hbm>>
    tpu.wait_indirect_dma semaphore(%arg11 : memref<!tpu.dma_semaphore, #tpu.memory_space<semaphore_mem>>) src(%dma_wait3A_99 : memref<100000x128xf32, #tpu.memory_space<hbm>>) dst(%dma_wait3A_93 : memref<64x128xf32, #tpu.memory_space<vmem>>)
    %dma_wait3A_100 = arith.constant 1 : i32
    %dma_wait3A_101 = arith.constant 64 : i32
    %dma_wait3A_102 = arith.constant 0 : i32
    %dma_wait3A_103 = tpu.memref_slice %arg7[%dma_wait3A_101, %dma_wait3A_102] : memref<128x128xf32, #tpu.memory_space<vmem>> -> memref<64x128xf32, #tpu.memory_space<vmem>>
    %dma_wait3A_104 = arith.constant 64 : i32
    %dma_wait3A_105 = tpu.memref_slice %arg5[%dma_wait3A_100, %dma_wait3A_104] : memref<50x128xi32, #tpu.memory_space<vmem>> -> memref<1x64xi32, #tpu.memory_space<vmem>>
    %dma_wait3A_106 = tpu.memref_squeeze %dma_wait3A_105 : memref<1x64xi32, #tpu.memory_space<vmem>> -> memref<64xi32, #tpu.memory_space<vmem>>
    %dma_wait3A_107 = arith.constant 0 : i32
    %dma_wait3A_108 = arith.constant 0 : i32
    %dma_wait3A_109 = tpu.memref_slice %arg3[%dma_wait3A_107, %dma_wait3A_108] : memref<100000x128xf32, #tpu.memory_space<hbm>> -> memref<100000x128xf32, #tpu.memory_space<hbm>>
    tpu.wait_indirect_dma semaphore(%arg11 : memref<!tpu.dma_semaphore, #tpu.memory_space<semaphore_mem>>) src(%dma_wait3A_109 : memref<100000x128xf32, #tpu.memory_space<hbm>>) dst(%dma_wait3A_103 : memref<64x128xf32, #tpu.memory_space<vmem>>)
    %dma_start3A_110 = arith.constant 3 : i32
    %dma_start3A_111 = arith.constant 0 : i32
    %dma_start3A_112 = arith.constant 0 : i32
    %dma_start3A_113 = tpu.memref_slice %arg9[%dma_start3A_111, %dma_start3A_112] : memref<128x128xf32, #tpu.memory_space<vmem>> -> memref<64x128xf32, #tpu.memory_space<vmem>>
    %dma_start3A_114 = arith.constant 0 : i32
    %dma_start3A_115 = tpu.memref_slice %arg5[%dma_start3A_110, %dma_start3A_114] : memref<50x128xi32, #tpu.memory_space<vmem>> -> memref<1x64xi32, #tpu.memory_space<vmem>>
    %dma_start3A_116 = tpu.memref_squeeze %dma_start3A_115 : memref<1x64xi32, #tpu.memory_space<vmem>> -> memref<64xi32, #tpu.memory_space<vmem>>
    %dma_start3A_117 = arith.constant 0 : i32
    %dma_start3A_118 = arith.constant 0 : i32
    %dma_start3A_119 = tpu.memref_slice %arg3[%dma_start3A_117, %dma_start3A_118] : memref<100000x128xf32, #tpu.memory_space<hbm>> -> memref<100000x128xf32, #tpu.memory_space<hbm>>
    tpu.enqueue_indirect_dma source(%dma_start3A_119 : memref<100000x128xf32, #tpu.memory_space<hbm>>) target(%dma_start3A_113 : memref<64x128xf32, #tpu.memory_space<vmem>>) offsets(%dma_start3A_116 : memref<64xi32, #tpu.memory_space<vmem>>) semaphore(%arg13 : memref<!tpu.dma_semaphore, #tpu.memory_space<semaphore_mem>>)
    %dma_start3A_120 = arith.constant 3 : i32
    %dma_start3A_121 = arith.constant 64 : i32
    %dma_start3A_122 = arith.constant 0 : i32
    %dma_start3A_123 = tpu.memref_slice %arg9[%dma_start3A_121, %dma_start3A_122] : memref<128x128xf32, #tpu.memory_space<vmem>> -> memref<64x128xf32, #tpu.memory_space<vmem>>
    %dma_start3A_124 = arith.constant 64 : i32
    %dma_start3A_125 = tpu.memref_slice %arg5[%dma_start3A_120, %dma_start3A_124] : memref<50x128xi32, #tpu.memory_space<vmem>> -> memref<1x64xi32, #tpu.memory_space<vmem>>
    %dma_start3A_126 = tpu.memref_squeeze %dma_start3A_125 : memref<1x64xi32, #tpu.memory_space<vmem>> -> memref<64xi32, #tpu.memory_space<vmem>>
    %dma_start3A_127 = arith.constant 0 : i32
    %dma_start3A_128 = arith.constant 0 : i32
    %dma_start3A_129 = tpu.memref_slice %arg3[%dma_start3A_127, %dma_start3A_128] : memref<100000x128xf32, #tpu.memory_space<hbm>> -> memref<100000x128xf32, #tpu.memory_space<hbm>>
    tpu.enqueue_indirect_dma source(%dma_start3A_129 : memref<100000x128xf32, #tpu.memory_space<hbm>>) target(%dma_start3A_123 : memref<64x128xf32, #tpu.memory_space<vmem>>) offsets(%dma_start3A_126 : memref<64xi32, #tpu.memory_space<vmem>>) semaphore(%arg13 : memref<!tpu.dma_semaphore, #tpu.memory_space<semaphore_mem>>)
    %parallel_loop3A_130 = arith.constant 0 : i32
    %parallel_loop3A_131 = arith.constant 128 : i32
    %parallel_loop3A_132 = arith.constant 1 : i32
    scf.for %parallel_loop3A_347 = %parallel_loop3A_130 to %parallel_loop3A_131 step %parallel_loop3A_132  : i32 {
      %parallel_loop3A_348 = arith.index_cast %parallel_loop3A_347 : i32 to index
      %parallel_loop3A_349 = arith.constant 0 : index
      %parallel_loop3A_350 = tpu.vector_load %arg7[%parallel_loop3A_348, %parallel_loop3A_349] {strides = array<i32>} : memref<128x128xf32, #tpu.memory_space<vmem>>, vector<1x16xf32>,
      %parallel_loop3A_351 = vector.shape_cast %parallel_loop3A_350 : vector<1x16xf32> to vector<16xf32>
      %parallel_loop3A_352 = arith.constant 11.3137083 : f32
      %parallel_loop3A_353 = vector.broadcast %parallel_loop3A_352 : f32 to vector<16xf32>
      %parallel_loop3A_354 = arith.mulf %parallel_loop3A_351, %parallel_loop3A_353 : vector<16xf32>
      %parallel_loop3A_355 = arith.index_cast %parallel_loop3A_347 : i32 to index
      %parallel_loop3A_356 = arith.constant 0 : index
      %parallel_loop3A_357 = tpu.vector_load %arg7[%parallel_loop3A_355, %parallel_loop3A_356] {strides = array<i32>} : memref<128x128xf32, #tpu.memory_space<vmem>>, vector<1x16xf32>,
      %parallel_loop3A_358 = vector.shape_cast %parallel_loop3A_357 : vector<1x16xf32> to vector<16xf32>
      %parallel_loop3A_359 = vector.shape_cast %parallel_loop3A_354 : vector<16xf32> to vector<1x16xf32>
      tpu.vector_store %arg7[%parallel_loop3A_355, %parallel_loop3A_356], %parallel_loop3A_359 {strides = array<i32>} : memref<128x128xf32, #tpu.memory_space<vmem>>, vector<1x16xf32>,
      %parallel_loop3A_360 = arith.index_cast %parallel_loop3A_347 : i32 to index
      %parallel_loop3A_361 = arith.constant 16 : index
      %parallel_loop3A_362 = tpu.vector_load %arg7[%parallel_loop3A_360, %parallel_loop3A_361] {strides = array<i32>} : memref<128x128xf32, #tpu.memory_space<vmem>>, vector<1x16xf32>,
      %parallel_loop3A_363 = vector.shape_cast %parallel_loop3A_362 : vector<1x16xf32> to vector<16xf32>
      %parallel_loop3A_364 = arith.constant 11.3137083 : f32
      %parallel_loop3A_365 = vector.broadcast %parallel_loop3A_364 : f32 to vector<16xf32>
      %parallel_loop3A_366 = arith.mulf %parallel_loop3A_363, %parallel_loop3A_365 : vector<16xf32>
      %parallel_loop3A_367 = arith.index_cast %parallel_loop3A_347 : i32 to index
      %parallel_loop3A_368 = arith.constant 16 : index
      %parallel_loop3A_369 = tpu.vector_load %arg7[%parallel_loop3A_367, %parallel_loop3A_368] {strides = array<i32>} : memref<128x128xf32, #tpu.memory_space<vmem>>, vector<1x16xf32>,
      %parallel_loop3A_370 = vector.shape_cast %parallel_loop3A_369 : vector<1x16xf32> to vector<16xf32>
      %parallel_loop3A_371 = vector.shape_cast %parallel_loop3A_366 : vector<16xf32> to vector<1x16xf32>
      tpu.vector_store %arg7[%parallel_loop3A_367, %parallel_loop3A_368], %parallel_loop3A_371 {strides = array<i32>} : memref<128x128xf32, #tpu.memory_space<vmem>>, vector<1x16xf32>,
      %parallel_loop3A_372 = arith.index_cast %parallel_loop3A_347 : i32 to index
      %parallel_loop3A_373 = arith.constant 32 : index
      %parallel_loop3A_374 = tpu.vector_load %arg7[%parallel_loop3A_372, %parallel_loop3A_373] {strides = array<i32>} : memref<128x128xf32, #tpu.memory_space<vmem>>, vector<1x16xf32>,
      %parallel_loop3A_375 = vector.shape_cast %parallel_loop3A_374 : vector<1x16xf32> to vector<16xf32>
      %parallel_loop3A_376 = arith.constant 11.3137083 : f32
      %parallel_loop3A_377 = vector.broadcast %parallel_loop3A_376 : f32 to vector<16xf32>
      %parallel_loop3A_378 = arith.mulf %parallel_loop3A_375, %parallel_loop3A_377 : vector<16xf32>
      %parallel_loop3A_379 = arith.index_cast %parallel_loop3A_347 : i32 to index
      %parallel_loop3A_380 = arith.constant 32 : index
      %parallel_loop3A_381 = tpu.vector_load %arg7[%parallel_loop3A_379, %parallel_loop3A_380] {strides = array<i32>} : memref<128x128xf32, #tpu.memory_space<vmem>>, vector<1x16xf32>,
      %parallel_loop3A_382 = vector.shape_cast %parallel_loop3A_381 : vector<1x16xf32> to vector<16xf32>
      %parallel_loop3A_383 = vector.shape_cast %parallel_loop3A_378 : vector<16xf32> to vector<1x16xf32>
      tpu.vector_store %arg7[%parallel_loop3A_379, %parallel_loop3A_380], %parallel_loop3A_383 {strides = array<i32>} : memref<128x128xf32, #tpu.memory_space<vmem>>, vector<1x16xf32>,
      %parallel_loop3A_384 = arith.index_cast %parallel_loop3A_347 : i32 to index
      %parallel_loop3A_385 = arith.constant 48 : index
      %parallel_loop3A_386 = tpu.vector_load %arg7[%parallel_loop3A_384, %parallel_loop3A_385] {strides = array<i32>} : memref<128x128xf32, #tpu.memory_space<vmem>>, vector<1x16xf32>,
      %parallel_loop3A_387 = vector.shape_cast %parallel_loop3A_386 : vector<1x16xf32> to vector<16xf32>
      %parallel_loop3A_388 = arith.constant 11.3137083 : f32
      %parallel_loop3A_389 = vector.broadcast %parallel_loop3A_388 : f32 to vector<16xf32>
      %parallel_loop3A_390 = arith.mulf %parallel_loop3A_387, %parallel_loop3A_389 : vector<16xf32>
      %parallel_loop3A_391 = arith.index_cast %parallel_loop3A_347 : i32 to index
      %parallel_loop3A_392 = arith.constant 48 : index
      %parallel_loop3A_393 = tpu.vector_load %arg7[%parallel_loop3A_391, %parallel_loop3A_392] {strides = array<i32>} : memref<128x128xf32, #tpu.memory_space<vmem>>, vector<1x16xf32>,
      %parallel_loop3A_394 = vector.shape_cast %parallel_loop3A_393 : vector<1x16xf32> to vector<16xf32>
      %parallel_loop3A_395 = vector.shape_cast %parallel_loop3A_390 : vector<16xf32> to vector<1x16xf32>
      tpu.vector_store %arg7[%parallel_loop3A_391, %parallel_loop3A_392], %parallel_loop3A_395 {strides = array<i32>} : memref<128x128xf32, #tpu.memory_space<vmem>>, vector<1x16xf32>,
      %parallel_loop3A_396 = arith.index_cast %parallel_loop3A_347 : i32 to index
      %parallel_loop3A_397 = arith.constant 64 : index
      %parallel_loop3A_398 = tpu.vector_load %arg7[%parallel_loop3A_396, %parallel_loop3A_397] {strides = array<i32>} : memref<128x128xf32, #tpu.memory_space<vmem>>, vector<1x16xf32>,
      %parallel_loop3A_399 = vector.shape_cast %parallel_loop3A_398 : vector<1x16xf32> to vector<16xf32>
      %parallel_loop3A_400 = arith.constant 11.3137083 : f32
      %parallel_loop3A_401 = vector.broadcast %parallel_loop3A_400 : f32 to vector<16xf32>
      %parallel_loop3A_402 = arith.mulf %parallel_loop3A_399, %parallel_loop3A_401 : vector<16xf32>
      %parallel_loop3A_403 = arith.index_cast %parallel_loop3A_347 : i32 to index
      %parallel_loop3A_404 = arith.constant 64 : index
      %parallel_loop3A_405 = tpu.vector_load %arg7[%parallel_loop3A_403, %parallel_loop3A_404] {strides = array<i32>} : memref<128x128xf32, #tpu.memory_space<vmem>>, vector<1x16xf32>,
      %parallel_loop3A_406 = vector.shape_cast %parallel_loop3A_405 : vector<1x16xf32> to vector<16xf32>
      %parallel_loop3A_407 = vector.shape_cast %parallel_loop3A_402 : vector<16xf32> to vector<1x16xf32>
      tpu.vector_store %arg7[%parallel_loop3A_403, %parallel_loop3A_404], %parallel_loop3A_407 {strides = array<i32>} : memref<128x128xf32, #tpu.memory_space<vmem>>, vector<1x16xf32>,
      %parallel_loop3A_408 = arith.index_cast %parallel_loop3A_347 : i32 to index
      %parallel_loop3A_409 = arith.constant 80 : index
      %parallel_loop3A_410 = tpu.vector_load %arg7[%parallel_loop3A_408, %parallel_loop3A_409] {strides = array<i32>} : memref<128x128xf32, #tpu.memory_space<vmem>>, vector<1x16xf32>,
      %parallel_loop3A_411 = vector.shape_cast %parallel_loop3A_410 : vector<1x16xf32> to vector<16xf32>
      %parallel_loop3A_412 = arith.constant 11.3137083 : f32
      %parallel_loop3A_413 = vector.broadcast %parallel_loop3A_412 : f32 to vector<16xf32>
      %parallel_loop3A_414 = arith.mulf %parallel_loop3A_411, %parallel_loop3A_413 : vector<16xf32>
      %parallel_loop3A_415 = arith.index_cast %parallel_loop3A_347 : i32 to index
      %parallel_loop3A_416 = arith.constant 80 : index
      %parallel_loop3A_417 = tpu.vector_load %arg7[%parallel_loop3A_415, %parallel_loop3A_416] {strides = array<i32>} : memref<128x128xf32, #tpu.memory_space<vmem>>, vector<1x16xf32>,
      %parallel_loop3A_418 = vector.shape_cast %parallel_loop3A_417 : vector<1x16xf32> to vector<16xf32>
      %parallel_loop3A_419 = vector.shape_cast %parallel_loop3A_414 : vector<16xf32> to vector<1x16xf32>
      tpu.vector_store %arg7[%parallel_loop3A_415, %parallel_loop3A_416], %parallel_loop3A_419 {strides = array<i32>} : memref<128x128xf32, #tpu.memory_space<vmem>>, vector<1x16xf32>,
      %parallel_loop3A_420 = arith.index_cast %parallel_loop3A_347 : i32 to index
      %parallel_loop3A_421 = arith.constant 96 : index
      %parallel_loop3A_422 = tpu.vector_load %arg7[%parallel_loop3A_420, %parallel_loop3A_421] {strides = array<i32>} : memref<128x128xf32, #tpu.memory_space<vmem>>, vector<1x16xf32>,
      %parallel_loop3A_423 = vector.shape_cast %parallel_loop3A_422 : vector<1x16xf32> to vector<16xf32>
      %parallel_loop3A_424 = arith.constant 11.3137083 : f32
      %parallel_loop3A_425 = vector.broadcast %parallel_loop3A_424 : f32 to vector<16xf32>
      %parallel_loop3A_426 = arith.mulf %parallel_loop3A_423, %parallel_loop3A_425 : vector<16xf32>
      %parallel_loop3A_427 = arith.index_cast %parallel_loop3A_347 : i32 to index
      %parallel_loop3A_428 = arith.constant 96 : index
      %parallel_loop3A_429 = tpu.vector_load %arg7[%parallel_loop3A_427, %parallel_loop3A_428] {strides = array<i32>} : memref<128x128xf32, #tpu.memory_space<vmem>>, vector<1x16xf32>,
      %parallel_loop3A_430 = vector.shape_cast %parallel_loop3A_429 : vector<1x16xf32> to vector<16xf32>
      %parallel_loop3A_431 = vector.shape_cast %parallel_loop3A_426 : vector<16xf32> to vector<1x16xf32>
      tpu.vector_store %arg7[%parallel_loop3A_427, %parallel_loop3A_428], %parallel_loop3A_431 {strides = array<i32>} : memref<128x128xf32, #tpu.memory_space<vmem>>, vector<1x16xf32>,
      %parallel_loop3A_432 = arith.index_cast %parallel_loop3A_347 : i32 to index
      %parallel_loop3A_433 = arith.constant 112 : index
      %parallel_loop3A_434 = tpu.vector_load %arg7[%parallel_loop3A_432, %parallel_loop3A_433] {strides = array<i32>} : memref<128x128xf32, #tpu.memory_space<vmem>>, vector<1x16xf32>,
      %parallel_loop3A_435 = vector.shape_cast %parallel_loop3A_434 : vector<1x16xf32> to vector<16xf32>
      %parallel_loop3A_436 = arith.constant 11.3137083 : f32
      %parallel_loop3A_437 = vector.broadcast %parallel_loop3A_436 : f32 to vector<16xf32>
      %parallel_loop3A_438 = arith.mulf %parallel_loop3A_435, %parallel_loop3A_437 : vector<16xf32>
      %parallel_loop3A_439 = arith.index_cast %parallel_loop3A_347 : i32 to index
      %parallel_loop3A_440 = arith.constant 112 : index
      %parallel_loop3A_441 = tpu.vector_load %arg7[%parallel_loop3A_439, %parallel_loop3A_440] {strides = array<i32>} : memref<128x128xf32, #tpu.memory_space<vmem>>, vector<1x16xf32>,
      %parallel_loop3A_442 = vector.shape_cast %parallel_loop3A_441 : vector<1x16xf32> to vector<16xf32>
      %parallel_loop3A_443 = vector.shape_cast %parallel_loop3A_438 : vector<16xf32> to vector<1x16xf32>
      tpu.vector_store %arg7[%parallel_loop3A_439, %parallel_loop3A_440], %parallel_loop3A_443 {strides = array<i32>} : memref<128x128xf32, #tpu.memory_space<vmem>>, vector<1x16xf32>,
    } {sc.loop_unroll_factor = 2 : i64, sc.parallel_access}
    %dma_start3A_133 = arith.constant 1 : i32
    %dma_start3A_134 = arith.constant 0 : i32
    %dma_start3A_135 = tpu.memref_slice %arg4[%dma_start3A_133, %mul3A_2, %dma_start3A_134] : memref<50x4096x128xf32, #tpu.memory_space<hbm>> -> memref<1x128x128xf32, #tpu.memory_space<hbm>>
    %dma_start3A_136 = tpu.memref_squeeze %dma_start3A_135 : memref<1x128x128xf32, #tpu.memory_space<hbm>> -> memref<128x128xf32, #tpu.memory_space<hbm>>
    %dma_start3A_137 = arith.constant 0 : i32
    %dma_start3A_138 = tpu.memref_slice %arg4[%dma_start3A_133, %mul3A_2, %dma_start3A_137] : memref<50x4096x128xf32, #tpu.memory_space<hbm>> -> memref<1x128x128xf32, #tpu.memory_space<hbm>>
    %dma_start3A_139 = tpu.memref_squeeze %dma_start3A_138 : memref<1x128x128xf32, #tpu.memory_space<hbm>> -> memref<128x128xf32, #tpu.memory_space<hbm>>
    tpu.enqueue_dma source(%arg7 : memref<128x128xf32, #tpu.memory_space<vmem>>) target(%dma_start3A_139 : memref<128x128xf32, #tpu.memory_space<hbm>>) target_semaphore(%arg15 : memref<!tpu.dma_semaphore, #tpu.memory_space<semaphore_mem>>)
    %dma_wait3A_140 = arith.constant 2 : i32
    %dma_wait3A_141 = arith.constant 0 : i32
    %dma_wait3A_142 = arith.constant 0 : i32
    %dma_wait3A_143 = tpu.memref_slice %arg8[%dma_wait3A_141, %dma_wait3A_142] : memref<128x128xf32, #tpu.memory_space<vmem>> -> memref<64x128xf32, #tpu.memory_space<vmem>>
    %dma_wait3A_144 = arith.constant 0 : i32
    %dma_wait3A_145 = tpu.memref_slice %arg5[%dma_wait3A_140, %dma_wait3A_144] : memref<50x128xi32, #tpu.memory_space<vmem>> -> memref<1x64xi32, #tpu.memory_space<vmem>>
    %dma_wait3A_146 = tpu.memref_squeeze %dma_wait3A_145 : memref<1x64xi32, #tpu.memory_space<vmem>> -> memref<64xi32, #tpu.memory_space<vmem>>
    %dma_wait3A_147 = arith.constant 0 : i32
    %dma_wait3A_148 = arith.constant 0 : i32
    %dma_wait3A_149 = tpu.memref_slice %arg3[%dma_wait3A_147, %dma_wait3A_148] : memref<100000x128xf32, #tpu.memory_space<hbm>> -> memref<100000x128xf32, #tpu.memory_space<hbm>>
    tpu.wait_indirect_dma semaphore(%arg12 : memref<!tpu.dma_semaphore, #tpu.memory_space<semaphore_mem>>) src(%dma_wait3A_149 : memref<100000x128xf32, #tpu.memory_space<hbm>>) dst(%dma_wait3A_143 : memref<64x128xf32, #tpu.memory_space<vmem>>)
    %dma_wait3A_150 = arith.constant 2 : i32
    %dma_wait3A_151 = arith.constant 64 : i32
    %dma_wait3A_152 = arith.constant 0 : i32
    %dma_wait3A_153 = tpu.memref_slice %arg8[%dma_wait3A_151, %dma_wait3A_152] : memref<128x128xf32, #tpu.memory_space<vmem>> -> memref<64x128xf32, #tpu.memory_space<vmem>>
    %dma_wait3A_154 = arith.constant 64 : i32
    %dma_wait3A_155 = tpu.memref_slice %arg5[%dma_wait3A_150, %dma_wait3A_154] : memref<50x128xi32, #tpu.memory_space<vmem>> -> memref<1x64xi32, #tpu.memory_space<vmem>>
    %dma_wait3A_156 = tpu.memref_squeeze %dma_wait3A_155 : memref<1x64xi32, #tpu.memory_space<vmem>> -> memref<64xi32, #tpu.memory_space<vmem>>
    %dma_wait3A_157 = arith.constant 0 : i32
    %dma_wait3A_158 = arith.constant 0 : i32
    %dma_wait3A_159 = tpu.memref_slice %arg3[%dma_wait3A_157, %dma_wait3A_158] : memref<100000x128xf32, #tpu.memory_space<hbm>> -> memref<100000x128xf32, #tpu.memory_space<hbm>>
    tpu.wait_indirect_dma semaphore(%arg12 : memref<!tpu.dma_semaphore, #tpu.memory_space<semaphore_mem>>) src(%dma_wait3A_159 : memref<100000x128xf32, #tpu.memory_space<hbm>>) dst(%dma_wait3A_153 : memref<64x128xf32, #tpu.memory_space<vmem>>)
    %dma_wait3A_160 = arith.constant 0 : i32
    %dma_wait3A_161 = arith.constant 0 : i32
    %dma_wait3A_162 = tpu.memref_slice %arg4[%dma_wait3A_160, %mul3A_2, %dma_wait3A_161] : memref<50x4096x128xf32, #tpu.memory_space<hbm>> -> memref<1x128x128xf32, #tpu.memory_space<hbm>>
    %dma_wait3A_163 = tpu.memref_squeeze %dma_wait3A_162 : memref<1x128x128xf32, #tpu.memory_space<hbm>> -> memref<128x128xf32, #tpu.memory_space<hbm>>
    %dma_wait3A_164 = arith.constant 0 : i32
    %dma_wait3A_165 = tpu.memref_slice %arg4[%dma_wait3A_160, %mul3A_2, %dma_wait3A_164] : memref<50x4096x128xf32, #tpu.memory_space<hbm>> -> memref<1x128x128xf32, #tpu.memory_space<hbm>>
    %dma_wait3A_166 = tpu.memref_squeeze %dma_wait3A_165 : memref<1x128x128xf32, #tpu.memory_space<hbm>> -> memref<128x128xf32, #tpu.memory_space<hbm>>
    tpu.wait_dma2 semaphore(%arg14 : memref<!tpu.dma_semaphore, #tpu.memory_space<semaphore_mem>>) src(%arg6 : memref<128x128xf32, #tpu.memory_space<vmem>>) dst(%dma_wait3A_166 : memref<128x128xf32, #tpu.memory_space<hbm>>)
    %dma_start3A_167 = arith.constant 4 : i32
    %dma_start3A_168 = arith.constant 0 : i32
    %dma_start3A_169 = arith.constant 0 : i32
    %dma_start3A_170 = tpu.memref_slice %arg6[%dma_start3A_168, %dma_start3A_169] : memref<128x128xf32, #tpu.memory_space<vmem>> -> memref<64x128xf32, #tpu.memory_space<vmem>>
    %dma_start3A_171 = arith.constant 0 : i32
    %dma_start3A_172 = tpu.memref_slice %arg5[%dma_start3A_167, %dma_start3A_171] : memref<50x128xi32, #tpu.memory_space<vmem>> -> memref<1x64xi32, #tpu.memory_space<vmem>>
    %dma_start3A_173 = tpu.memref_squeeze %dma_start3A_172 : memref<1x64xi32, #tpu.memory_space<vmem>> -> memref<64xi32, #tpu.memory_space<vmem>>
    %dma_start3A_174 = arith.constant 0 : i32
    %dma_start3A_175 = arith.constant 0 : i32
    %dma_start3A_176 = tpu.memref_slice %arg3[%dma_start3A_174, %dma_start3A_175] : memref<100000x128xf32, #tpu.memory_space<hbm>> -> memref<100000x128xf32, #tpu.memory_space<hbm>>
    tpu.enqueue_indirect_dma source(%dma_start3A_176 : memref<100000x128xf32, #tpu.memory_space<hbm>>) target(%dma_start3A_170 : memref<64x128xf32, #tpu.memory_space<vmem>>) offsets(%dma_start3A_173 : memref<64xi32, #tpu.memory_space<vmem>>) semaphore(%arg10 : memref<!tpu.dma_semaphore, #tpu.memory_space<semaphore_mem>>)
    %dma_start3A_177 = arith.constant 4 : i32
    %dma_start3A_178 = arith.constant 64 : i32
    %dma_start3A_179 = arith.constant 0 : i32
    %dma_start3A_180 = tpu.memref_slice %arg6[%dma_start3A_178, %dma_start3A_179] : memref<128x128xf32, #tpu.memory_space<vmem>> -> memref<64x128xf32, #tpu.memory_space<vmem>>
    %dma_start3A_181 = arith.constant 64 : i32
    %dma_start3A_182 = tpu.memref_slice %arg5[%dma_start3A_177, %dma_start3A_181] : memref<50x128xi32, #tpu.memory_space<vmem>> -> memref<1x64xi32, #tpu.memory_space<vmem>>
    %dma_start3A_183 = tpu.memref_squeeze %dma_start3A_182 : memref<1x64xi32, #tpu.memory_space<vmem>> -> memref<64xi32, #tpu.memory_space<vmem>>
    %dma_start3A_184 = arith.constant 0 : i32
    %dma_start3A_185 = arith.constant 0 : i32
    %dma_start3A_186 = tpu.memref_slice %arg3[%dma_start3A_184, %dma_start3A_185] : memref<100000x128xf32, #tpu.memory_space<hbm>> -> memref<100000x128xf32, #tpu.memory_space<hbm>>
    tpu.enqueue_indirect_dma source(%dma_start3A_186 : memref<100000x128xf32, #tpu.memory_space<hbm>>) target(%dma_start3A_180 : memref<64x128xf32, #tpu.memory_space<vmem>>) offsets(%dma_start3A_183 : memref<64xi32, #tpu.memory_space<vmem>>) semaphore(%arg10 : memref<!tpu.dma_semaphore, #tpu.memory_space<semaphore_mem>>)
    %parallel_loop3A_187 = arith.constant 0 : i32
    %parallel_loop3A_188 = arith.constant 128 : i32
    %parallel_loop3A_189 = arith.constant 1 : i32
    scf.for %parallel_loop3A_347 = %parallel_loop3A_187 to %parallel_loop3A_188 step %parallel_loop3A_189  : i32 {
      %parallel_loop3A_348 = arith.index_cast %parallel_loop3A_347 : i32 to index
      %parallel_loop3A_349 = arith.constant 0 : index
      %parallel_loop3A_350 = tpu.vector_load %arg8[%parallel_loop3A_348, %parallel_loop3A_349] {strides = array<i32>} : memref<128x128xf32, #tpu.memory_space<vmem>>, vector<1x16xf32>,
      %parallel_loop3A_351 = vector.shape_cast %parallel_loop3A_350 : vector<1x16xf32> to vector<16xf32>
      %parallel_loop3A_352 = arith.constant 11.3137083 : f32
      %parallel_loop3A_353 = vector.broadcast %parallel_loop3A_352 : f32 to vector<16xf32>
      %parallel_loop3A_354 = arith.mulf %parallel_loop3A_351, %parallel_loop3A_353 : vector<16xf32>
      %parallel_loop3A_355 = arith.index_cast %parallel_loop3A_347 : i32 to index
      %parallel_loop3A_356 = arith.constant 0 : index
      %parallel_loop3A_357 = tpu.vector_load %arg8[%parallel_loop3A_355, %parallel_loop3A_356] {strides = array<i32>} : memref<128x128xf32, #tpu.memory_space<vmem>>, vector<1x16xf32>,
      %parallel_loop3A_358 = vector.shape_cast %parallel_loop3A_357 : vector<1x16xf32> to vector<16xf32>
      %parallel_loop3A_359 = vector.shape_cast %parallel_loop3A_354 : vector<16xf32> to vector<1x16xf32>
      tpu.vector_store %arg8[%parallel_loop3A_355, %parallel_loop3A_356], %parallel_loop3A_359 {strides = array<i32>} : memref<128x128xf32, #tpu.memory_space<vmem>>, vector<1x16xf32>,
      %parallel_loop3A_360 = arith.index_cast %parallel_loop3A_347 : i32 to index
      %parallel_loop3A_361 = arith.constant 16 : index
      %parallel_loop3A_362 = tpu.vector_load %arg8[%parallel_loop3A_360, %parallel_loop3A_361] {strides = array<i32>} : memref<128x128xf32, #tpu.memory_space<vmem>>, vector<1x16xf32>,
      %parallel_loop3A_363 = vector.shape_cast %parallel_loop3A_362 : vector<1x16xf32> to vector<16xf32>
      %parallel_loop3A_364 = arith.constant 11.3137083 : f32
      %parallel_loop3A_365 = vector.broadcast %parallel_loop3A_364 : f32 to vector<16xf32>
      %parallel_loop3A_366 = arith.mulf %parallel_loop3A_363, %parallel_loop3A_365 : vector<16xf32>
      %parallel_loop3A_367 = arith.index_cast %parallel_loop3A_347 : i32 to index
      %parallel_loop3A_368 = arith.constant 16 : index
      %parallel_loop3A_369 = tpu.vector_load %arg8[%parallel_loop3A_367, %parallel_loop3A_368] {strides = array<i32>} : memref<128x128xf32, #tpu.memory_space<vmem>>, vector<1x16xf32>,
      %parallel_loop3A_370 = vector.shape_cast %parallel_loop3A_369 : vector<1x16xf32> to vector<16xf32>
      %parallel_loop3A_371 = vector.shape_cast %parallel_loop3A_366 : vector<16xf32> to vector<1x16xf32>
      tpu.vector_store %arg8[%parallel_loop3A_367, %parallel_loop3A_368], %parallel_loop3A_371 {strides = array<i32>} : memref<128x128xf32, #tpu.memory_space<vmem>>, vector<1x16xf32>,
      %parallel_loop3A_372 = arith.index_cast %parallel_loop3A_347 : i32 to index
      %parallel_loop3A_373 = arith.constant 32 : index
      %parallel_loop3A_374 = tpu.vector_load %arg8[%parallel_loop3A_372, %parallel_loop3A_373] {strides = array<i32>} : memref<128x128xf32, #tpu.memory_space<vmem>>, vector<1x16xf32>,
      %parallel_loop3A_375 = vector.shape_cast %parallel_loop3A_374 : vector<1x16xf32> to vector<16xf32>
      %parallel_loop3A_376 = arith.constant 11.3137083 : f32
      %parallel_loop3A_377 = vector.broadcast %parallel_loop3A_376 : f32 to vector<16xf32>
      %parallel_loop3A_378 = arith.mulf %parallel_loop3A_375, %parallel_loop3A_377 : vector<16xf32>
      %parallel_loop3A_379 = arith.index_cast %parallel_loop3A_347 : i32 to index
      %parallel_loop3A_380 = arith.constant 32 : index
      %parallel_loop3A_381 = tpu.vector_load %arg8[%parallel_loop3A_379, %parallel_loop3A_380] {strides = array<i32>} : memref<128x128xf32, #tpu.memory_space<vmem>>, vector<1x16xf32>,
      %parallel_loop3A_382 = vector.shape_cast %parallel_loop3A_381 : vector<1x16xf32> to vector<16xf32>
      %parallel_loop3A_383 = vector.shape_cast %parallel_loop3A_378 : vector<16xf32> to vector<1x16xf32>
      tpu.vector_store %arg8[%parallel_loop3A_379, %parallel_loop3A_380], %parallel_loop3A_383 {strides = array<i32>} : memref<128x128xf32, #tpu.memory_space<vmem>>, vector<1x16xf32>,
      %parallel_loop3A_384 = arith.index_cast %parallel_loop3A_347 : i32 to index
      %parallel_loop3A_385 = arith.constant 48 : index
      %parallel_loop3A_386 = tpu.vector_load %arg8[%parallel_loop3A_384, %parallel_loop3A_385] {strides = array<i32>} : memref<128x128xf32, #tpu.memory_space<vmem>>, vector<1x16xf32>,
      %parallel_loop3A_387 = vector.shape_cast %parallel_loop3A_386 : vector<1x16xf32> to vector<16xf32>
      %parallel_loop3A_388 = arith.constant 11.3137083 : f32
      %parallel_loop3A_389 = vector.broadcast %parallel_loop3A_388 : f32 to vector<16xf32>
      %parallel_loop3A_390 = arith.mulf %parallel_loop3A_387, %parallel_loop3A_389 : vector<16xf32>
      %parallel_loop3A_391 = arith.index_cast %parallel_loop3A_347 : i32 to index
      %parallel_loop3A_392 = arith.constant 48 : index
      %parallel_loop3A_393 = tpu.vector_load %arg8[%parallel_loop3A_391, %parallel_loop3A_392] {strides = array<i32>} : memref<128x128xf32, #tpu.memory_space<vmem>>, vector<1x16xf32>,
      %parallel_loop3A_394 = vector.shape_cast %parallel_loop3A_393 : vector<1x16xf32> to vector<16xf32>
      %parallel_loop3A_395 = vector.shape_cast %parallel_loop3A_390 : vector<16xf32> to vector<1x16xf32>
      tpu.vector_store %arg8[%parallel_loop3A_391, %parallel_loop3A_392], %parallel_loop3A_395 {strides = array<i32>} : memref<128x128xf32, #tpu.memory_space<vmem>>, vector<1x16xf32>,
      %parallel_loop3A_396 = arith.index_cast %parallel_loop3A_347 : i32 to index
      %parallel_loop3A_397 = arith.constant 64 : index
      %parallel_loop3A_398 = tpu.vector_load %arg8[%parallel_loop3A_396, %parallel_loop3A_397] {strides = array<i32>} : memref<128x128xf32, #tpu.memory_space<vmem>>, vector<1x16xf32>,
      %parallel_loop3A_399 = vector.shape_cast %parallel_loop3A_398 : vector<1x16xf32> to vector<16xf32>
      %parallel_loop3A_400 = arith.constant 11.3137083 : f32
      %parallel_loop3A_401 = vector.broadcast %parallel_loop3A_400 : f32 to vector<16xf32>
      %parallel_loop3A_402 = arith.mulf %parallel_loop3A_399, %parallel_loop3A_401 : vector<16xf32>
      %parallel_loop3A_403 = arith.index_cast %parallel_loop3A_347 : i32 to index
      %parallel_loop3A_404 = arith.constant 64 : index
      %parallel_loop3A_405 = tpu.vector_load %arg8[%parallel_loop3A_403, %parallel_loop3A_404] {strides = array<i32>} : memref<128x128xf32, #tpu.memory_space<vmem>>, vector<1x16xf32>,
      %parallel_loop3A_406 = vector.shape_cast %parallel_loop3A_405 : vector<1x16xf32> to vector<16xf32>
      %parallel_loop3A_407 = vector.shape_cast %parallel_loop3A_402 : vector<16xf32> to vector<1x16xf32>
      tpu.vector_store %arg8[%parallel_loop3A_403, %parallel_loop3A_404], %parallel_loop3A_407 {strides = array<i32>} : memref<128x128xf32, #tpu.memory_space<vmem>>, vector<1x16xf32>,
      %parallel_loop3A_408 = arith.index_cast %parallel_loop3A_347 : i32 to index
      %parallel_loop3A_409 = arith.constant 80 : index
      %parallel_loop3A_410 = tpu.vector_load %arg8[%parallel_loop3A_408, %parallel_loop3A_409] {strides = array<i32>} : memref<128x128xf32, #tpu.memory_space<vmem>>, vector<1x16xf32>,
      %parallel_loop3A_411 = vector.shape_cast %parallel_loop3A_410 : vector<1x16xf32> to vector<16xf32>
      %parallel_loop3A_412 = arith.constant 11.3137083 : f32
      %parallel_loop3A_413 = vector.broadcast %parallel_loop3A_412 : f32 to vector<16xf32>
      %parallel_loop3A_414 = arith.mulf %parallel_loop3A_411, %parallel_loop3A_413 : vector<16xf32>
      %parallel_loop3A_415 = arith.index_cast %parallel_loop3A_347 : i32 to index
      %parallel_loop3A_416 = arith.constant 80 : index
      %parallel_loop3A_417 = tpu.vector_load %arg8[%parallel_loop3A_415, %parallel_loop3A_416] {strides = array<i32>} : memref<128x128xf32, #tpu.memory_space<vmem>>, vector<1x16xf32>,
      %parallel_loop3A_418 = vector.shape_cast %parallel_loop3A_417 : vector<1x16xf32> to vector<16xf32>
      %parallel_loop3A_419 = vector.shape_cast %parallel_loop3A_414 : vector<16xf32> to vector<1x16xf32>
      tpu.vector_store %arg8[%parallel_loop3A_415, %parallel_loop3A_416], %parallel_loop3A_419 {strides = array<i32>} : memref<128x128xf32, #tpu.memory_space<vmem>>, vector<1x16xf32>,
      %parallel_loop3A_420 = arith.index_cast %parallel_loop3A_347 : i32 to index
      %parallel_loop3A_421 = arith.constant 96 : index
      %parallel_loop3A_422 = tpu.vector_load %arg8[%parallel_loop3A_420, %parallel_loop3A_421] {strides = array<i32>} : memref<128x128xf32, #tpu.memory_space<vmem>>, vector<1x16xf32>,
      %parallel_loop3A_423 = vector.shape_cast %parallel_loop3A_422 : vector<1x16xf32> to vector<16xf32>
      %parallel_loop3A_424 = arith.constant 11.3137083 : f32
      %parallel_loop3A_425 = vector.broadcast %parallel_loop3A_424 : f32 to vector<16xf32>
      %parallel_loop3A_426 = arith.mulf %parallel_loop3A_423, %parallel_loop3A_425 : vector<16xf32>
      %parallel_loop3A_427 = arith.index_cast %parallel_loop3A_347 : i32 to index
      %parallel_loop3A_428 = arith.constant 96 : index
      %parallel_loop3A_429 = tpu.vector_load %arg8[%parallel_loop3A_427, %parallel_loop3A_428] {strides = array<i32>} : memref<128x128xf32, #tpu.memory_space<vmem>>, vector<1x16xf32>,
      %parallel_loop3A_430 = vector.shape_cast %parallel_loop3A_429 : vector<1x16xf32> to vector<16xf32>
      %parallel_loop3A_431 = vector.shape_cast %parallel_loop3A_426 : vector<16xf32> to vector<1x16xf32>
      tpu.vector_store %arg8[%parallel_loop3A_427, %parallel_loop3A_428], %parallel_loop3A_431 {strides = array<i32>} : memref<128x128xf32, #tpu.memory_space<vmem>>, vector<1x16xf32>,
      %parallel_loop3A_432 = arith.index_cast %parallel_loop3A_347 : i32 to index
      %parallel_loop3A_433 = arith.constant 112 : index
      %parallel_loop3A_434 = tpu.vector_load %arg8[%parallel_loop3A_432, %parallel_loop3A_433] {strides = array<i32>} : memref<128x128xf32, #tpu.memory_space<vmem>>, vector<1x16xf32>,
      %parallel_loop3A_435 = vector.shape_cast %parallel_loop3A_434 : vector<1x16xf32> to vector<16xf32>
      %parallel_loop3A_436 = arith.constant 11.3137083 : f32
      %parallel_loop3A_437 = vector.broadcast %parallel_loop3A_436 : f32 to vector<16xf32>
      %parallel_loop3A_438 = arith.mulf %parallel_loop3A_435, %parallel_loop3A_437 : vector<16xf32>
      %parallel_loop3A_439 = arith.index_cast %parallel_loop3A_347 : i32 to index
      %parallel_loop3A_440 = arith.constant 112 : index
      %parallel_loop3A_441 = tpu.vector_load %arg8[%parallel_loop3A_439, %parallel_loop3A_440] {strides = array<i32>} : memref<128x128xf32, #tpu.memory_space<vmem>>, vector<1x16xf32>,
      %parallel_loop3A_442 = vector.shape_cast %parallel_loop3A_441 : vector<1x16xf32> to vector<16xf32>
      %parallel_loop3A_443 = vector.shape_cast %parallel_loop3A_438 : vector<16xf32> to vector<1x16xf32>
      tpu.vector_store %arg8[%parallel_loop3A_439, %parallel_loop3A_440], %parallel_loop3A_443 {strides = array<i32>} : memref<128x128xf32, #tpu.memory_space<vmem>>, vector<1x16xf32>,
    } {sc.loop_unroll_factor = 2 : i64, sc.parallel_access}
    %dma_start3A_190 = arith.constant 2 : i32
    %dma_start3A_191 = arith.constant 0 : i32
    %dma_start3A_192 = tpu.memref_slice %arg4[%dma_start3A_190, %mul3A_2, %dma_start3A_191] : memref<50x4096x128xf32, #tpu.memory_space<hbm>> -> memref<1x128x128xf32, #tpu.memory_space<hbm>>
    %dma_start3A_193 = tpu.memref_squeeze %dma_start3A_192 : memref<1x128x128xf32, #tpu.memory_space<hbm>> -> memref<128x128xf32, #tpu.memory_space<hbm>>
    %dma_start3A_194 = arith.constant 0 : i32
    %dma_start3A_195 = tpu.memref_slice %arg4[%dma_start3A_190, %mul3A_2, %dma_start3A_194] : memref<50x4096x128xf32, #tpu.memory_space<hbm>> -> memref<1x128x128xf32, #tpu.memory_space<hbm>>
    %dma_start3A_196 = tpu.memref_squeeze %dma_start3A_195 : memref<1x128x128xf32, #tpu.memory_space<hbm>> -> memref<128x128xf32, #tpu.memory_space<hbm>>
    tpu.enqueue_dma source(%arg8 : memref<128x128xf32, #tpu.memory_space<vmem>>) target(%dma_start3A_196 : memref<128x128xf32, #tpu.memory_space<hbm>>) target_semaphore(%arg16 : memref<!tpu.dma_semaphore, #tpu.memory_space<semaphore_mem>>)
    %dma_wait3A_197 = arith.constant 3 : i32
    %dma_wait3A_198 = arith.constant 0 : i32
    %dma_wait3A_199 = arith.constant 0 : i32
    %dma_wait3A_200 = tpu.memref_slice %arg9[%dma_wait3A_198, %dma_wait3A_199] : memref<128x128xf32, #tpu.memory_space<vmem>> -> memref<64x128xf32, #tpu.memory_space<vmem>>
    %dma_wait3A_201 = arith.constant 0 : i32
    %dma_wait3A_202 = tpu.memref_slice %arg5[%dma_wait3A_197, %dma_wait3A_201] : memref<50x128xi32, #tpu.memory_space<vmem>> -> memref<1x64xi32, #tpu.memory_space<vmem>>
    %dma_wait3A_203 = tpu.memref_squeeze %dma_wait3A_202 : memref<1x64xi32, #tpu.memory_space<vmem>> -> memref<64xi32, #tpu.memory_space<vmem>>
    %dma_wait3A_204 = arith.constant 0 : i32
    %dma_wait3A_205 = arith.constant 0 : i32
    %dma_wait3A_206 = tpu.memref_slice %arg3[%dma_wait3A_204, %dma_wait3A_205] : memref<100000x128xf32, #tpu.memory_space<hbm>> -> memref<100000x128xf32, #tpu.memory_space<hbm>>
    tpu.wait_indirect_dma semaphore(%arg13 : memref<!tpu.dma_semaphore, #tpu.memory_space<semaphore_mem>>) src(%dma_wait3A_206 : memref<100000x128xf32, #tpu.memory_space<hbm>>) dst(%dma_wait3A_200 : memref<64x128xf32, #tpu.memory_space<vmem>>)
    %dma_wait3A_207 = arith.constant 3 : i32
    %dma_wait3A_208 = arith.constant 64 : i32
    %dma_wait3A_209 = arith.constant 0 : i32
    %dma_wait3A_210 = tpu.memref_slice %arg9[%dma_wait3A_208, %dma_wait3A_209] : memref<128x128xf32, #tpu.memory_space<vmem>> -> memref<64x128xf32, #tpu.memory_space<vmem>>
    %dma_wait3A_211 = arith.constant 64 : i32
    %dma_wait3A_212 = tpu.memref_slice %arg5[%dma_wait3A_207, %dma_wait3A_211] : memref<50x128xi32, #tpu.memory_space<vmem>> -> memref<1x64xi32, #tpu.memory_space<vmem>>
    %dma_wait3A_213 = tpu.memref_squeeze %dma_wait3A_212 : memref<1x64xi32, #tpu.memory_space<vmem>> -> memref<64xi32, #tpu.memory_space<vmem>>
    %dma_wait3A_214 = arith.constant 0 : i32
    %dma_wait3A_215 = arith.constant 0 : i32
    %dma_wait3A_216 = tpu.memref_slice %arg3[%dma_wait3A_214, %dma_wait3A_215] : memref<100000x128xf32, #tpu.memory_space<hbm>> -> memref<100000x128xf32, #tpu.memory_space<hbm>>
    tpu.wait_indirect_dma semaphore(%arg13 : memref<!tpu.dma_semaphore, #tpu.memory_space<semaphore_mem>>) src(%dma_wait3A_216 : memref<100000x128xf32, #tpu.memory_space<hbm>>) dst(%dma_wait3A_210 : memref<64x128xf32, #tpu.memory_space<vmem>>)
    %dma_wait3A_217 = arith.constant 1 : i32
    %dma_wait3A_218 = arith.constant 0 : i32
    %dma_wait3A_219 = tpu.memref_slice %arg4[%dma_wait3A_217, %mul3A_2, %dma_wait3A_218] : memref<50x4096x128xf32, #tpu.memory_space<hbm>> -> memref<1x128x128xf32, #tpu.memory_space<hbm>>
    %dma_wait3A_220 = tpu.memref_squeeze %dma_wait3A_219 : memref<1x128x128xf32, #tpu.memory_space<hbm>> -> memref<128x128xf32, #tpu.memory_space<hbm>>
    %dma_wait3A_221 = arith.constant 0 : i32
    %dma_wait3A_222 = tpu.memref_slice %arg4[%dma_wait3A_217, %mul3A_2, %dma_wait3A_221] : memref<50x4096x128xf32, #tpu.memory_space<hbm>> -> memref<1x128x128xf32, #tpu.memory_space<hbm>>
    %dma_wait3A_223 = tpu.memref_squeeze %dma_wait3A_222 : memref<1x128x128xf32, #tpu.memory_space<hbm>> -> memref<128x128xf32, #tpu.memory_space<hbm>>
    tpu.wait_dma2 semaphore(%arg15 : memref<!tpu.dma_semaphore, #tpu.memory_space<semaphore_mem>>) src(%arg7 : memref<128x128xf32, #tpu.memory_space<vmem>>) dst(%dma_wait3A_223 : memref<128x128xf32, #tpu.memory_space<hbm>>)
    %dma_start3A_224 = arith.constant 5 : i32
    %dma_start3A_225 = arith.constant 0 : i32
    %dma_start3A_226 = arith.constant 0 : i32
    %dma_start3A_227 = tpu.memref_slice %arg7[%dma_start3A_225, %dma_start3A_226] : memref<128x128xf32, #tpu.memory_space<vmem>> -> memref<64x128xf32, #tpu.memory_space<vmem>>
    %dma_start3A_228 = arith.constant 0 : i32
    %dma_start3A_229 = tpu.memref_slice %arg5[%dma_start3A_224, %dma_start3A_228] : memref<50x128xi32, #tpu.memory_space<vmem>> -> memref<1x64xi32, #tpu.memory_space<vmem>>
    %dma_start3A_230 = tpu.memref_squeeze %dma_start3A_229 : memref<1x64xi32, #tpu.memory_space<vmem>> -> memref<64xi32, #tpu.memory_space<vmem>>
    %dma_start3A_231 = arith.constant 0 : i32
    %dma_start3A_232 = arith.constant 0 : i32
    %dma_start3A_233 = tpu.memref_slice %arg3[%dma_start3A_231, %dma_start3A_232] : memref<100000x128xf32, #tpu.memory_space<hbm>> -> memref<100000x128xf32, #tpu.memory_space<hbm>>
    tpu.enqueue_indirect_dma source(%dma_start3A_233 : memref<100000x128xf32, #tpu.memory_space<hbm>>) target(%dma_start3A_227 : memref<64x128xf32, #tpu.memory_space<vmem>>) offsets(%dma_start3A_230 : memref<64xi32, #tpu.memory_space<vmem>>) semaphore(%arg11 : memref<!tpu.dma_semaphore, #tpu.memory_space<semaphore_mem>>)
    %dma_start3A_234 = arith.constant 5 : i32
    %dma_start3A_235 = arith.constant 64 : i32
    %dma_start3A_236 = arith.constant 0 : i32
    %dma_start3A_237 = tpu.memref_slice %arg7[%dma_start3A_235, %dma_start3A_236] : memref<128x128xf32, #tpu.memory_space<vmem>> -> memref<64x128xf32, #tpu.memory_space<vmem>>
    %dma_start3A_238 = arith.constant 64 : i32
    %dma_start3A_239 = tpu.memref_slice %arg5[%dma_start3A_234, %dma_start3A_238] : memref<50x128xi32, #tpu.memory_space<vmem>> -> memref<1x64xi32, #tpu.memory_space<vmem>>
    %dma_start3A_240 = tpu.memref_squeeze %dma_start3A_239 : memref<1x64xi32, #tpu.memory_space<vmem>> -> memref<64xi32, #tpu.memory_space<vmem>>
    %dma_start3A_241 = arith.constant 0 : i32
    %dma_start3A_242 = arith.constant 0 : i32
    %dma_start3A_243 = tpu.memref_slice %arg3[%dma_start3A_241, %dma_start3A_242] : memref<100000x128xf32, #tpu.memory_space<hbm>> -> memref<100000x128xf32, #tpu.memory_space<hbm>>
    tpu.enqueue_indirect_dma source(%dma_start3A_243 : memref<100000x128xf32, #tpu.memory_space<hbm>>) target(%dma_start3A_237 : memref<64x128xf32, #tpu.memory_space<vmem>>) offsets(%dma_start3A_240 : memref<64xi32, #tpu.memory_space<vmem>>) semaphore(%arg11 : memref<!tpu.dma_semaphore, #tpu.memory_space<semaphore_mem>>)
    %parallel_loop3A_244 = arith.constant 0 : i32
    %parallel_loop3A_245 = arith.constant 128 : i32
    %parallel_loop3A_246 = arith.constant 1 : i32
    scf.for %parallel_loop3A_347 = %parallel_loop3A_244 to %parallel_loop3A_245 step %parallel_loop3A_246  : i32 {
      %parallel_loop3A_348 = arith.index_cast %parallel_loop3A_347 : i32 to index
      %parallel_loop3A_349 = arith.constant 0 : index
      %parallel_loop3A_350 = tpu.vector_load %arg9[%parallel_loop3A_348, %parallel_loop3A_349] {strides = array<i32>} : memref<128x128xf32, #tpu.memory_space<vmem>>, vector<1x16xf32>,
      %parallel_loop3A_351 = vector.shape_cast %parallel_loop3A_350 : vector<1x16xf32> to vector<16xf32>
      %parallel_loop3A_352 = arith.constant 11.3137083 : f32
      %parallel_loop3A_353 = vector.broadcast %parallel_loop3A_352 : f32 to vector<16xf32>
      %parallel_loop3A_354 = arith.mulf %parallel_loop3A_351, %parallel_loop3A_353 : vector<16xf32>
      %parallel_loop3A_355 = arith.index_cast %parallel_loop3A_347 : i32 to index
      %parallel_loop3A_356 = arith.constant 0 : index
      %parallel_loop3A_357 = tpu.vector_load %arg9[%parallel_loop3A_355, %parallel_loop3A_356] {strides = array<i32>} : memref<128x128xf32, #tpu.memory_space<vmem>>, vector<1x16xf32>,
      %parallel_loop3A_358 = vector.shape_cast %parallel_loop3A_357 : vector<1x16xf32> to vector<16xf32>
      %parallel_loop3A_359 = vector.shape_cast %parallel_loop3A_354 : vector<16xf32> to vector<1x16xf32>
      tpu.vector_store %arg9[%parallel_loop3A_355, %parallel_loop3A_356], %parallel_loop3A_359 {strides = array<i32>} : memref<128x128xf32, #tpu.memory_space<vmem>>, vector<1x16xf32>,
      %parallel_loop3A_360 = arith.index_cast %parallel_loop3A_347 : i32 to index
      %parallel_loop3A_361 = arith.constant 16 : index
      %parallel_loop3A_362 = tpu.vector_load %arg9[%parallel_loop3A_360, %parallel_loop3A_361] {strides = array<i32>} : memref<128x128xf32, #tpu.memory_space<vmem>>, vector<1x16xf32>,
      %parallel_loop3A_363 = vector.shape_cast %parallel_loop3A_362 : vector<1x16xf32> to vector<16xf32>
      %parallel_loop3A_364 = arith.constant 11.3137083 : f32
      %parallel_loop3A_365 = vector.broadcast %parallel_loop3A_364 : f32 to vector<16xf32>
      %parallel_loop3A_366 = arith.mulf %parallel_loop3A_363, %parallel_loop3A_365 : vector<16xf32>
      %parallel_loop3A_367 = arith.index_cast %parallel_loop3A_347 : i32 to index
      %parallel_loop3A_368 = arith.constant 16 : index
      %parallel_loop3A_369 = tpu.vector_load %arg9[%parallel_loop3A_367, %parallel_loop3A_368] {strides = array<i32>} : memref<128x128xf32, #tpu.memory_space<vmem>>, vector<1x16xf32>,
      %parallel_loop3A_370 = vector.shape_cast %parallel_loop3A_369 : vector<1x16xf32> to vector<16xf32>
      %parallel_loop3A_371 = vector.shape_cast %parallel_loop3A_366 : vector<16xf32> to vector<1x16xf32>
      tpu.vector_store %arg9[%parallel_loop3A_367, %parallel_loop3A_368], %parallel_loop3A_371 {strides = array<i32>} : memref<128x128xf32, #tpu.memory_space<vmem>>, vector<1x16xf32>,
      %parallel_loop3A_372 = arith.index_cast %parallel_loop3A_347 : i32 to index
      %parallel_loop3A_373 = arith.constant 32 : index
      %parallel_loop3A_374 = tpu.vector_load %arg9[%parallel_loop3A_372, %parallel_loop3A_373] {strides = array<i32>} : memref<128x128xf32, #tpu.memory_space<vmem>>, vector<1x16xf32>,
      %parallel_loop3A_375 = vector.shape_cast %parallel_loop3A_374 : vector<1x16xf32> to vector<16xf32>
      %parallel_loop3A_376 = arith.constant 11.3137083 : f32
      %parallel_loop3A_377 = vector.broadcast %parallel_loop3A_376 : f32 to vector<16xf32>
      %parallel_loop3A_378 = arith.mulf %parallel_loop3A_375, %parallel_loop3A_377 : vector<16xf32>
      %parallel_loop3A_379 = arith.index_cast %parallel_loop3A_347 : i32 to index
      %parallel_loop3A_380 = arith.constant 32 : index
      %parallel_loop3A_381 = tpu.vector_load %arg9[%parallel_loop3A_379, %parallel_loop3A_380] {strides = array<i32>} : memref<128x128xf32, #tpu.memory_space<vmem>>, vector<1x16xf32>,
      %parallel_loop3A_382 = vector.shape_cast %parallel_loop3A_381 : vector<1x16xf32> to vector<16xf32>
      %parallel_loop3A_383 = vector.shape_cast %parallel_loop3A_378 : vector<16xf32> to vector<1x16xf32>
      tpu.vector_store %arg9[%parallel_loop3A_379, %parallel_loop3A_380], %parallel_loop3A_383 {strides = array<i32>} : memref<128x128xf32, #tpu.memory_space<vmem>>, vector<1x16xf32>,
      %parallel_loop3A_384 = arith.index_cast %parallel_loop3A_347 : i32 to index
      %parallel_loop3A_385 = arith.constant 48 : index
      %parallel_loop3A_386 = tpu.vector_load %arg9[%parallel_loop3A_384, %parallel_loop3A_385] {strides = array<i32>} : memref<128x128xf32, #tpu.memory_space<vmem>>, vector<1x16xf32>,
      %parallel_loop3A_387 = vector.shape_cast %parallel_loop3A_386 : vector<1x16xf32> to vector<16xf32>
      %parallel_loop3A_388 = arith.constant 11.3137083 : f32
      %parallel_loop3A_389 = vector.broadcast %parallel_loop3A_388 : f32 to vector<16xf32>
      %parallel_loop3A_390 = arith.mulf %parallel_loop3A_387, %parallel_loop3A_389 : vector<16xf32>
      %parallel_loop3A_391 = arith.index_cast %parallel_loop3A_347 : i32 to index
      %parallel_loop3A_392 = arith.constant 48 : index
      %parallel_loop3A_393 = tpu.vector_load %arg9[%parallel_loop3A_391, %parallel_loop3A_392] {strides = array<i32>} : memref<128x128xf32, #tpu.memory_space<vmem>>, vector<1x16xf32>,
      %parallel_loop3A_394 = vector.shape_cast %parallel_loop3A_393 : vector<1x16xf32> to vector<16xf32>
      %parallel_loop3A_395 = vector.shape_cast %parallel_loop3A_390 : vector<16xf32> to vector<1x16xf32>
      tpu.vector_store %arg9[%parallel_loop3A_391, %parallel_loop3A_392], %parallel_loop3A_395 {strides = array<i32>} : memref<128x128xf32, #tpu.memory_space<vmem>>, vector<1x16xf32>,
      %parallel_loop3A_396 = arith.index_cast %parallel_loop3A_347 : i32 to index
      %parallel_loop3A_397 = arith.constant 64 : index
      %parallel_loop3A_398 = tpu.vector_load %arg9[%parallel_loop3A_396, %parallel_loop3A_397] {strides = array<i32>} : memref<128x128xf32, #tpu.memory_space<vmem>>, vector<1x16xf32>,
      %parallel_loop3A_399 = vector.shape_cast %parallel_loop3A_398 : vector<1x16xf32> to vector<16xf32>
      %parallel_loop3A_400 = arith.constant 11.3137083 : f32
      %parallel_loop3A_401 = vector.broadcast %parallel_loop3A_400 : f32 to vector<16xf32>
      %parallel_loop3A_402 = arith.mulf %parallel_loop3A_399, %parallel_loop3A_401 : vector<16xf32>
      %parallel_loop3A_403 = arith.index_cast %parallel_loop3A_347 : i32 to index
      %parallel_loop3A_404 = arith.constant 64 : index
      %parallel_loop3A_405 = tpu.vector_load %arg9[%parallel_loop3A_403, %parallel_loop3A_404] {strides = array<i32>} : memref<128x128xf32, #tpu.memory_space<vmem>>, vector<1x16xf32>,
      %parallel_loop3A_406 = vector.shape_cast %parallel_loop3A_405 : vector<1x16xf32> to vector<16xf32>
      %parallel_loop3A_407 = vector.shape_cast %parallel_loop3A_402 : vector<16xf32> to vector<1x16xf32>
      tpu.vector_store %arg9[%parallel_loop3A_403, %parallel_loop3A_404], %parallel_loop3A_407 {strides = array<i32>} : memref<128x128xf32, #tpu.memory_space<vmem>>, vector<1x16xf32>,
      %parallel_loop3A_408 = arith.index_cast %parallel_loop3A_347 : i32 to index
      %parallel_loop3A_409 = arith.constant 80 : index
      %parallel_loop3A_410 = tpu.vector_load %arg9[%parallel_loop3A_408, %parallel_loop3A_409] {strides = array<i32>} : memref<128x128xf32, #tpu.memory_space<vmem>>, vector<1x16xf32>,
      %parallel_loop3A_411 = vector.shape_cast %parallel_loop3A_410 : vector<1x16xf32> to vector<16xf32>
      %parallel_loop3A_412 = arith.constant 11.3137083 : f32
      %parallel_loop3A_413 = vector.broadcast %parallel_loop3A_412 : f32 to vector<16xf32>
      %parallel_loop3A_414 = arith.mulf %parallel_loop3A_411, %parallel_loop3A_413 : vector<16xf32>
      %parallel_loop3A_415 = arith.index_cast %parallel_loop3A_347 : i32 to index
      %parallel_loop3A_416 = arith.constant 80 : index
      %parallel_loop3A_417 = tpu.vector_load %arg9[%parallel_loop3A_415, %parallel_loop3A_416] {strides = array<i32>} : memref<128x128xf32, #tpu.memory_space<vmem>>, vector<1x16xf32>,
      %parallel_loop3A_418 = vector.shape_cast %parallel_loop3A_417 : vector<1x16xf32> to vector<16xf32>
      %parallel_loop3A_419 = vector.shape_cast %parallel_loop3A_414 : vector<16xf32> to vector<1x16xf32>
      tpu.vector_store %arg9[%parallel_loop3A_415, %parallel_loop3A_416], %parallel_loop3A_419 {strides = array<i32>} : memref<128x128xf32, #tpu.memory_space<vmem>>, vector<1x16xf32>,
      %parallel_loop3A_420 = arith.index_cast %parallel_loop3A_347 : i32 to index
      %parallel_loop3A_421 = arith.constant 96 : index
      %parallel_loop3A_422 = tpu.vector_load %arg9[%parallel_loop3A_420, %parallel_loop3A_421] {strides = array<i32>} : memref<128x128xf32, #tpu.memory_space<vmem>>, vector<1x16xf32>,
      %parallel_loop3A_423 = vector.shape_cast %parallel_loop3A_422 : vector<1x16xf32> to vector<16xf32>
      %parallel_loop3A_424 = arith.constant 11.3137083 : f32
      %parallel_loop3A_425 = vector.broadcast %parallel_loop3A_424 : f32 to vector<16xf32>
      %parallel_loop3A_426 = arith.mulf %parallel_loop3A_423, %parallel_loop3A_425 : vector<16xf32>
      %parallel_loop3A_427 = arith.index_cast %parallel_loop3A_347 : i32 to index
      %parallel_loop3A_428 = arith.constant 96 : index
      %parallel_loop3A_429 = tpu.vector_load %arg9[%parallel_loop3A_427, %parallel_loop3A_428] {strides = array<i32>} : memref<128x128xf32, #tpu.memory_space<vmem>>, vector<1x16xf32>,
      %parallel_loop3A_430 = vector.shape_cast %parallel_loop3A_429 : vector<1x16xf32> to vector<16xf32>
      %parallel_loop3A_431 = vector.shape_cast %parallel_loop3A_426 : vector<16xf32> to vector<1x16xf32>
      tpu.vector_store %arg9[%parallel_loop3A_427, %parallel_loop3A_428], %parallel_loop3A_431 {strides = array<i32>} : memref<128x128xf32, #tpu.memory_space<vmem>>, vector<1x16xf32>,
      %parallel_loop3A_432 = arith.index_cast %parallel_loop3A_347 : i32 to index
      %parallel_loop3A_433 = arith.constant 112 : index
      %parallel_loop3A_434 = tpu.vector_load %arg9[%parallel_loop3A_432, %parallel_loop3A_433] {strides = array<i32>} : memref<128x128xf32, #tpu.memory_space<vmem>>, vector<1x16xf32>,
      %parallel_loop3A_435 = vector.shape_cast %parallel_loop3A_434 : vector<1x16xf32> to vector<16xf32>
      %parallel_loop3A_436 = arith.constant 11.3137083 : f32
      %parallel_loop3A_437 = vector.broadcast %parallel_loop3A_436 : f32 to vector<16xf32>
      %parallel_loop3A_438 = arith.mulf %parallel_loop3A_435, %parallel_loop3A_437 : vector<16xf32>
      %parallel_loop3A_439 = arith.index_cast %parallel_loop3A_347 : i32 to index
      %parallel_loop3A_440 = arith.constant 112 : index
      %parallel_loop3A_441 = tpu.vector_load %arg9[%parallel_loop3A_439, %parallel_loop3A_440] {strides = array<i32>} : memref<128x128xf32, #tpu.memory_space<vmem>>, vector<1x16xf32>,
      %parallel_loop3A_442 = vector.shape_cast %parallel_loop3A_441 : vector<1x16xf32> to vector<16xf32>
      %parallel_loop3A_443 = vector.shape_cast %parallel_loop3A_438 : vector<16xf32> to vector<1x16xf32>
      tpu.vector_store %arg9[%parallel_loop3A_439, %parallel_loop3A_440], %parallel_loop3A_443 {strides = array<i32>} : memref<128x128xf32, #tpu.memory_space<vmem>>, vector<1x16xf32>,
    } {sc.loop_unroll_factor = 2 : i64, sc.parallel_access}
    %dma_start3A_247 = arith.constant 3 : i32
    %dma_start3A_248 = arith.constant 0 : i32
    %dma_start3A_249 = tpu.memref_slice %arg4[%dma_start3A_247, %mul3A_2, %dma_start3A_248] : memref<50x4096x128xf32, #tpu.memory_space<hbm>> -> memref<1x128x128xf32, #tpu.memory_space<hbm>>
    %dma_start3A_250 = tpu.memref_squeeze %dma_start3A_249 : memref<1x128x128xf32, #tpu.memory_space<hbm>> -> memref<128x128xf32, #tpu.memory_space<hbm>>
    %dma_start3A_251 = arith.constant 0 : i32
    %dma_start3A_252 = tpu.memref_slice %arg4[%dma_start3A_247, %mul3A_2, %dma_start3A_251] : memref<50x4096x128xf32, #tpu.memory_space<hbm>> -> memref<1x128x128xf32, #tpu.memory_space<hbm>>
    %dma_start3A_253 = tpu.memref_squeeze %dma_start3A_252 : memref<1x128x128xf32, #tpu.memory_space<hbm>> -> memref<128x128xf32, #tpu.memory_space<hbm>>
    tpu.enqueue_dma source(%arg9 : memref<128x128xf32, #tpu.memory_space<vmem>>) target(%dma_start3A_253 : memref<128x128xf32, #tpu.memory_space<hbm>>) target_semaphore(%arg17 : memref<!tpu.dma_semaphore, #tpu.memory_space<semaphore_mem>>)
    %scan3A = arith.constant 0 : i32
    %scan3A_254 = arith.constant 0 : i32
    %scan3A_255 = arith.constant 11 : i32
    %scan3A_256 = arith.addi %scan3A_254, %scan3A_255 : i32
    %scan3A_257 = arith.constant 1 : i32
    scf.for %scan3A_347 = %scan3A_254 to %scan3A_256 step %scan3A_257  : i32 {
      %mul3A_348 = arith.constant 4 : i32
      %mul3A_349 = arith.muli %mul3A_348, %scan3A_347 : i32
      %add3A_350 = arith.constant 4 : i32
      %add3A_351 = arith.addi %add3A_350, %mul3A_349 : i32
      %add3A_352 = arith.constant 0 : i32
      %add3A_353 = arith.addi %add3A_351, %add3A_352 : i32
      %dma_wait3A_354 = arith.constant 0 : i32
      %dma_wait3A_355 = arith.constant 0 : i32
      %dma_wait3A_356 = tpu.memref_slice %arg6[%dma_wait3A_354, %dma_wait3A_355] : memref<128x128xf32, #tpu.memory_space<vmem>> -> memref<64x128xf32, #tpu.memory_space<vmem>>
      %dma_wait3A_357 = arith.constant 0 : i32
      %dma_wait3A_358 = tpu.memref_slice %arg5[%add3A_353, %dma_wait3A_357] : memref<50x128xi32, #tpu.memory_space<vmem>> -> memref<1x64xi32, #tpu.memory_space<vmem>>
      %dma_wait3A_359 = tpu.memref_squeeze %dma_wait3A_358 : memref<1x64xi32, #tpu.memory_space<vmem>> -> memref<64xi32, #tpu.memory_space<vmem>>
      %dma_wait3A_360 = arith.constant 0 : i32
      %dma_wait3A_361 = arith.constant 0 : i32
      %dma_wait3A_362 = tpu.memref_slice %arg3[%dma_wait3A_360, %dma_wait3A_361] : memref<100000x128xf32, #tpu.memory_space<hbm>> -> memref<100000x128xf32, #tpu.memory_space<hbm>>
      tpu.wait_indirect_dma semaphore(%arg10 : memref<!tpu.dma_semaphore, #tpu.memory_space<semaphore_mem>>) src(%dma_wait3A_362 : memref<100000x128xf32, #tpu.memory_space<hbm>>) dst(%dma_wait3A_356 : memref<64x128xf32, #tpu.memory_space<vmem>>)
      %dma_wait3A_363 = arith.constant 64 : i32
      %dma_wait3A_364 = arith.constant 0 : i32
      %dma_wait3A_365 = tpu.memref_slice %arg6[%dma_wait3A_363, %dma_wait3A_364] : memref<128x128xf32, #tpu.memory_space<vmem>> -> memref<64x128xf32, #tpu.memory_space<vmem>>
      %dma_wait3A_366 = arith.constant 64 : i32
      %dma_wait3A_367 = tpu.memref_slice %arg5[%add3A_353, %dma_wait3A_366] : memref<50x128xi32, #tpu.memory_space<vmem>> -> memref<1x64xi32, #tpu.memory_space<vmem>>
      %dma_wait3A_368 = tpu.memref_squeeze %dma_wait3A_367 : memref<1x64xi32, #tpu.memory_space<vmem>> -> memref<64xi32, #tpu.memory_space<vmem>>
      %dma_wait3A_369 = arith.constant 0 : i32
      %dma_wait3A_370 = arith.constant 0 : i32
      %dma_wait3A_371 = tpu.memref_slice %arg3[%dma_wait3A_369, %dma_wait3A_370] : memref<100000x128xf32, #tpu.memory_space<hbm>> -> memref<100000x128xf32, #tpu.memory_space<hbm>>
      tpu.wait_indirect_dma semaphore(%arg10 : memref<!tpu.dma_semaphore, #tpu.memory_space<semaphore_mem>>) src(%dma_wait3A_371 : memref<100000x128xf32, #tpu.memory_space<hbm>>) dst(%dma_wait3A_365 : memref<64x128xf32, #tpu.memory_space<vmem>>)
      %sub3A = arith.constant 2 : i32
      %sub3A_372 = arith.subi %add3A_353, %sub3A : i32
      %dma_wait3A_373 = arith.constant 0 : i32
      %dma_wait3A_374 = tpu.memref_slice %arg4[%sub3A_372, %mul3A_2, %dma_wait3A_373] : memref<50x4096x128xf32, #tpu.memory_space<hbm>> -> memref<1x128x128xf32, #tpu.memory_space<hbm>>
      %dma_wait3A_375 = tpu.memref_squeeze %dma_wait3A_374 : memref<1x128x128xf32, #tpu.memory_space<hbm>> -> memref<128x128xf32, #tpu.memory_space<hbm>>
      %dma_wait3A_376 = arith.constant 0 : i32
      %dma_wait3A_377 = tpu.memref_slice %arg4[%sub3A_372, %mul3A_2, %dma_wait3A_376] : memref<50x4096x128xf32, #tpu.memory_space<hbm>> -> memref<1x128x128xf32, #tpu.memory_space<hbm>>
      %dma_wait3A_378 = tpu.memref_squeeze %dma_wait3A_377 : memref<1x128x128xf32, #tpu.memory_space<hbm>> -> memref<128x128xf32, #tpu.memory_space<hbm>>
      tpu.wait_dma2 semaphore(%arg16 : memref<!tpu.dma_semaphore, #tpu.memory_space<semaphore_mem>>) src(%arg8 : memref<128x128xf32, #tpu.memory_space<vmem>>) dst(%dma_wait3A_378 : memref<128x128xf32, #tpu.memory_space<hbm>>)
      %add3A_379 = arith.constant 2 : i32
      %add3A_380 = arith.addi %add3A_353, %add3A_379 : i32
      %dma_start3A_381 = arith.constant 0 : i32
      %dma_start3A_382 = arith.constant 0 : i32
      %dma_start3A_383 = tpu.memref_slice %arg8[%dma_start3A_381, %dma_start3A_382] : memref<128x128xf32, #tpu.memory_space<vmem>> -> memref<64x128xf32, #tpu.memory_space<vmem>>
      %dma_start3A_384 = arith.constant 0 : i32
      %dma_start3A_385 = tpu.memref_slice %arg5[%add3A_380, %dma_start3A_384] : memref<50x128xi32, #tpu.memory_space<vmem>> -> memref<1x64xi32, #tpu.memory_space<vmem>>
      %dma_start3A_386 = tpu.memref_squeeze %dma_start3A_385 : memref<1x64xi32, #tpu.memory_space<vmem>> -> memref<64xi32, #tpu.memory_space<vmem>>
      %dma_start3A_387 = arith.constant 0 : i32
      %dma_start3A_388 = arith.constant 0 : i32
      %dma_start3A_389 = tpu.memref_slice %arg3[%dma_start3A_387, %dma_start3A_388] : memref<100000x128xf32, #tpu.memory_space<hbm>> -> memref<100000x128xf32, #tpu.memory_space<hbm>>
      tpu.enqueue_indirect_dma source(%dma_start3A_389 : memref<100000x128xf32, #tpu.memory_space<hbm>>) target(%dma_start3A_383 : memref<64x128xf32, #tpu.memory_space<vmem>>) offsets(%dma_start3A_386 : memref<64xi32, #tpu.memory_space<vmem>>) semaphore(%arg12 : memref<!tpu.dma_semaphore, #tpu.memory_space<semaphore_mem>>)
      %dma_start3A_390 = arith.constant 64 : i32
      %dma_start3A_391 = arith.constant 0 : i32
      %dma_start3A_392 = tpu.memref_slice %arg8[%dma_start3A_390, %dma_start3A_391] : memref<128x128xf32, #tpu.memory_space<vmem>> -> memref<64x128xf32, #tpu.memory_space<vmem>>
      %dma_start3A_393 = arith.constant 64 : i32
      %dma_start3A_394 = tpu.memref_slice %arg5[%add3A_380, %dma_start3A_393] : memref<50x128xi32, #tpu.memory_space<vmem>> -> memref<1x64xi32, #tpu.memory_space<vmem>>
      %dma_start3A_395 = tpu.memref_squeeze %dma_start3A_394 : memref<1x64xi32, #tpu.memory_space<vmem>> -> memref<64xi32, #tpu.memory_space<vmem>>
      %dma_start3A_396 = arith.constant 0 : i32
      %dma_start3A_397 = arith.constant 0 : i32
      %dma_start3A_398 = tpu.memref_slice %arg3[%dma_start3A_396, %dma_start3A_397] : memref<100000x128xf32, #tpu.memory_space<hbm>> -> memref<100000x128xf32, #tpu.memory_space<hbm>>
      tpu.enqueue_indirect_dma source(%dma_start3A_398 : memref<100000x128xf32, #tpu.memory_space<hbm>>) target(%dma_start3A_392 : memref<64x128xf32, #tpu.memory_space<vmem>>) offsets(%dma_start3A_395 : memref<64xi32, #tpu.memory_space<vmem>>) semaphore(%arg12 : memref<!tpu.dma_semaphore, #tpu.memory_space<semaphore_mem>>)
      %parallel_loop3A_399 = arith.constant 0 : i32
      %parallel_loop3A_400 = arith.constant 128 : i32
      %parallel_loop3A_401 = arith.constant 1 : i32
      scf.for %parallel_loop3A_591 = %parallel_loop3A_399 to %parallel_loop3A_400 step %parallel_loop3A_401  : i32 {
        %parallel_loop3A_592 = arith.index_cast %parallel_loop3A_591 : i32 to index
        %parallel_loop3A_593 = arith.constant 0 : index
        %parallel_loop3A_594 = tpu.vector_load %arg6[%parallel_loop3A_592, %parallel_loop3A_593] {strides = array<i32>} : memref<128x128xf32, #tpu.memory_space<vmem>>, vector<1x16xf32>,
        %parallel_loop3A_595 = vector.shape_cast %parallel_loop3A_594 : vector<1x16xf32> to vector<16xf32>
        %parallel_loop3A_596 = arith.constant 11.3137083 : f32
        %parallel_loop3A_597 = vector.broadcast %parallel_loop3A_596 : f32 to vector<16xf32>
        %parallel_loop3A_598 = arith.mulf %parallel_loop3A_595, %parallel_loop3A_597 : vector<16xf32>
        %parallel_loop3A_599 = arith.index_cast %parallel_loop3A_591 : i32 to index
        %parallel_loop3A_600 = arith.constant 0 : index
        %parallel_loop3A_601 = tpu.vector_load %arg6[%parallel_loop3A_599, %parallel_loop3A_600] {strides = array<i32>} : memref<128x128xf32, #tpu.memory_space<vmem>>, vector<1x16xf32>,
        %parallel_loop3A_602 = vector.shape_cast %parallel_loop3A_601 : vector<1x16xf32> to vector<16xf32>
        %parallel_loop3A_603 = vector.shape_cast %parallel_loop3A_598 : vector<16xf32> to vector<1x16xf32>
        tpu.vector_store %arg6[%parallel_loop3A_599, %parallel_loop3A_600], %parallel_loop3A_603 {strides = array<i32>} : memref<128x128xf32, #tpu.memory_space<vmem>>, vector<1x16xf32>,
        %parallel_loop3A_604 = arith.index_cast %parallel_loop3A_591 : i32 to index
        %parallel_loop3A_605 = arith.constant 16 : index
        %parallel_loop3A_606 = tpu.vector_load %arg6[%parallel_loop3A_604, %parallel_loop3A_605] {strides = array<i32>} : memref<128x128xf32, #tpu.memory_space<vmem>>, vector<1x16xf32>,
        %parallel_loop3A_607 = vector.shape_cast %parallel_loop3A_606 : vector<1x16xf32> to vector<16xf32>
        %parallel_loop3A_608 = arith.constant 11.3137083 : f32
        %parallel_loop3A_609 = vector.broadcast %parallel_loop3A_608 : f32 to vector<16xf32>
        %parallel_loop3A_610 = arith.mulf %parallel_loop3A_607, %parallel_loop3A_609 : vector<16xf32>
        %parallel_loop3A_611 = arith.index_cast %parallel_loop3A_591 : i32 to index
        %parallel_loop3A_612 = arith.constant 16 : index
        %parallel_loop3A_613 = tpu.vector_load %arg6[%parallel_loop3A_611, %parallel_loop3A_612] {strides = array<i32>} : memref<128x128xf32, #tpu.memory_space<vmem>>, vector<1x16xf32>,
        %parallel_loop3A_614 = vector.shape_cast %parallel_loop3A_613 : vector<1x16xf32> to vector<16xf32>
        %parallel_loop3A_615 = vector.shape_cast %parallel_loop3A_610 : vector<16xf32> to vector<1x16xf32>
        tpu.vector_store %arg6[%parallel_loop3A_611, %parallel_loop3A_612], %parallel_loop3A_615 {strides = array<i32>} : memref<128x128xf32, #tpu.memory_space<vmem>>, vector<1x16xf32>,
        %parallel_loop3A_616 = arith.index_cast %parallel_loop3A_591 : i32 to index
        %parallel_loop3A_617 = arith.constant 32 : index
        %parallel_loop3A_618 = tpu.vector_load %arg6[%parallel_loop3A_616, %parallel_loop3A_617] {strides = array<i32>} : memref<128x128xf32, #tpu.memory_space<vmem>>, vector<1x16xf32>,
        %parallel_loop3A_619 = vector.shape_cast %parallel_loop3A_618 : vector<1x16xf32> to vector<16xf32>
        %parallel_loop3A_620 = arith.constant 11.3137083 : f32
        %parallel_loop3A_621 = vector.broadcast %parallel_loop3A_620 : f32 to vector<16xf32>
        %parallel_loop3A_622 = arith.mulf %parallel_loop3A_619, %parallel_loop3A_621 : vector<16xf32>
        %parallel_loop3A_623 = arith.index_cast %parallel_loop3A_591 : i32 to index
        %parallel_loop3A_624 = arith.constant 32 : index
        %parallel_loop3A_625 = tpu.vector_load %arg6[%parallel_loop3A_623, %parallel_loop3A_624] {strides = array<i32>} : memref<128x128xf32, #tpu.memory_space<vmem>>, vector<1x16xf32>,
        %parallel_loop3A_626 = vector.shape_cast %parallel_loop3A_625 : vector<1x16xf32> to vector<16xf32>
        %parallel_loop3A_627 = vector.shape_cast %parallel_loop3A_622 : vector<16xf32> to vector<1x16xf32>
        tpu.vector_store %arg6[%parallel_loop3A_623, %parallel_loop3A_624], %parallel_loop3A_627 {strides = array<i32>} : memref<128x128xf32, #tpu.memory_space<vmem>>, vector<1x16xf32>,
        %parallel_loop3A_628 = arith.index_cast %parallel_loop3A_591 : i32 to index
        %parallel_loop3A_629 = arith.constant 48 : index
        %parallel_loop3A_630 = tpu.vector_load %arg6[%parallel_loop3A_628, %parallel_loop3A_629] {strides = array<i32>} : memref<128x128xf32, #tpu.memory_space<vmem>>, vector<1x16xf32>,
        %parallel_loop3A_631 = vector.shape_cast %parallel_loop3A_630 : vector<1x16xf32> to vector<16xf32>
        %parallel_loop3A_632 = arith.constant 11.3137083 : f32
        %parallel_loop3A_633 = vector.broadcast %parallel_loop3A_632 : f32 to vector<16xf32>
        %parallel_loop3A_634 = arith.mulf %parallel_loop3A_631, %parallel_loop3A_633 : vector<16xf32>
        %parallel_loop3A_635 = arith.index_cast %parallel_loop3A_591 : i32 to index
        %parallel_loop3A_636 = arith.constant 48 : index
        %parallel_loop3A_637 = tpu.vector_load %arg6[%parallel_loop3A_635, %parallel_loop3A_636] {strides = array<i32>} : memref<128x128xf32, #tpu.memory_space<vmem>>, vector<1x16xf32>,
        %parallel_loop3A_638 = vector.shape_cast %parallel_loop3A_637 : vector<1x16xf32> to vector<16xf32>
        %parallel_loop3A_639 = vector.shape_cast %parallel_loop3A_634 : vector<16xf32> to vector<1x16xf32>
        tpu.vector_store %arg6[%parallel_loop3A_635, %parallel_loop3A_636], %parallel_loop3A_639 {strides = array<i32>} : memref<128x128xf32, #tpu.memory_space<vmem>>, vector<1x16xf32>,
        %parallel_loop3A_640 = arith.index_cast %parallel_loop3A_591 : i32 to index
        %parallel_loop3A_641 = arith.constant 64 : index
        %parallel_loop3A_642 = tpu.vector_load %arg6[%parallel_loop3A_640, %parallel_loop3A_641] {strides = array<i32>} : memref<128x128xf32, #tpu.memory_space<vmem>>, vector<1x16xf32>,
        %parallel_loop3A_643 = vector.shape_cast %parallel_loop3A_642 : vector<1x16xf32> to vector<16xf32>
        %parallel_loop3A_644 = arith.constant 11.3137083 : f32
        %parallel_loop3A_645 = vector.broadcast %parallel_loop3A_644 : f32 to vector<16xf32>
        %parallel_loop3A_646 = arith.mulf %parallel_loop3A_643, %parallel_loop3A_645 : vector<16xf32>
        %parallel_loop3A_647 = arith.index_cast %parallel_loop3A_591 : i32 to index
        %parallel_loop3A_648 = arith.constant 64 : index
        %parallel_loop3A_649 = tpu.vector_load %arg6[%parallel_loop3A_647, %parallel_loop3A_648] {strides = array<i32>} : memref<128x128xf32, #tpu.memory_space<vmem>>, vector<1x16xf32>,
        %parallel_loop3A_650 = vector.shape_cast %parallel_loop3A_649 : vector<1x16xf32> to vector<16xf32>
        %parallel_loop3A_651 = vector.shape_cast %parallel_loop3A_646 : vector<16xf32> to vector<1x16xf32>
        tpu.vector_store %arg6[%parallel_loop3A_647, %parallel_loop3A_648], %parallel_loop3A_651 {strides = array<i32>} : memref<128x128xf32, #tpu.memory_space<vmem>>, vector<1x16xf32>,
        %parallel_loop3A_652 = arith.index_cast %parallel_loop3A_591 : i32 to index
        %parallel_loop3A_653 = arith.constant 80 : index
        %parallel_loop3A_654 = tpu.vector_load %arg6[%parallel_loop3A_652, %parallel_loop3A_653] {strides = array<i32>} : memref<128x128xf32, #tpu.memory_space<vmem>>, vector<1x16xf32>,
        %parallel_loop3A_655 = vector.shape_cast %parallel_loop3A_654 : vector<1x16xf32> to vector<16xf32>
        %parallel_loop3A_656 = arith.constant 11.3137083 : f32
        %parallel_loop3A_657 = vector.broadcast %parallel_loop3A_656 : f32 to vector<16xf32>
        %parallel_loop3A_658 = arith.mulf %parallel_loop3A_655, %parallel_loop3A_657 : vector<16xf32>
        %parallel_loop3A_659 = arith.index_cast %parallel_loop3A_591 : i32 to index
        %parallel_loop3A_660 = arith.constant 80 : index
        %parallel_loop3A_661 = tpu.vector_load %arg6[%parallel_loop3A_659, %parallel_loop3A_660] {strides = array<i32>} : memref<128x128xf32, #tpu.memory_space<vmem>>, vector<1x16xf32>,
        %parallel_loop3A_662 = vector.shape_cast %parallel_loop3A_661 : vector<1x16xf32> to vector<16xf32>
        %parallel_loop3A_663 = vector.shape_cast %parallel_loop3A_658 : vector<16xf32> to vector<1x16xf32>
        tpu.vector_store %arg6[%parallel_loop3A_659, %parallel_loop3A_660], %parallel_loop3A_663 {strides = array<i32>} : memref<128x128xf32, #tpu.memory_space<vmem>>, vector<1x16xf32>,
        %parallel_loop3A_664 = arith.index_cast %parallel_loop3A_591 : i32 to index
        %parallel_loop3A_665 = arith.constant 96 : index
        %parallel_loop3A_666 = tpu.vector_load %arg6[%parallel_loop3A_664, %parallel_loop3A_665] {strides = array<i32>} : memref<128x128xf32, #tpu.memory_space<vmem>>, vector<1x16xf32>,
        %parallel_loop3A_667 = vector.shape_cast %parallel_loop3A_666 : vector<1x16xf32> to vector<16xf32>
        %parallel_loop3A_668 = arith.constant 11.3137083 : f32
        %parallel_loop3A_669 = vector.broadcast %parallel_loop3A_668 : f32 to vector<16xf32>
        %parallel_loop3A_670 = arith.mulf %parallel_loop3A_667, %parallel_loop3A_669 : vector<16xf32>
        %parallel_loop3A_671 = arith.index_cast %parallel_loop3A_591 : i32 to index
        %parallel_loop3A_672 = arith.constant 96 : index
        %parallel_loop3A_673 = tpu.vector_load %arg6[%parallel_loop3A_671, %parallel_loop3A_672] {strides = array<i32>} : memref<128x128xf32, #tpu.memory_space<vmem>>, vector<1x16xf32>,
        %parallel_loop3A_674 = vector.shape_cast %parallel_loop3A_673 : vector<1x16xf32> to vector<16xf32>
        %parallel_loop3A_675 = vector.shape_cast %parallel_loop3A_670 : vector<16xf32> to vector<1x16xf32>
        tpu.vector_store %arg6[%parallel_loop3A_671, %parallel_loop3A_672], %parallel_loop3A_675 {strides = array<i32>} : memref<128x128xf32, #tpu.memory_space<vmem>>, vector<1x16xf32>,
        %parallel_loop3A_676 = arith.index_cast %parallel_loop3A_591 : i32 to index
        %parallel_loop3A_677 = arith.constant 112 : index
        %parallel_loop3A_678 = tpu.vector_load %arg6[%parallel_loop3A_676, %parallel_loop3A_677] {strides = array<i32>} : memref<128x128xf32, #tpu.memory_space<vmem>>, vector<1x16xf32>,
        %parallel_loop3A_679 = vector.shape_cast %parallel_loop3A_678 : vector<1x16xf32> to vector<16xf32>
        %parallel_loop3A_680 = arith.constant 11.3137083 : f32
        %parallel_loop3A_681 = vector.broadcast %parallel_loop3A_680 : f32 to vector<16xf32>
        %parallel_loop3A_682 = arith.mulf %parallel_loop3A_679, %parallel_loop3A_681 : vector<16xf32>
        %parallel_loop3A_683 = arith.index_cast %parallel_loop3A_591 : i32 to index
        %parallel_loop3A_684 = arith.constant 112 : index
        %parallel_loop3A_685 = tpu.vector_load %arg6[%parallel_loop3A_683, %parallel_loop3A_684] {strides = array<i32>} : memref<128x128xf32, #tpu.memory_space<vmem>>, vector<1x16xf32>,
        %parallel_loop3A_686 = vector.shape_cast %parallel_loop3A_685 : vector<1x16xf32> to vector<16xf32>
        %parallel_loop3A_687 = vector.shape_cast %parallel_loop3A_682 : vector<16xf32> to vector<1x16xf32>
        tpu.vector_store %arg6[%parallel_loop3A_683, %parallel_loop3A_684], %parallel_loop3A_687 {strides = array<i32>} : memref<128x128xf32, #tpu.memory_space<vmem>>, vector<1x16xf32>,
      } {sc.loop_unroll_factor = 2 : i64, sc.parallel_access}
      %dma_start3A_402 = arith.constant 0 : i32
      %dma_start3A_403 = tpu.memref_slice %arg4[%add3A_353, %mul3A_2, %dma_start3A_402] : memref<50x4096x128xf32, #tpu.memory_space<hbm>> -> memref<1x128x128xf32, #tpu.memory_space<hbm>>
      %dma_start3A_404 = tpu.memref_squeeze %dma_start3A_403 : memref<1x128x128xf32, #tpu.memory_space<hbm>> -> memref<128x128xf32, #tpu.memory_space<hbm>>
      %dma_start3A_405 = arith.constant 0 : i32
      %dma_start3A_406 = tpu.memref_slice %arg4[%add3A_353, %mul3A_2, %dma_start3A_405] : memref<50x4096x128xf32, #tpu.memory_space<hbm>> -> memref<1x128x128xf32, #tpu.memory_space<hbm>>
      %dma_start3A_407 = tpu.memref_squeeze %dma_start3A_406 : memref<1x128x128xf32, #tpu.memory_space<hbm>> -> memref<128x128xf32, #tpu.memory_space<hbm>>
      tpu.enqueue_dma source(%arg6 : memref<128x128xf32, #tpu.memory_space<vmem>>) target(%dma_start3A_407 : memref<128x128xf32, #tpu.memory_space<hbm>>) target_semaphore(%arg14 : memref<!tpu.dma_semaphore, #tpu.memory_space<semaphore_mem>>)
      %mul3A_408 = arith.constant 4 : i32
      %mul3A_409 = arith.muli %mul3A_408, %scan3A_347 : i32
      %add3A_410 = arith.constant 4 : i32
      %add3A_411 = arith.addi %add3A_410, %mul3A_409 : i32
      %add3A_412 = arith.constant 1 : i32
      %add3A_413 = arith.addi %add3A_411, %add3A_412 : i32
      %dma_wait3A_414 = arith.constant 0 : i32
      %dma_wait3A_415 = arith.constant 0 : i32
      %dma_wait3A_416 = tpu.memref_slice %arg7[%dma_wait3A_414, %dma_wait3A_415] : memref<128x128xf32, #tpu.memory_space<vmem>> -> memref<64x128xf32, #tpu.memory_space<vmem>>
      %dma_wait3A_417 = arith.constant 0 : i32
      %dma_wait3A_418 = tpu.memref_slice %arg5[%add3A_413, %dma_wait3A_417] : memref<50x128xi32, #tpu.memory_space<vmem>> -> memref<1x64xi32, #tpu.memory_space<vmem>>
      %dma_wait3A_419 = tpu.memref_squeeze %dma_wait3A_418 : memref<1x64xi32, #tpu.memory_space<vmem>> -> memref<64xi32, #tpu.memory_space<vmem>>
      %dma_wait3A_420 = arith.constant 0 : i32
      %dma_wait3A_421 = arith.constant 0 : i32
      %dma_wait3A_422 = tpu.memref_slice %arg3[%dma_wait3A_420, %dma_wait3A_421] : memref<100000x128xf32, #tpu.memory_space<hbm>> -> memref<100000x128xf32, #tpu.memory_space<hbm>>
      tpu.wait_indirect_dma semaphore(%arg11 : memref<!tpu.dma_semaphore, #tpu.memory_space<semaphore_mem>>) src(%dma_wait3A_422 : memref<100000x128xf32, #tpu.memory_space<hbm>>) dst(%dma_wait3A_416 : memref<64x128xf32, #tpu.memory_space<vmem>>)
      %dma_wait3A_423 = arith.constant 64 : i32
      %dma_wait3A_424 = arith.constant 0 : i32
      %dma_wait3A_425 = tpu.memref_slice %arg7[%dma_wait3A_423, %dma_wait3A_424] : memref<128x128xf32, #tpu.memory_space<vmem>> -> memref<64x128xf32, #tpu.memory_space<vmem>>
      %dma_wait3A_426 = arith.constant 64 : i32
      %dma_wait3A_427 = tpu.memref_slice %arg5[%add3A_413, %dma_wait3A_426] : memref<50x128xi32, #tpu.memory_space<vmem>> -> memref<1x64xi32, #tpu.memory_space<vmem>>
      %dma_wait3A_428 = tpu.memref_squeeze %dma_wait3A_427 : memref<1x64xi32, #tpu.memory_space<vmem>> -> memref<64xi32, #tpu.memory_space<vmem>>
      %dma_wait3A_429 = arith.constant 0 : i32
      %dma_wait3A_430 = arith.constant 0 : i32
      %dma_wait3A_431 = tpu.memref_slice %arg3[%dma_wait3A_429, %dma_wait3A_430] : memref<100000x128xf32, #tpu.memory_space<hbm>> -> memref<100000x128xf32, #tpu.memory_space<hbm>>
      tpu.wait_indirect_dma semaphore(%arg11 : memref<!tpu.dma_semaphore, #tpu.memory_space<semaphore_mem>>) src(%dma_wait3A_431 : memref<100000x128xf32, #tpu.memory_space<hbm>>) dst(%dma_wait3A_425 : memref<64x128xf32, #tpu.memory_space<vmem>>)
      %sub3A_432 = arith.constant 2 : i32
      %sub3A_433 = arith.subi %add3A_413, %sub3A_432 : i32
      %dma_wait3A_434 = arith.constant 0 : i32
      %dma_wait3A_435 = tpu.memref_slice %arg4[%sub3A_433, %mul3A_2, %dma_wait3A_434] : memref<50x4096x128xf32, #tpu.memory_space<hbm>> -> memref<1x128x128xf32, #tpu.memory_space<hbm>>
      %dma_wait3A_436 = tpu.memref_squeeze %dma_wait3A_435 : memref<1x128x128xf32, #tpu.memory_space<hbm>> -> memref<128x128xf32, #tpu.memory_space<hbm>>
      %dma_wait3A_437 = arith.constant 0 : i32
      %dma_wait3A_438 = tpu.memref_slice %arg4[%sub3A_433, %mul3A_2, %dma_wait3A_437] : memref<50x4096x128xf32, #tpu.memory_space<hbm>> -> memref<1x128x128xf32, #tpu.memory_space<hbm>>
      %dma_wait3A_439 = tpu.memref_squeeze %dma_wait3A_438 : memref<1x128x128xf32, #tpu.memory_space<hbm>> -> memref<128x128xf32, #tpu.memory_space<hbm>>
      tpu.wait_dma2 semaphore(%arg17 : memref<!tpu.dma_semaphore, #tpu.memory_space<semaphore_mem>>) src(%arg9 : memref<128x128xf32, #tpu.memory_space<vmem>>) dst(%dma_wait3A_439 : memref<128x128xf32, #tpu.memory_space<hbm>>)
      %add3A_440 = arith.constant 2 : i32
      %add3A_441 = arith.addi %add3A_413, %add3A_440 : i32
      %dma_start3A_442 = arith.constant 0 : i32
      %dma_start3A_443 = arith.constant 0 : i32
      %dma_start3A_444 = tpu.memref_slice %arg9[%dma_start3A_442, %dma_start3A_443] : memref<128x128xf32, #tpu.memory_space<vmem>> -> memref<64x128xf32, #tpu.memory_space<vmem>>
      %dma_start3A_445 = arith.constant 0 : i32
      %dma_start3A_446 = tpu.memref_slice %arg5[%add3A_441, %dma_start3A_445] : memref<50x128xi32, #tpu.memory_space<vmem>> -> memref<1x64xi32, #tpu.memory_space<vmem>>
      %dma_start3A_447 = tpu.memref_squeeze %dma_start3A_446 : memref<1x64xi32, #tpu.memory_space<vmem>> -> memref<64xi32, #tpu.memory_space<vmem>>
      %dma_start3A_448 = arith.constant 0 : i32
      %dma_start3A_449 = arith.constant 0 : i32
      %dma_start3A_450 = tpu.memref_slice %arg3[%dma_start3A_448, %dma_start3A_449] : memref<100000x128xf32, #tpu.memory_space<hbm>> -> memref<100000x128xf32, #tpu.memory_space<hbm>>
      tpu.enqueue_indirect_dma source(%dma_start3A_450 : memref<100000x128xf32, #tpu.memory_space<hbm>>) target(%dma_start3A_444 : memref<64x128xf32, #tpu.memory_space<vmem>>) offsets(%dma_start3A_447 : memref<64xi32, #tpu.memory_space<vmem>>) semaphore(%arg13 : memref<!tpu.dma_semaphore, #tpu.memory_space<semaphore_mem>>)
      %dma_start3A_451 = arith.constant 64 : i32
      %dma_start3A_452 = arith.constant 0 : i32
      %dma_start3A_453 = tpu.memref_slice %arg9[%dma_start3A_451, %dma_start3A_452] : memref<128x128xf32, #tpu.memory_space<vmem>> -> memref<64x128xf32, #tpu.memory_space<vmem>>
      %dma_start3A_454 = arith.constant 64 : i32
      %dma_start3A_455 = tpu.memref_slice %arg5[%add3A_441, %dma_start3A_454] : memref<50x128xi32, #tpu.memory_space<vmem>> -> memref<1x64xi32, #tpu.memory_space<vmem>>
      %dma_start3A_456 = tpu.memref_squeeze %dma_start3A_455 : memref<1x64xi32, #tpu.memory_space<vmem>> -> memref<64xi32, #tpu.memory_space<vmem>>
      %dma_start3A_457 = arith.constant 0 : i32
      %dma_start3A_458 = arith.constant 0 : i32
      %dma_start3A_459 = tpu.memref_slice %arg3[%dma_start3A_457, %dma_start3A_458] : memref<100000x128xf32, #tpu.memory_space<hbm>> -> memref<100000x128xf32, #tpu.memory_space<hbm>>
      tpu.enqueue_indirect_dma source(%dma_start3A_459 : memref<100000x128xf32, #tpu.memory_space<hbm>>) target(%dma_start3A_453 : memref<64x128xf32, #tpu.memory_space<vmem>>) offsets(%dma_start3A_456 : memref<64xi32, #tpu.memory_space<vmem>>) semaphore(%arg13 : memref<!tpu.dma_semaphore, #tpu.memory_space<semaphore_mem>>)
      %parallel_loop3A_460 = arith.constant 0 : i32
      %parallel_loop3A_461 = arith.constant 128 : i32
      %parallel_loop3A_462 = arith.constant 1 : i32
      scf.for %parallel_loop3A_591 = %parallel_loop3A_460 to %parallel_loop3A_461 step %parallel_loop3A_462  : i32 {
        %parallel_loop3A_592 = arith.index_cast %parallel_loop3A_591 : i32 to index
        %parallel_loop3A_593 = arith.constant 0 : index
        %parallel_loop3A_594 = tpu.vector_load %arg7[%parallel_loop3A_592, %parallel_loop3A_593] {strides = array<i32>} : memref<128x128xf32, #tpu.memory_space<vmem>>, vector<1x16xf32>,
        %parallel_loop3A_595 = vector.shape_cast %parallel_loop3A_594 : vector<1x16xf32> to vector<16xf32>
        %parallel_loop3A_596 = arith.constant 11.3137083 : f32
        %parallel_loop3A_597 = vector.broadcast %parallel_loop3A_596 : f32 to vector<16xf32>
        %parallel_loop3A_598 = arith.mulf %parallel_loop3A_595, %parallel_loop3A_597 : vector<16xf32>
        %parallel_loop3A_599 = arith.index_cast %parallel_loop3A_591 : i32 to index
        %parallel_loop3A_600 = arith.constant 0 : index
        %parallel_loop3A_601 = tpu.vector_load %arg7[%parallel_loop3A_599, %parallel_loop3A_600] {strides = array<i32>} : memref<128x128xf32, #tpu.memory_space<vmem>>, vector<1x16xf32>,
        %parallel_loop3A_602 = vector.shape_cast %parallel_loop3A_601 : vector<1x16xf32> to vector<16xf32>
        %parallel_loop3A_603 = vector.shape_cast %parallel_loop3A_598 : vector<16xf32> to vector<1x16xf32>
        tpu.vector_store %arg7[%parallel_loop3A_599, %parallel_loop3A_600], %parallel_loop3A_603 {strides = array<i32>} : memref<128x128xf32, #tpu.memory_space<vmem>>, vector<1x16xf32>,
        %parallel_loop3A_604 = arith.index_cast %parallel_loop3A_591 : i32 to index
        %parallel_loop3A_605 = arith.constant 16 : index
        %parallel_loop3A_606 = tpu.vector_load %arg7[%parallel_loop3A_604, %parallel_loop3A_605] {strides = array<i32>} : memref<128x128xf32, #tpu.memory_space<vmem>>, vector<1x16xf32>,
        %parallel_loop3A_607 = vector.shape_cast %parallel_loop3A_606 : vector<1x16xf32> to vector<16xf32>
        %parallel_loop3A_608 = arith.constant 11.3137083 : f32
        %parallel_loop3A_609 = vector.broadcast %parallel_loop3A_608 : f32 to vector<16xf32>
        %parallel_loop3A_610 = arith.mulf %parallel_loop3A_607, %parallel_loop3A_609 : vector<16xf32>
        %parallel_loop3A_611 = arith.index_cast %parallel_loop3A_591 : i32 to index
        %parallel_loop3A_612 = arith.constant 16 : index
        %parallel_loop3A_613 = tpu.vector_load %arg7[%parallel_loop3A_611, %parallel_loop3A_612] {strides = array<i32>} : memref<128x128xf32, #tpu.memory_space<vmem>>, vector<1x16xf32>,
        %parallel_loop3A_614 = vector.shape_cast %parallel_loop3A_613 : vector<1x16xf32> to vector<16xf32>
        %parallel_loop3A_615 = vector.shape_cast %parallel_loop3A_610 : vector<16xf32> to vector<1x16xf32>
        tpu.vector_store %arg7[%parallel_loop3A_611, %parallel_loop3A_612], %parallel_loop3A_615 {strides = array<i32>} : memref<128x128xf32, #tpu.memory_space<vmem>>, vector<1x16xf32>,
        %parallel_loop3A_616 = arith.index_cast %parallel_loop3A_591 : i32 to index
        %parallel_loop3A_617 = arith.constant 32 : index
        %parallel_loop3A_618 = tpu.vector_load %arg7[%parallel_loop3A_616, %parallel_loop3A_617] {strides = array<i32>} : memref<128x128xf32, #tpu.memory_space<vmem>>, vector<1x16xf32>,
        %parallel_loop3A_619 = vector.shape_cast %parallel_loop3A_618 : vector<1x16xf32> to vector<16xf32>
        %parallel_loop3A_620 = arith.constant 11.3137083 : f32
        %parallel_loop3A_621 = vector.broadcast %parallel_loop3A_620 : f32 to vector<16xf32>
        %parallel_loop3A_622 = arith.mulf %parallel_loop3A_619, %parallel_loop3A_621 : vector<16xf32>
        %parallel_loop3A_623 = arith.index_cast %parallel_loop3A_591 : i32 to index
        %parallel_loop3A_624 = arith.constant 32 : index
        %parallel_loop3A_625 = tpu.vector_load %arg7[%parallel_loop3A_623, %parallel_loop3A_624] {strides = array<i32>} : memref<128x128xf32, #tpu.memory_space<vmem>>, vector<1x16xf32>,
        %parallel_loop3A_626 = vector.shape_cast %parallel_loop3A_625 : vector<1x16xf32> to vector<16xf32>
        %parallel_loop3A_627 = vector.shape_cast %parallel_loop3A_622 : vector<16xf32> to vector<1x16xf32>
        tpu.vector_store %arg7[%parallel_loop3A_623, %parallel_loop3A_624], %parallel_loop3A_627 {strides = array<i32>} : memref<128x128xf32, #tpu.memory_space<vmem>>, vector<1x16xf32>,
        %parallel_loop3A_628 = arith.index_cast %parallel_loop3A_591 : i32 to index
        %parallel_loop3A_629 = arith.constant 48 : index
        %parallel_loop3A_630 = tpu.vector_load %arg7[%parallel_loop3A_628, %parallel_loop3A_629] {strides = array<i32>} : memref<128x128xf32, #tpu.memory_space<vmem>>, vector<1x16xf32>,
        %parallel_loop3A_631 = vector.shape_cast %parallel_loop3A_630 : vector<1x16xf32> to vector<16xf32>
        %parallel_loop3A_632 = arith.constant 11.3137083 : f32
        %parallel_loop3A_633 = vector.broadcast %parallel_loop3A_632 : f32 to vector<16xf32>
        %parallel_loop3A_634 = arith.mulf %parallel_loop3A_631, %parallel_loop3A_633 : vector<16xf32>
        %parallel_loop3A_635 = arith.index_cast %parallel_loop3A_591 : i32 to index
        %parallel_loop3A_636 = arith.constant 48 : index
        %parallel_loop3A_637 = tpu.vector_load %arg7[%parallel_loop3A_635, %parallel_loop3A_636] {strides = array<i32>} : memref<128x128xf32, #tpu.memory_space<vmem>>, vector<1x16xf32>,
        %parallel_loop3A_638 = vector.shape_cast %parallel_loop3A_637 : vector<1x16xf32> to vector<16xf32>
        %parallel_loop3A_639 = vector.shape_cast %parallel_loop3A_634 : vector<16xf32> to vector<1x16xf32>
        tpu.vector_store %arg7[%parallel_loop3A_635, %parallel_loop3A_636], %parallel_loop3A_639 {strides = array<i32>} : memref<128x128xf32, #tpu.memory_space<vmem>>, vector<1x16xf32>,
        %parallel_loop3A_640 = arith.index_cast %parallel_loop3A_591 : i32 to index
        %parallel_loop3A_641 = arith.constant 64 : index
        %parallel_loop3A_642 = tpu.vector_load %arg7[%parallel_loop3A_640, %parallel_loop3A_641] {strides = array<i32>} : memref<128x128xf32, #tpu.memory_space<vmem>>, vector<1x16xf32>,
        %parallel_loop3A_643 = vector.shape_cast %parallel_loop3A_642 : vector<1x16xf32> to vector<16xf32>
        %parallel_loop3A_644 = arith.constant 11.3137083 : f32
        %parallel_loop3A_645 = vector.broadcast %parallel_loop3A_644 : f32 to vector<16xf32>
        %parallel_loop3A_646 = arith.mulf %parallel_loop3A_643, %parallel_loop3A_645 : vector<16xf32>
        %parallel_loop3A_647 = arith.index_cast %parallel_loop3A_591 : i32 to index
        %parallel_loop3A_648 = arith.constant 64 : index
        %parallel_loop3A_649 = tpu.vector_load %arg7[%parallel_loop3A_647, %parallel_loop3A_648] {strides = array<i32>} : memref<128x128xf32, #tpu.memory_space<vmem>>, vector<1x16xf32>,
        %parallel_loop3A_650 = vector.shape_cast %parallel_loop3A_649 : vector<1x16xf32> to vector<16xf32>
        %parallel_loop3A_651 = vector.shape_cast %parallel_loop3A_646 : vector<16xf32> to vector<1x16xf32>
        tpu.vector_store %arg7[%parallel_loop3A_647, %parallel_loop3A_648], %parallel_loop3A_651 {strides = array<i32>} : memref<128x128xf32, #tpu.memory_space<vmem>>, vector<1x16xf32>,
        %parallel_loop3A_652 = arith.index_cast %parallel_loop3A_591 : i32 to index
        %parallel_loop3A_653 = arith.constant 80 : index
        %parallel_loop3A_654 = tpu.vector_load %arg7[%parallel_loop3A_652, %parallel_loop3A_653] {strides = array<i32>} : memref<128x128xf32, #tpu.memory_space<vmem>>, vector<1x16xf32>,
        %parallel_loop3A_655 = vector.shape_cast %parallel_loop3A_654 : vector<1x16xf32> to vector<16xf32>
        %parallel_loop3A_656 = arith.constant 11.3137083 : f32
        %parallel_loop3A_657 = vector.broadcast %parallel_loop3A_656 : f32 to vector<16xf32>
        %parallel_loop3A_658 = arith.mulf %parallel_loop3A_655, %parallel_loop3A_657 : vector<16xf32>
        %parallel_loop3A_659 = arith.index_cast %parallel_loop3A_591 : i32 to index
        %parallel_loop3A_660 = arith.constant 80 : index
        %parallel_loop3A_661 = tpu.vector_load %arg7[%parallel_loop3A_659, %parallel_loop3A_660] {strides = array<i32>} : memref<128x128xf32, #tpu.memory_space<vmem>>, vector<1x16xf32>,
        %parallel_loop3A_662 = vector.shape_cast %parallel_loop3A_661 : vector<1x16xf32> to vector<16xf32>
        %parallel_loop3A_663 = vector.shape_cast %parallel_loop3A_658 : vector<16xf32> to vector<1x16xf32>
        tpu.vector_store %arg7[%parallel_loop3A_659, %parallel_loop3A_660], %parallel_loop3A_663 {strides = array<i32>} : memref<128x128xf32, #tpu.memory_space<vmem>>, vector<1x16xf32>,
        %parallel_loop3A_664 = arith.index_cast %parallel_loop3A_591 : i32 to index
        %parallel_loop3A_665 = arith.constant 96 : index
        %parallel_loop3A_666 = tpu.vector_load %arg7[%parallel_loop3A_664, %parallel_loop3A_665] {strides = array<i32>} : memref<128x128xf32, #tpu.memory_space<vmem>>, vector<1x16xf32>,
        %parallel_loop3A_667 = vector.shape_cast %parallel_loop3A_666 : vector<1x16xf32> to vector<16xf32>
        %parallel_loop3A_668 = arith.constant 11.3137083 : f32
        %parallel_loop3A_669 = vector.broadcast %parallel_loop3A_668 : f32 to vector<16xf32>
        %parallel_loop3A_670 = arith.mulf %parallel_loop3A_667, %parallel_loop3A_669 : vector<16xf32>
        %parallel_loop3A_671 = arith.index_cast %parallel_loop3A_591 : i32 to index
        %parallel_loop3A_672 = arith.constant 96 : index
        %parallel_loop3A_673 = tpu.vector_load %arg7[%parallel_loop3A_671, %parallel_loop3A_672] {strides = array<i32>} : memref<128x128xf32, #tpu.memory_space<vmem>>, vector<1x16xf32>,
        %parallel_loop3A_674 = vector.shape_cast %parallel_loop3A_673 : vector<1x16xf32> to vector<16xf32>
        %parallel_loop3A_675 = vector.shape_cast %parallel_loop3A_670 : vector<16xf32> to vector<1x16xf32>
        tpu.vector_store %arg7[%parallel_loop3A_671, %parallel_loop3A_672], %parallel_loop3A_675 {strides = array<i32>} : memref<128x128xf32, #tpu.memory_space<vmem>>, vector<1x16xf32>,
        %parallel_loop3A_676 = arith.index_cast %parallel_loop3A_591 : i32 to index
        %parallel_loop3A_677 = arith.constant 112 : index
        %parallel_loop3A_678 = tpu.vector_load %arg7[%parallel_loop3A_676, %parallel_loop3A_677] {strides = array<i32>} : memref<128x128xf32, #tpu.memory_space<vmem>>, vector<1x16xf32>,
        %parallel_loop3A_679 = vector.shape_cast %parallel_loop3A_678 : vector<1x16xf32> to vector<16xf32>
        %parallel_loop3A_680 = arith.constant 11.3137083 : f32
        %parallel_loop3A_681 = vector.broadcast %parallel_loop3A_680 : f32 to vector<16xf32>
        %parallel_loop3A_682 = arith.mulf %parallel_loop3A_679, %parallel_loop3A_681 : vector<16xf32>
        %parallel_loop3A_683 = arith.index_cast %parallel_loop3A_591 : i32 to index
        %parallel_loop3A_684 = arith.constant 112 : index
        %parallel_loop3A_685 = tpu.vector_load %arg7[%parallel_loop3A_683, %parallel_loop3A_684] {strides = array<i32>} : memref<128x128xf32, #tpu.memory_space<vmem>>, vector<1x16xf32>,
        %parallel_loop3A_686 = vector.shape_cast %parallel_loop3A_685 : vector<1x16xf32> to vector<16xf32>
        %parallel_loop3A_687 = vector.shape_cast %parallel_loop3A_682 : vector<16xf32> to vector<1x16xf32>
        tpu.vector_store %arg7[%parallel_loop3A_683, %parallel_loop3A_684], %parallel_loop3A_687 {strides = array<i32>} : memref<128x128xf32, #tpu.memory_space<vmem>>, vector<1x16xf32>,
      } {sc.loop_unroll_factor = 2 : i64, sc.parallel_access}
      %dma_start3A_463 = arith.constant 0 : i32
      %dma_start3A_464 = tpu.memref_slice %arg4[%add3A_413, %mul3A_2, %dma_start3A_463] : memref<50x4096x128xf32, #tpu.memory_space<hbm>> -> memref<1x128x128xf32, #tpu.memory_space<hbm>>
      %dma_start3A_465 = tpu.memref_squeeze %dma_start3A_464 : memref<1x128x128xf32, #tpu.memory_space<hbm>> -> memref<128x128xf32, #tpu.memory_space<hbm>>
      %dma_start3A_466 = arith.constant 0 : i32
      %dma_start3A_467 = tpu.memref_slice %arg4[%add3A_413, %mul3A_2, %dma_start3A_466] : memref<50x4096x128xf32, #tpu.memory_space<hbm>> -> memref<1x128x128xf32, #tpu.memory_space<hbm>>
      %dma_start3A_468 = tpu.memref_squeeze %dma_start3A_467 : memref<1x128x128xf32, #tpu.memory_space<hbm>> -> memref<128x128xf32, #tpu.memory_space<hbm>>
      tpu.enqueue_dma source(%arg7 : memref<128x128xf32, #tpu.memory_space<vmem>>) target(%dma_start3A_468 : memref<128x128xf32, #tpu.memory_space<hbm>>) target_semaphore(%arg15 : memref<!tpu.dma_semaphore, #tpu.memory_space<semaphore_mem>>)
      %mul3A_469 = arith.constant 4 : i32
      %mul3A_470 = arith.muli %mul3A_469, %scan3A_347 : i32
      %add3A_471 = arith.constant 4 : i32
      %add3A_472 = arith.addi %add3A_471, %mul3A_470 : i32
      %add3A_473 = arith.constant 2 : i32
      %add3A_474 = arith.addi %add3A_472, %add3A_473 : i32
      %dma_wait3A_475 = arith.constant 0 : i32
      %dma_wait3A_476 = arith.constant 0 : i32
      %dma_wait3A_477 = tpu.memref_slice %arg8[%dma_wait3A_475, %dma_wait3A_476] : memref<128x128xf32, #tpu.memory_space<vmem>> -> memref<64x128xf32, #tpu.memory_space<vmem>>
      %dma_wait3A_478 = arith.constant 0 : i32
      %dma_wait3A_479 = tpu.memref_slice %arg5[%add3A_474, %dma_wait3A_478] : memref<50x128xi32, #tpu.memory_space<vmem>> -> memref<1x64xi32, #tpu.memory_space<vmem>>
      %dma_wait3A_480 = tpu.memref_squeeze %dma_wait3A_479 : memref<1x64xi32, #tpu.memory_space<vmem>> -> memref<64xi32, #tpu.memory_space<vmem>>
      %dma_wait3A_481 = arith.constant 0 : i32
      %dma_wait3A_482 = arith.constant 0 : i32
      %dma_wait3A_483 = tpu.memref_slice %arg3[%dma_wait3A_481, %dma_wait3A_482] : memref<100000x128xf32, #tpu.memory_space<hbm>> -> memref<100000x128xf32, #tpu.memory_space<hbm>>
      tpu.wait_indirect_dma semaphore(%arg12 : memref<!tpu.dma_semaphore, #tpu.memory_space<semaphore_mem>>) src(%dma_wait3A_483 : memref<100000x128xf32, #tpu.memory_space<hbm>>) dst(%dma_wait3A_477 : memref<64x128xf32, #tpu.memory_space<vmem>>)
      %dma_wait3A_484 = arith.constant 64 : i32
      %dma_wait3A_485 = arith.constant 0 : i32
      %dma_wait3A_486 = tpu.memref_slice %arg8[%dma_wait3A_484, %dma_wait3A_485] : memref<128x128xf32, #tpu.memory_space<vmem>> -> memref<64x128xf32, #tpu.memory_space<vmem>>
      %dma_wait3A_487 = arith.constant 64 : i32
      %dma_wait3A_488 = tpu.memref_slice %arg5[%add3A_474, %dma_wait3A_487] : memref<50x128xi32, #tpu.memory_space<vmem>> -> memref<1x64xi32, #tpu.memory_space<vmem>>
      %dma_wait3A_489 = tpu.memref_squeeze %dma_wait3A_488 : memref<1x64xi32, #tpu.memory_space<vmem>> -> memref<64xi32, #tpu.memory_space<vmem>>
      %dma_wait3A_490 = arith.constant 0 : i32
      %dma_wait3A_491 = arith.constant 0 : i32
      %dma_wait3A_492 = tpu.memref_slice %arg3[%dma_wait3A_490, %dma_wait3A_491] : memref<100000x128xf32, #tpu.memory_space<hbm>> -> memref<100000x128xf32, #tpu.memory_space<hbm>>
      tpu.wait_indirect_dma semaphore(%arg12 : memref<!tpu.dma_semaphore, #tpu.memory_space<semaphore_mem>>) src(%dma_wait3A_492 : memref<100000x128xf32, #tpu.memory_space<hbm>>) dst(%dma_wait3A_486 : memref<64x128xf32, #tpu.memory_space<vmem>>)
      %sub3A_493 = arith.constant 2 : i32
      %sub3A_494 = arith.subi %add3A_474, %sub3A_493 : i32
      %dma_wait3A_495 = arith.constant 0 : i32
      %dma_wait3A_496 = tpu.memref_slice %arg4[%sub3A_494, %mul3A_2, %dma_wait3A_495] : memref<50x4096x128xf32, #tpu.memory_space<hbm>> -> memref<1x128x128xf32, #tpu.memory_space<hbm>>
      %dma_wait3A_497 = tpu.memref_squeeze %dma_wait3A_496 : memref<1x128x128xf32, #tpu.memory_space<hbm>> -> memref<128x128xf32, #tpu.memory_space<hbm>>
      %dma_wait3A_498 = arith.constant 0 : i32
      %dma_wait3A_499 = tpu.memref_slice %arg4[%sub3A_494, %mul3A_2, %dma_wait3A_498] : memref<50x4096x128xf32, #tpu.memory_space<hbm>> -> memref<1x128x128xf32, #tpu.memory_space<hbm>>
      %dma_wait3A_500 = tpu.memref_squeeze %dma_wait3A_499 : memref<1x128x128xf32, #tpu.memory_space<hbm>> -> memref<128x128xf32, #tpu.memory_space<hbm>>
      tpu.wait_dma2 semaphore(%arg14 : memref<!tpu.dma_semaphore, #tpu.memory_space<semaphore_mem>>) src(%arg6 : memref<128x128xf32, #tpu.memory_space<vmem>>) dst(%dma_wait3A_500 : memref<128x128xf32, #tpu.memory_space<hbm>>)
      %add3A_501 = arith.constant 2 : i32
      %add3A_502 = arith.addi %add3A_474, %add3A_501 : i32
      %dma_start3A_503 = arith.constant 0 : i32
      %dma_start3A_504 = arith.constant 0 : i32
      %dma_start3A_505 = tpu.memref_slice %arg6[%dma_start3A_503, %dma_start3A_504] : memref<128x128xf32, #tpu.memory_space<vmem>> -> memref<64x128xf32, #tpu.memory_space<vmem>>
      %dma_start3A_506 = arith.constant 0 : i32
      %dma_start3A_507 = tpu.memref_slice %arg5[%add3A_502, %dma_start3A_506] : memref<50x128xi32, #tpu.memory_space<vmem>> -> memref<1x64xi32, #tpu.memory_space<vmem>>
      %dma_start3A_508 = tpu.memref_squeeze %dma_start3A_507 : memref<1x64xi32, #tpu.memory_space<vmem>> -> memref<64xi32, #tpu.memory_space<vmem>>
      %dma_start3A_509 = arith.constant 0 : i32
      %dma_start3A_510 = arith.constant 0 : i32
      %dma_start3A_511 = tpu.memref_slice %arg3[%dma_start3A_509, %dma_start3A_510] : memref<100000x128xf32, #tpu.memory_space<hbm>> -> memref<100000x128xf32, #tpu.memory_space<hbm>>
      tpu.enqueue_indirect_dma source(%dma_start3A_511 : memref<100000x128xf32, #tpu.memory_space<hbm>>) target(%dma_start3A_505 : memref<64x128xf32, #tpu.memory_space<vmem>>) offsets(%dma_start3A_508 : memref<64xi32, #tpu.memory_space<vmem>>) semaphore(%arg10 : memref<!tpu.dma_semaphore, #tpu.memory_space<semaphore_mem>>)
      %dma_start3A_512 = arith.constant 64 : i32
      %dma_start3A_513 = arith.constant 0 : i32
      %dma_start3A_514 = tpu.memref_slice %arg6[%dma_start3A_512, %dma_start3A_513] : memref<128x128xf32, #tpu.memory_space<vmem>> -> memref<64x128xf32, #tpu.memory_space<vmem>>
      %dma_start3A_515 = arith.constant 64 : i32
      %dma_start3A_516 = tpu.memref_slice %arg5[%add3A_502, %dma_start3A_515] : memref<50x128xi32, #tpu.memory_space<vmem>> -> memref<1x64xi32, #tpu.memory_space<vmem>>
      %dma_start3A_517 = tpu.memref_squeeze %dma_start3A_516 : memref<1x64xi32, #tpu.memory_space<vmem>> -> memref<64xi32, #tpu.memory_space<vmem>>
      %dma_start3A_518 = arith.constant 0 : i32
      %dma_start3A_519 = arith.constant 0 : i32
      %dma_start3A_520 = tpu.memref_slice %arg3[%dma_start3A_518, %dma_start3A_519] : memref<100000x128xf32, #tpu.memory_space<hbm>> -> memref<100000x128xf32, #tpu.memory_space<hbm>>
      tpu.enqueue_indirect_dma source(%dma_start3A_520 : memref<100000x128xf32, #tpu.memory_space<hbm>>) target(%dma_start3A_514 : memref<64x128xf32, #tpu.memory_space<vmem>>) offsets(%dma_start3A_517 : memref<64xi32, #tpu.memory_space<vmem>>) semaphore(%arg10 : memref<!tpu.dma_semaphore, #tpu.memory_space<semaphore_mem>>)
      %parallel_loop3A_521 = arith.constant 0 : i32
      %parallel_loop3A_522 = arith.constant 128 : i32
      %parallel_loop3A_523 = arith.constant 1 : i32
      scf.for %parallel_loop3A_591 = %parallel_loop3A_521 to %parallel_loop3A_522 step %parallel_loop3A_523  : i32 {
        %parallel_loop3A_592 = arith.index_cast %parallel_loop3A_591 : i32 to index
        %parallel_loop3A_593 = arith.constant 0 : index
        %parallel_loop3A_594 = tpu.vector_load %arg8[%parallel_loop3A_592, %parallel_loop3A_593] {strides = array<i32>} : memref<128x128xf32, #tpu.memory_space<vmem>>, vector<1x16xf32>,
        %parallel_loop3A_595 = vector.shape_cast %parallel_loop3A_594 : vector<1x16xf32> to vector<16xf32>
        %parallel_loop3A_596 = arith.constant 11.3137083 : f32
        %parallel_loop3A_597 = vector.broadcast %parallel_loop3A_596 : f32 to vector<16xf32>
        %parallel_loop3A_598 = arith.mulf %parallel_loop3A_595, %parallel_loop3A_597 : vector<16xf32>
        %parallel_loop3A_599 = arith.index_cast %parallel_loop3A_591 : i32 to index
        %parallel_loop3A_600 = arith.constant 0 : index
        %parallel_loop3A_601 = tpu.vector_load %arg8[%parallel_loop3A_599, %parallel_loop3A_600] {strides = array<i32>} : memref<128x128xf32, #tpu.memory_space<vmem>>, vector<1x16xf32>,
        %parallel_loop3A_602 = vector.shape_cast %parallel_loop3A_601 : vector<1x16xf32> to vector<16xf32>
        %parallel_loop3A_603 = vector.shape_cast %parallel_loop3A_598 : vector<16xf32> to vector<1x16xf32>
        tpu.vector_store %arg8[%parallel_loop3A_599, %parallel_loop3A_600], %parallel_loop3A_603 {strides = array<i32>} : memref<128x128xf32, #tpu.memory_space<vmem>>, vector<1x16xf32>,
        %parallel_loop3A_604 = arith.index_cast %parallel_loop3A_591 : i32 to index
        %parallel_loop3A_605 = arith.constant 16 : index
        %parallel_loop3A_606 = tpu.vector_load %arg8[%parallel_loop3A_604, %parallel_loop3A_605] {strides = array<i32>} : memref<128x128xf32, #tpu.memory_space<vmem>>, vector<1x16xf32>,
        %parallel_loop3A_607 = vector.shape_cast %parallel_loop3A_606 : vector<1x16xf32> to vector<16xf32>
        %parallel_loop3A_608 = arith.constant 11.3137083 : f32
        %parallel_loop3A_609 = vector.broadcast %parallel_loop3A_608 : f32 to vector<16xf32>
        %parallel_loop3A_610 = arith.mulf %parallel_loop3A_607, %parallel_loop3A_609 : vector<16xf32>
        %parallel_loop3A_611 = arith.index_cast %parallel_loop3A_591 : i32 to index
        %parallel_loop3A_612 = arith.constant 16 : index
        %parallel_loop3A_613 = tpu.vector_load %arg8[%parallel_loop3A_611, %parallel_loop3A_612] {strides = array<i32>} : memref<128x128xf32, #tpu.memory_space<vmem>>, vector<1x16xf32>,
        %parallel_loop3A_614 = vector.shape_cast %parallel_loop3A_613 : vector<1x16xf32> to vector<16xf32>
        %parallel_loop3A_615 = vector.shape_cast %parallel_loop3A_610 : vector<16xf32> to vector<1x16xf32>
        tpu.vector_store %arg8[%parallel_loop3A_611, %parallel_loop3A_612], %parallel_loop3A_615 {strides = array<i32>} : memref<128x128xf32, #tpu.memory_space<vmem>>, vector<1x16xf32>,
        %parallel_loop3A_616 = arith.index_cast %parallel_loop3A_591 : i32 to index
        %parallel_loop3A_617 = arith.constant 32 : index
        %parallel_loop3A_618 = tpu.vector_load %arg8[%parallel_loop3A_616, %parallel_loop3A_617] {strides = array<i32>} : memref<128x128xf32, #tpu.memory_space<vmem>>, vector<1x16xf32>,
        %parallel_loop3A_619 = vector.shape_cast %parallel_loop3A_618 : vector<1x16xf32> to vector<16xf32>
        %parallel_loop3A_620 = arith.constant 11.3137083 : f32
        %parallel_loop3A_621 = vector.broadcast %parallel_loop3A_620 : f32 to vector<16xf32>
        %parallel_loop3A_622 = arith.mulf %parallel_loop3A_619, %parallel_loop3A_621 : vector<16xf32>
        %parallel_loop3A_623 = arith.index_cast %parallel_loop3A_591 : i32 to index
        %parallel_loop3A_624 = arith.constant 32 : index
        %parallel_loop3A_625 = tpu.vector_load %arg8[%parallel_loop3A_623, %parallel_loop3A_624] {strides = array<i32>} : memref<128x128xf32, #tpu.memory_space<vmem>>, vector<1x16xf32>,
        %parallel_loop3A_626 = vector.shape_cast %parallel_loop3A_625 : vector<1x16xf32> to vector<16xf32>
        %parallel_loop3A_627 = vector.shape_cast %parallel_loop3A_622 : vector<16xf32> to vector<1x16xf32>
        tpu.vector_store %arg8[%parallel_loop3A_623, %parallel_loop3A_624], %parallel_loop3A_627 {strides = array<i32>} : memref<128x128xf32, #tpu.memory_space<vmem>>, vector<1x16xf32>,
        %parallel_loop3A_628 = arith.index_cast %parallel_loop3A_591 : i32 to index
        %parallel_loop3A_629 = arith.constant 48 : index
        %parallel_loop3A_630 = tpu.vector_load %arg8[%parallel_loop3A_628, %parallel_loop3A_629] {strides = array<i32>} : memref<128x128xf32, #tpu.memory_space<vmem>>, vector<1x16xf32>,
        %parallel_loop3A_631 = vector.shape_cast %parallel_loop3A_630 : vector<1x16xf32> to vector<16xf32>
        %parallel_loop3A_632 = arith.constant 11.3137083 : f32
        %parallel_loop3A_633 = vector.broadcast %parallel_loop3A_632 : f32 to vector<16xf32>
        %parallel_loop3A_634 = arith.mulf %parallel_loop3A_631, %parallel_loop3A_633 : vector<16xf32>
        %parallel_loop3A_635 = arith.index_cast %parallel_loop3A_591 : i32 to index
        %parallel_loop3A_636 = arith.constant 48 : index
        %parallel_loop3A_637 = tpu.vector_load %arg8[%parallel_loop3A_635, %parallel_loop3A_636] {strides = array<i32>} : memref<128x128xf32, #tpu.memory_space<vmem>>, vector<1x16xf32>,
        %parallel_loop3A_638 = vector.shape_cast %parallel_loop3A_637 : vector<1x16xf32> to vector<16xf32>
        %parallel_loop3A_639 = vector.shape_cast %parallel_loop3A_634 : vector<16xf32> to vector<1x16xf32>
        tpu.vector_store %arg8[%parallel_loop3A_635, %parallel_loop3A_636], %parallel_loop3A_639 {strides = array<i32>} : memref<128x128xf32, #tpu.memory_space<vmem>>, vector<1x16xf32>,
        %parallel_loop3A_640 = arith.index_cast %parallel_loop3A_591 : i32 to index
        %parallel_loop3A_641 = arith.constant 64 : index
        %parallel_loop3A_642 = tpu.vector_load %arg8[%parallel_loop3A_640, %parallel_loop3A_641] {strides = array<i32>} : memref<128x128xf32, #tpu.memory_space<vmem>>, vector<1x16xf32>,
        %parallel_loop3A_643 = vector.shape_cast %parallel_loop3A_642 : vector<1x16xf32> to vector<16xf32>
        %parallel_loop3A_644 = arith.constant 11.3137083 : f32
        %parallel_loop3A_645 = vector.broadcast %parallel_loop3A_644 : f32 to vector<16xf32>
        %parallel_loop3A_646 = arith.mulf %parallel_loop3A_643, %parallel_loop3A_645 : vector<16xf32>
        %parallel_loop3A_647 = arith.index_cast %parallel_loop3A_591 : i32 to index
        %parallel_loop3A_648 = arith.constant 64 : index
        %parallel_loop3A_649 = tpu.vector_load %arg8[%parallel_loop3A_647, %parallel_loop3A_648] {strides = array<i32>} : memref<128x128xf32, #tpu.memory_space<vmem>>, vector<1x16xf32>,
        %parallel_loop3A_650 = vector.shape_cast %parallel_loop3A_649 : vector<1x16xf32> to vector<16xf32>
        %parallel_loop3A_651 = vector.shape_cast %parallel_loop3A_646 : vector<16xf32> to vector<1x16xf32>
        tpu.vector_store %arg8[%parallel_loop3A_647, %parallel_loop3A_648], %parallel_loop3A_651 {strides = array<i32>} : memref<128x128xf32, #tpu.memory_space<vmem>>, vector<1x16xf32>,
        %parallel_loop3A_652 = arith.index_cast %parallel_loop3A_591 : i32 to index
        %parallel_loop3A_653 = arith.constant 80 : index
        %parallel_loop3A_654 = tpu.vector_load %arg8[%parallel_loop3A_652, %parallel_loop3A_653] {strides = array<i32>} : memref<128x128xf32, #tpu.memory_space<vmem>>, vector<1x16xf32>,
        %parallel_loop3A_655 = vector.shape_cast %parallel_loop3A_654 : vector<1x16xf32> to vector<16xf32>
        %parallel_loop3A_656 = arith.constant 11.3137083 : f32
        %parallel_loop3A_657 = vector.broadcast %parallel_loop3A_656 : f32 to vector<16xf32>
        %parallel_loop3A_658 = arith.mulf %parallel_loop3A_655, %parallel_loop3A_657 : vector<16xf32>
        %parallel_loop3A_659 = arith.index_cast %parallel_loop3A_591 : i32 to index
        %parallel_loop3A_660 = arith.constant 80 : index
        %parallel_loop3A_661 = tpu.vector_load %arg8[%parallel_loop3A_659, %parallel_loop3A_660] {strides = array<i32>} : memref<128x128xf32, #tpu.memory_space<vmem>>, vector<1x16xf32>,
        %parallel_loop3A_662 = vector.shape_cast %parallel_loop3A_661 : vector<1x16xf32> to vector<16xf32>
        %parallel_loop3A_663 = vector.shape_cast %parallel_loop3A_658 : vector<16xf32> to vector<1x16xf32>
        tpu.vector_store %arg8[%parallel_loop3A_659, %parallel_loop3A_660], %parallel_loop3A_663 {strides = array<i32>} : memref<128x128xf32, #tpu.memory_space<vmem>>, vector<1x16xf32>,
        %parallel_loop3A_664 = arith.index_cast %parallel_loop3A_591 : i32 to index
        %parallel_loop3A_665 = arith.constant 96 : index
        %parallel_loop3A_666 = tpu.vector_load %arg8[%parallel_loop3A_664, %parallel_loop3A_665] {strides = array<i32>} : memref<128x128xf32, #tpu.memory_space<vmem>>, vector<1x16xf32>,
        %parallel_loop3A_667 = vector.shape_cast %parallel_loop3A_666 : vector<1x16xf32> to vector<16xf32>
        %parallel_loop3A_668 = arith.constant 11.3137083 : f32
        %parallel_loop3A_669 = vector.broadcast %parallel_loop3A_668 : f32 to vector<16xf32>
        %parallel_loop3A_670 = arith.mulf %parallel_loop3A_667, %parallel_loop3A_669 : vector<16xf32>
        %parallel_loop3A_671 = arith.index_cast %parallel_loop3A_591 : i32 to index
        %parallel_loop3A_672 = arith.constant 96 : index
        %parallel_loop3A_673 = tpu.vector_load %arg8[%parallel_loop3A_671, %parallel_loop3A_672] {strides = array<i32>} : memref<128x128xf32, #tpu.memory_space<vmem>>, vector<1x16xf32>,
        %parallel_loop3A_674 = vector.shape_cast %parallel_loop3A_673 : vector<1x16xf32> to vector<16xf32>
        %parallel_loop3A_675 = vector.shape_cast %parallel_loop3A_670 : vector<16xf32> to vector<1x16xf32>
        tpu.vector_store %arg8[%parallel_loop3A_671, %parallel_loop3A_672], %parallel_loop3A_675 {strides = array<i32>} : memref<128x128xf32, #tpu.memory_space<vmem>>, vector<1x16xf32>,
        %parallel_loop3A_676 = arith.index_cast %parallel_loop3A_591 : i32 to index
        %parallel_loop3A_677 = arith.constant 112 : index
        %parallel_loop3A_678 = tpu.vector_load %arg8[%parallel_loop3A_676, %parallel_loop3A_677] {strides = array<i32>} : memref<128x128xf32, #tpu.memory_space<vmem>>, vector<1x16xf32>,
        %parallel_loop3A_679 = vector.shape_cast %parallel_loop3A_678 : vector<1x16xf32> to vector<16xf32>
        %parallel_loop3A_680 = arith.constant 11.3137083 : f32
        %parallel_loop3A_681 = vector.broadcast %parallel_loop3A_680 : f32 to vector<16xf32>
        %parallel_loop3A_682 = arith.mulf %parallel_loop3A_679, %parallel_loop3A_681 : vector<16xf32>
        %parallel_loop3A_683 = arith.index_cast %parallel_loop3A_591 : i32 to index
        %parallel_loop3A_684 = arith.constant 112 : index
        %parallel_loop3A_685 = tpu.vector_load %arg8[%parallel_loop3A_683, %parallel_loop3A_684] {strides = array<i32>} : memref<128x128xf32, #tpu.memory_space<vmem>>, vector<1x16xf32>,
        %parallel_loop3A_686 = vector.shape_cast %parallel_loop3A_685 : vector<1x16xf32> to vector<16xf32>
        %parallel_loop3A_687 = vector.shape_cast %parallel_loop3A_682 : vector<16xf32> to vector<1x16xf32>
        tpu.vector_store %arg8[%parallel_loop3A_683, %parallel_loop3A_684], %parallel_loop3A_687 {strides = array<i32>} : memref<128x128xf32, #tpu.memory_space<vmem>>, vector<1x16xf32>,
      } {sc.loop_unroll_factor = 2 : i64, sc.parallel_access}
      %dma_start3A_524 = arith.constant 0 : i32
      %dma_start3A_525 = tpu.memref_slice %arg4[%add3A_474, %mul3A_2, %dma_start3A_524] : memref<50x4096x128xf32, #tpu.memory_space<hbm>> -> memref<1x128x128xf32, #tpu.memory_space<hbm>>
      %dma_start3A_526 = tpu.memref_squeeze %dma_start3A_525 : memref<1x128x128xf32, #tpu.memory_space<hbm>> -> memref<128x128xf32, #tpu.memory_space<hbm>>
      %dma_start3A_527 = arith.constant 0 : i32
      %dma_start3A_528 = tpu.memref_slice %arg4[%add3A_474, %mul3A_2, %dma_start3A_527] : memref<50x4096x128xf32, #tpu.memory_space<hbm>> -> memref<1x128x128xf32, #tpu.memory_space<hbm>>
      %dma_start3A_529 = tpu.memref_squeeze %dma_start3A_528 : memref<1x128x128xf32, #tpu.memory_space<hbm>> -> memref<128x128xf32, #tpu.memory_space<hbm>>
      tpu.enqueue_dma source(%arg8 : memref<128x128xf32, #tpu.memory_space<vmem>>) target(%dma_start3A_529 : memref<128x128xf32, #tpu.memory_space<hbm>>) target_semaphore(%arg16 : memref<!tpu.dma_semaphore, #tpu.memory_space<semaphore_mem>>)
      %mul3A_530 = arith.constant 4 : i32
      %mul3A_531 = arith.muli %mul3A_530, %scan3A_347 : i32
      %add3A_532 = arith.constant 4 : i32
      %add3A_533 = arith.addi %add3A_532, %mul3A_531 : i32
      %add3A_534 = arith.constant 3 : i32
      %add3A_535 = arith.addi %add3A_533, %add3A_534 : i32
      %dma_wait3A_536 = arith.constant 0 : i32
      %dma_wait3A_537 = arith.constant 0 : i32
      %dma_wait3A_538 = tpu.memref_slice %arg9[%dma_wait3A_536, %dma_wait3A_537] : memref<128x128xf32, #tpu.memory_space<vmem>> -> memref<64x128xf32, #tpu.memory_space<vmem>>
      %dma_wait3A_539 = arith.constant 0 : i32
      %dma_wait3A_540 = tpu.memref_slice %arg5[%add3A_535, %dma_wait3A_539] : memref<50x128xi32, #tpu.memory_space<vmem>> -> memref<1x64xi32, #tpu.memory_space<vmem>>
      %dma_wait3A_541 = tpu.memref_squeeze %dma_wait3A_540 : memref<1x64xi32, #tpu.memory_space<vmem>> -> memref<64xi32, #tpu.memory_space<vmem>>
      %dma_wait3A_542 = arith.constant 0 : i32
      %dma_wait3A_543 = arith.constant 0 : i32
      %dma_wait3A_544 = tpu.memref_slice %arg3[%dma_wait3A_542, %dma_wait3A_543] : memref<100000x128xf32, #tpu.memory_space<hbm>> -> memref<100000x128xf32, #tpu.memory_space<hbm>>
      tpu.wait_indirect_dma semaphore(%arg13 : memref<!tpu.dma_semaphore, #tpu.memory_space<semaphore_mem>>) src(%dma_wait3A_544 : memref<100000x128xf32, #tpu.memory_space<hbm>>) dst(%dma_wait3A_538 : memref<64x128xf32, #tpu.memory_space<vmem>>)
      %dma_wait3A_545 = arith.constant 64 : i32
      %dma_wait3A_546 = arith.constant 0 : i32
      %dma_wait3A_547 = tpu.memref_slice %arg9[%dma_wait3A_545, %dma_wait3A_546] : memref<128x128xf32, #tpu.memory_space<vmem>> -> memref<64x128xf32, #tpu.memory_space<vmem>>
      %dma_wait3A_548 = arith.constant 64 : i32
      %dma_wait3A_549 = tpu.memref_slice %arg5[%add3A_535, %dma_wait3A_548] : memref<50x128xi32, #tpu.memory_space<vmem>> -> memref<1x64xi32, #tpu.memory_space<vmem>>
      %dma_wait3A_550 = tpu.memref_squeeze %dma_wait3A_549 : memref<1x64xi32, #tpu.memory_space<vmem>> -> memref<64xi32, #tpu.memory_space<vmem>>
      %dma_wait3A_551 = arith.constant 0 : i32
      %dma_wait3A_552 = arith.constant 0 : i32
      %dma_wait3A_553 = tpu.memref_slice %arg3[%dma_wait3A_551, %dma_wait3A_552] : memref<100000x128xf32, #tpu.memory_space<hbm>> -> memref<100000x128xf32, #tpu.memory_space<hbm>>
      tpu.wait_indirect_dma semaphore(%arg13 : memref<!tpu.dma_semaphore, #tpu.memory_space<semaphore_mem>>) src(%dma_wait3A_553 : memref<100000x128xf32, #tpu.memory_space<hbm>>) dst(%dma_wait3A_547 : memref<64x128xf32, #tpu.memory_space<vmem>>)
      %sub3A_554 = arith.constant 2 : i32
      %sub3A_555 = arith.subi %add3A_535, %sub3A_554 : i32
      %dma_wait3A_556 = arith.constant 0 : i32
      %dma_wait3A_557 = tpu.memref_slice %arg4[%sub3A_555, %mul3A_2, %dma_wait3A_556] : memref<50x4096x128xf32, #tpu.memory_space<hbm>> -> memref<1x128x128xf32, #tpu.memory_space<hbm>>
      %dma_wait3A_558 = tpu.memref_squeeze %dma_wait3A_557 : memref<1x128x128xf32, #tpu.memory_space<hbm>> -> memref<128x128xf32, #tpu.memory_space<hbm>>
      %dma_wait3A_559 = arith.constant 0 : i32
      %dma_wait3A_560 = tpu.memref_slice %arg4[%sub3A_555, %mul3A_2, %dma_wait3A_559] : memref<50x4096x128xf32, #tpu.memory_space<hbm>> -> memref<1x128x128xf32, #tpu.memory_space<hbm>>
      %dma_wait3A_561 = tpu.memref_squeeze %dma_wait3A_560 : memref<1x128x128xf32, #tpu.memory_space<hbm>> -> memref<128x128xf32, #tpu.memory_space<hbm>>
      tpu.wait_dma2 semaphore(%arg15 : memref<!tpu.dma_semaphore, #tpu.memory_space<semaphore_mem>>) src(%arg7 : memref<128x128xf32, #tpu.memory_space<vmem>>) dst(%dma_wait3A_561 : memref<128x128xf32, #tpu.memory_space<hbm>>)
      %add3A_562 = arith.constant 2 : i32
      %add3A_563 = arith.addi %add3A_535, %add3A_562 : i32
      %dma_start3A_564 = arith.constant 0 : i32
      %dma_start3A_565 = arith.constant 0 : i32
      %dma_start3A_566 = tpu.memref_slice %arg7[%dma_start3A_564, %dma_start3A_565] : memref<128x128xf32, #tpu.memory_space<vmem>> -> memref<64x128xf32, #tpu.memory_space<vmem>>
      %dma_start3A_567 = arith.constant 0 : i32
      %dma_start3A_568 = tpu.memref_slice %arg5[%add3A_563, %dma_start3A_567] : memref<50x128xi32, #tpu.memory_space<vmem>> -> memref<1x64xi32, #tpu.memory_space<vmem>>
      %dma_start3A_569 = tpu.memref_squeeze %dma_start3A_568 : memref<1x64xi32, #tpu.memory_space<vmem>> -> memref<64xi32, #tpu.memory_space<vmem>>
      %dma_start3A_570 = arith.constant 0 : i32
      %dma_start3A_571 = arith.constant 0 : i32
      %dma_start3A_572 = tpu.memref_slice %arg3[%dma_start3A_570, %dma_start3A_571] : memref<100000x128xf32, #tpu.memory_space<hbm>> -> memref<100000x128xf32, #tpu.memory_space<hbm>>
      tpu.enqueue_indirect_dma source(%dma_start3A_572 : memref<100000x128xf32, #tpu.memory_space<hbm>>) target(%dma_start3A_566 : memref<64x128xf32, #tpu.memory_space<vmem>>) offsets(%dma_start3A_569 : memref<64xi32, #tpu.memory_space<vmem>>) semaphore(%arg11 : memref<!tpu.dma_semaphore, #tpu.memory_space<semaphore_mem>>)
      %dma_start3A_573 = arith.constant 64 : i32
      %dma_start3A_574 = arith.constant 0 : i32
      %dma_start3A_575 = tpu.memref_slice %arg7[%dma_start3A_573, %dma_start3A_574] : memref<128x128xf32, #tpu.memory_space<vmem>> -> memref<64x128xf32, #tpu.memory_space<vmem>>
      %dma_start3A_576 = arith.constant 64 : i32
      %dma_start3A_577 = tpu.memref_slice %arg5[%add3A_563, %dma_start3A_576] : memref<50x128xi32, #tpu.memory_space<vmem>> -> memref<1x64xi32, #tpu.memory_space<vmem>>
      %dma_start3A_578 = tpu.memref_squeeze %dma_start3A_577 : memref<1x64xi32, #tpu.memory_space<vmem>> -> memref<64xi32, #tpu.memory_space<vmem>>
      %dma_start3A_579 = arith.constant 0 : i32
      %dma_start3A_580 = arith.constant 0 : i32
      %dma_start3A_581 = tpu.memref_slice %arg3[%dma_start3A_579, %dma_start3A_580] : memref<100000x128xf32, #tpu.memory_space<hbm>> -> memref<100000x128xf32, #tpu.memory_space<hbm>>
      tpu.enqueue_indirect_dma source(%dma_start3A_581 : memref<100000x128xf32, #tpu.memory_space<hbm>>) target(%dma_start3A_575 : memref<64x128xf32, #tpu.memory_space<vmem>>) offsets(%dma_start3A_578 : memref<64xi32, #tpu.memory_space<vmem>>) semaphore(%arg11 : memref<!tpu.dma_semaphore, #tpu.memory_space<semaphore_mem>>)
      %parallel_loop3A_582 = arith.constant 0 : i32
      %parallel_loop3A_583 = arith.constant 128 : i32
      %parallel_loop3A_584 = arith.constant 1 : i32
      scf.for %parallel_loop3A_591 = %parallel_loop3A_582 to %parallel_loop3A_583 step %parallel_loop3A_584  : i32 {
        %parallel_loop3A_592 = arith.index_cast %parallel_loop3A_591 : i32 to index
        %parallel_loop3A_593 = arith.constant 0 : index
        %parallel_loop3A_594 = tpu.vector_load %arg9[%parallel_loop3A_592, %parallel_loop3A_593] {strides = array<i32>} : memref<128x128xf32, #tpu.memory_space<vmem>>, vector<1x16xf32>,
        %parallel_loop3A_595 = vector.shape_cast %parallel_loop3A_594 : vector<1x16xf32> to vector<16xf32>
        %parallel_loop3A_596 = arith.constant 11.3137083 : f32
        %parallel_loop3A_597 = vector.broadcast %parallel_loop3A_596 : f32 to vector<16xf32>
        %parallel_loop3A_598 = arith.mulf %parallel_loop3A_595, %parallel_loop3A_597 : vector<16xf32>
        %parallel_loop3A_599 = arith.index_cast %parallel_loop3A_591 : i32 to index
        %parallel_loop3A_600 = arith.constant 0 : index
        %parallel_loop3A_601 = tpu.vector_load %arg9[%parallel_loop3A_599, %parallel_loop3A_600] {strides = array<i32>} : memref<128x128xf32, #tpu.memory_space<vmem>>, vector<1x16xf32>,
        %parallel_loop3A_602 = vector.shape_cast %parallel_loop3A_601 : vector<1x16xf32> to vector<16xf32>
        %parallel_loop3A_603 = vector.shape_cast %parallel_loop3A_598 : vector<16xf32> to vector<1x16xf32>
        tpu.vector_store %arg9[%parallel_loop3A_599, %parallel_loop3A_600], %parallel_loop3A_603 {strides = array<i32>} : memref<128x128xf32, #tpu.memory_space<vmem>>, vector<1x16xf32>,
        %parallel_loop3A_604 = arith.index_cast %parallel_loop3A_591 : i32 to index
        %parallel_loop3A_605 = arith.constant 16 : index
        %parallel_loop3A_606 = tpu.vector_load %arg9[%parallel_loop3A_604, %parallel_loop3A_605] {strides = array<i32>} : memref<128x128xf32, #tpu.memory_space<vmem>>, vector<1x16xf32>,
        %parallel_loop3A_607 = vector.shape_cast %parallel_loop3A_606 : vector<1x16xf32> to vector<16xf32>
        %parallel_loop3A_608 = arith.constant 11.3137083 : f32
        %parallel_loop3A_609 = vector.broadcast %parallel_loop3A_608 : f32 to vector<16xf32>
        %parallel_loop3A_610 = arith.mulf %parallel_loop3A_607, %parallel_loop3A_609 : vector<16xf32>
        %parallel_loop3A_611 = arith.index_cast %parallel_loop3A_591 : i32 to index
        %parallel_loop3A_612 = arith.constant 16 : index
        %parallel_loop3A_613 = tpu.vector_load %arg9[%parallel_loop3A_611, %parallel_loop3A_612] {strides = array<i32>} : memref<128x128xf32, #tpu.memory_space<vmem>>, vector<1x16xf32>,
        %parallel_loop3A_614 = vector.shape_cast %parallel_loop3A_613 : vector<1x16xf32> to vector<16xf32>
        %parallel_loop3A_615 = vector.shape_cast %parallel_loop3A_610 : vector<16xf32> to vector<1x16xf32>
        tpu.vector_store %arg9[%parallel_loop3A_611, %parallel_loop3A_612], %parallel_loop3A_615 {strides = array<i32>} : memref<128x128xf32, #tpu.memory_space<vmem>>, vector<1x16xf32>,
        %parallel_loop3A_616 = arith.index_cast %parallel_loop3A_591 : i32 to index
        %parallel_loop3A_617 = arith.constant 32 : index
        %parallel_loop3A_618 = tpu.vector_load %arg9[%parallel_loop3A_616, %parallel_loop3A_617] {strides = array<i32>} : memref<128x128xf32, #tpu.memory_space<vmem>>, vector<1x16xf32>,
        %parallel_loop3A_619 = vector.shape_cast %parallel_loop3A_618 : vector<1x16xf32> to vector<16xf32>
        %parallel_loop3A_620 = arith.constant 11.3137083 : f32
        %parallel_loop3A_621 = vector.broadcast %parallel_loop3A_620 : f32 to vector<16xf32>
        %parallel_loop3A_622 = arith.mulf %parallel_loop3A_619, %parallel_loop3A_621 : vector<16xf32>
        %parallel_loop3A_623 = arith.index_cast %parallel_loop3A_591 : i32 to index
        %parallel_loop3A_624 = arith.constant 32 : index
        %parallel_loop3A_625 = tpu.vector_load %arg9[%parallel_loop3A_623, %parallel_loop3A_624] {strides = array<i32>} : memref<128x128xf32, #tpu.memory_space<vmem>>, vector<1x16xf32>,
        %parallel_loop3A_626 = vector.shape_cast %parallel_loop3A_625 : vector<1x16xf32> to vector<16xf32>
        %parallel_loop3A_627 = vector.shape_cast %parallel_loop3A_622 : vector<16xf32> to vector<1x16xf32>
        tpu.vector_store %arg9[%parallel_loop3A_623, %parallel_loop3A_624], %parallel_loop3A_627 {strides = array<i32>} : memref<128x128xf32, #tpu.memory_space<vmem>>, vector<1x16xf32>,
        %parallel_loop3A_628 = arith.index_cast %parallel_loop3A_591 : i32 to index
        %parallel_loop3A_629 = arith.constant 48 : index
        %parallel_loop3A_630 = tpu.vector_load %arg9[%parallel_loop3A_628, %parallel_loop3A_629] {strides = array<i32>} : memref<128x128xf32, #tpu.memory_space<vmem>>, vector<1x16xf32>,
        %parallel_loop3A_631 = vector.shape_cast %parallel_loop3A_630 : vector<1x16xf32> to vector<16xf32>
        %parallel_loop3A_632 = arith.constant 11.3137083 : f32
        %parallel_loop3A_633 = vector.broadcast %parallel_loop3A_632 : f32 to vector<16xf32>
        %parallel_loop3A_634 = arith.mulf %parallel_loop3A_631, %parallel_loop3A_633 : vector<16xf32>
        %parallel_loop3A_635 = arith.index_cast %parallel_loop3A_591 : i32 to index
        %parallel_loop3A_636 = arith.constant 48 : index
        %parallel_loop3A_637 = tpu.vector_load %arg9[%parallel_loop3A_635, %parallel_loop3A_636] {strides = array<i32>} : memref<128x128xf32, #tpu.memory_space<vmem>>, vector<1x16xf32>,
        %parallel_loop3A_638 = vector.shape_cast %parallel_loop3A_637 : vector<1x16xf32> to vector<16xf32>
        %parallel_loop3A_639 = vector.shape_cast %parallel_loop3A_634 : vector<16xf32> to vector<1x16xf32>
        tpu.vector_store %arg9[%parallel_loop3A_635, %parallel_loop3A_636], %parallel_loop3A_639 {strides = array<i32>} : memref<128x128xf32, #tpu.memory_space<vmem>>, vector<1x16xf32>,
        %parallel_loop3A_640 = arith.index_cast %parallel_loop3A_591 : i32 to index
        %parallel_loop3A_641 = arith.constant 64 : index
        %parallel_loop3A_642 = tpu.vector_load %arg9[%parallel_loop3A_640, %parallel_loop3A_641] {strides = array<i32>} : memref<128x128xf32, #tpu.memory_space<vmem>>, vector<1x16xf32>,
        %parallel_loop3A_643 = vector.shape_cast %parallel_loop3A_642 : vector<1x16xf32> to vector<16xf32>
        %parallel_loop3A_644 = arith.constant 11.3137083 : f32
        %parallel_loop3A_645 = vector.broadcast %parallel_loop3A_644 : f32 to vector<16xf32>
        %parallel_loop3A_646 = arith.mulf %parallel_loop3A_643, %parallel_loop3A_645 : vector<16xf32>
        %parallel_loop3A_647 = arith.index_cast %parallel_loop3A_591 : i32 to index
        %parallel_loop3A_648 = arith.constant 64 : index
        %parallel_loop3A_649 = tpu.vector_load %arg9[%parallel_loop3A_647, %parallel_loop3A_648] {strides = array<i32>} : memref<128x128xf32, #tpu.memory_space<vmem>>, vector<1x16xf32>,
        %parallel_loop3A_650 = vector.shape_cast %parallel_loop3A_649 : vector<1x16xf32> to vector<16xf32>
        %parallel_loop3A_651 = vector.shape_cast %parallel_loop3A_646 : vector<16xf32> to vector<1x16xf32>
        tpu.vector_store %arg9[%parallel_loop3A_647, %parallel_loop3A_648], %parallel_loop3A_651 {strides = array<i32>} : memref<128x128xf32, #tpu.memory_space<vmem>>, vector<1x16xf32>,
        %parallel_loop3A_652 = arith.index_cast %parallel_loop3A_591 : i32 to index
        %parallel_loop3A_653 = arith.constant 80 : index
        %parallel_loop3A_654 = tpu.vector_load %arg9[%parallel_loop3A_652, %parallel_loop3A_653] {strides = array<i32>} : memref<128x128xf32, #tpu.memory_space<vmem>>, vector<1x16xf32>,
        %parallel_loop3A_655 = vector.shape_cast %parallel_loop3A_654 : vector<1x16xf32> to vector<16xf32>
        %parallel_loop3A_656 = arith.constant 11.3137083 : f32
        %parallel_loop3A_657 = vector.broadcast %parallel_loop3A_656 : f32 to vector<16xf32>
        %parallel_loop3A_658 = arith.mulf %parallel_loop3A_655, %parallel_loop3A_657 : vector<16xf32>
        %parallel_loop3A_659 = arith.index_cast %parallel_loop3A_591 : i32 to index
        %parallel_loop3A_660 = arith.constant 80 : index
        %parallel_loop3A_661 = tpu.vector_load %arg9[%parallel_loop3A_659, %parallel_loop3A_660] {strides = array<i32>} : memref<128x128xf32, #tpu.memory_space<vmem>>, vector<1x16xf32>,
        %parallel_loop3A_662 = vector.shape_cast %parallel_loop3A_661 : vector<1x16xf32> to vector<16xf32>
        %parallel_loop3A_663 = vector.shape_cast %parallel_loop3A_658 : vector<16xf32> to vector<1x16xf32>
        tpu.vector_store %arg9[%parallel_loop3A_659, %parallel_loop3A_660], %parallel_loop3A_663 {strides = array<i32>} : memref<128x128xf32, #tpu.memory_space<vmem>>, vector<1x16xf32>,
        %parallel_loop3A_664 = arith.index_cast %parallel_loop3A_591 : i32 to index
        %parallel_loop3A_665 = arith.constant 96 : index
        %parallel_loop3A_666 = tpu.vector_load %arg9[%parallel_loop3A_664, %parallel_loop3A_665] {strides = array<i32>} : memref<128x128xf32, #tpu.memory_space<vmem>>, vector<1x16xf32>,
        %parallel_loop3A_667 = vector.shape_cast %parallel_loop3A_666 : vector<1x16xf32> to vector<16xf32>
        %parallel_loop3A_668 = arith.constant 11.3137083 : f32
        %parallel_loop3A_669 = vector.broadcast %parallel_loop3A_668 : f32 to vector<16xf32>
        %parallel_loop3A_670 = arith.mulf %parallel_loop3A_667, %parallel_loop3A_669 : vector<16xf32>
        %parallel_loop3A_671 = arith.index_cast %parallel_loop3A_591 : i32 to index
        %parallel_loop3A_672 = arith.constant 96 : index
        %parallel_loop3A_673 = tpu.vector_load %arg9[%parallel_loop3A_671, %parallel_loop3A_672] {strides = array<i32>} : memref<128x128xf32, #tpu.memory_space<vmem>>, vector<1x16xf32>,
        %parallel_loop3A_674 = vector.shape_cast %parallel_loop3A_673 : vector<1x16xf32> to vector<16xf32>
        %parallel_loop3A_675 = vector.shape_cast %parallel_loop3A_670 : vector<16xf32> to vector<1x16xf32>
        tpu.vector_store %arg9[%parallel_loop3A_671, %parallel_loop3A_672], %parallel_loop3A_675 {strides = array<i32>} : memref<128x128xf32, #tpu.memory_space<vmem>>, vector<1x16xf32>,
        %parallel_loop3A_676 = arith.index_cast %parallel_loop3A_591 : i32 to index
        %parallel_loop3A_677 = arith.constant 112 : index
        %parallel_loop3A_678 = tpu.vector_load %arg9[%parallel_loop3A_676, %parallel_loop3A_677] {strides = array<i32>} : memref<128x128xf32, #tpu.memory_space<vmem>>, vector<1x16xf32>,
        %parallel_loop3A_679 = vector.shape_cast %parallel_loop3A_678 : vector<1x16xf32> to vector<16xf32>
        %parallel_loop3A_680 = arith.constant 11.3137083 : f32
        %parallel_loop3A_681 = vector.broadcast %parallel_loop3A_680 : f32 to vector<16xf32>
        %parallel_loop3A_682 = arith.mulf %parallel_loop3A_679, %parallel_loop3A_681 : vector<16xf32>
        %parallel_loop3A_683 = arith.index_cast %parallel_loop3A_591 : i32 to index
        %parallel_loop3A_684 = arith.constant 112 : index
        %parallel_loop3A_685 = tpu.vector_load %arg9[%parallel_loop3A_683, %parallel_loop3A_684] {strides = array<i32>} : memref<128x128xf32, #tpu.memory_space<vmem>>, vector<1x16xf32>,
        %parallel_loop3A_686 = vector.shape_cast %parallel_loop3A_685 : vector<1x16xf32> to vector<16xf32>
        %parallel_loop3A_687 = vector.shape_cast %parallel_loop3A_682 : vector<16xf32> to vector<1x16xf32>
        tpu.vector_store %arg9[%parallel_loop3A_683, %parallel_loop3A_684], %parallel_loop3A_687 {strides = array<i32>} : memref<128x128xf32, #tpu.memory_space<vmem>>, vector<1x16xf32>,
      } {sc.loop_unroll_factor = 2 : i64, sc.parallel_access}
      %dma_start3A_585 = arith.constant 0 : i32
      %dma_start3A_586 = tpu.memref_slice %arg4[%add3A_535, %mul3A_2, %dma_start3A_585] : memref<50x4096x128xf32, #tpu.memory_space<hbm>> -> memref<1x128x128xf32, #tpu.memory_space<hbm>>
      %dma_start3A_587 = tpu.memref_squeeze %dma_start3A_586 : memref<1x128x128xf32, #tpu.memory_space<hbm>> -> memref<128x128xf32, #tpu.memory_space<hbm>>
      %dma_start3A_588 = arith.constant 0 : i32
      %dma_start3A_589 = tpu.memref_slice %arg4[%add3A_535, %mul3A_2, %dma_start3A_588] : memref<50x4096x128xf32, #tpu.memory_space<hbm>> -> memref<1x128x128xf32, #tpu.memory_space<hbm>>
      %dma_start3A_590 = tpu.memref_squeeze %dma_start3A_589 : memref<1x128x128xf32, #tpu.memory_space<hbm>> -> memref<128x128xf32, #tpu.memory_space<hbm>>
      tpu.enqueue_dma source(%arg9 : memref<128x128xf32, #tpu.memory_space<vmem>>) target(%dma_start3A_590 : memref<128x128xf32, #tpu.memory_space<hbm>>) target_semaphore(%arg17 : memref<!tpu.dma_semaphore, #tpu.memory_space<semaphore_mem>>)
    }
    %scan3A_258 = arith.constant 11 : i32
    %dma_wait3A_259 = arith.constant 48 : i32
    %dma_wait3A_260 = arith.constant 0 : i32
    %dma_wait3A_261 = arith.constant 0 : i32
    %dma_wait3A_262 = tpu.memref_slice %arg6[%dma_wait3A_260, %dma_wait3A_261] : memref<128x128xf32, #tpu.memory_space<vmem>> -> memref<64x128xf32, #tpu.memory_space<vmem>>
    %dma_wait3A_263 = arith.constant 0 : i32
    %dma_wait3A_264 = tpu.memref_slice %arg5[%dma_wait3A_259, %dma_wait3A_263] : memref<50x128xi32, #tpu.memory_space<vmem>> -> memref<1x64xi32, #tpu.memory_space<vmem>>
    %dma_wait3A_265 = tpu.memref_squeeze %dma_wait3A_264 : memref<1x64xi32, #tpu.memory_space<vmem>> -> memref<64xi32, #tpu.memory_space<vmem>>
    %dma_wait3A_266 = arith.constant 0 : i32
    %dma_wait3A_267 = arith.constant 0 : i32
    %dma_wait3A_268 = tpu.memref_slice %arg3[%dma_wait3A_266, %dma_wait3A_267] : memref<100000x128xf32, #tpu.memory_space<hbm>> -> memref<100000x128xf32, #tpu.memory_space<hbm>>
    tpu.wait_indirect_dma semaphore(%arg10 : memref<!tpu.dma_semaphore, #tpu.memory_space<semaphore_mem>>) src(%dma_wait3A_268 : memref<100000x128xf32, #tpu.memory_space<hbm>>) dst(%dma_wait3A_262 : memref<64x128xf32, #tpu.memory_space<vmem>>)
    %dma_wait3A_269 = arith.constant 48 : i32
    %dma_wait3A_270 = arith.constant 64 : i32
    %dma_wait3A_271 = arith.constant 0 : i32
    %dma_wait3A_272 = tpu.memref_slice %arg6[%dma_wait3A_270, %dma_wait3A_271] : memref<128x128xf32, #tpu.memory_space<vmem>> -> memref<64x128xf32, #tpu.memory_space<vmem>>
    %dma_wait3A_273 = arith.constant 64 : i32
    %dma_wait3A_274 = tpu.memref_slice %arg5[%dma_wait3A_269, %dma_wait3A_273] : memref<50x128xi32, #tpu.memory_space<vmem>> -> memref<1x64xi32, #tpu.memory_space<vmem>>
    %dma_wait3A_275 = tpu.memref_squeeze %dma_wait3A_274 : memref<1x64xi32, #tpu.memory_space<vmem>> -> memref<64xi32, #tpu.memory_space<vmem>>
    %dma_wait3A_276 = arith.constant 0 : i32
    %dma_wait3A_277 = arith.constant 0 : i32
    %dma_wait3A_278 = tpu.memref_slice %arg3[%dma_wait3A_276, %dma_wait3A_277] : memref<100000x128xf32, #tpu.memory_space<hbm>> -> memref<100000x128xf32, #tpu.memory_space<hbm>>
    tpu.wait_indirect_dma semaphore(%arg10 : memref<!tpu.dma_semaphore, #tpu.memory_space<semaphore_mem>>) src(%dma_wait3A_278 : memref<100000x128xf32, #tpu.memory_space<hbm>>) dst(%dma_wait3A_272 : memref<64x128xf32, #tpu.memory_space<vmem>>)
    %dma_wait3A_279 = arith.constant 46 : i32
    %dma_wait3A_280 = arith.constant 0 : i32
    %dma_wait3A_281 = tpu.memref_slice %arg4[%dma_wait3A_279, %mul3A_2, %dma_wait3A_280] : memref<50x4096x128xf32, #tpu.memory_space<hbm>> -> memref<1x128x128xf32, #tpu.memory_space<hbm>>
    %dma_wait3A_282 = tpu.memref_squeeze %dma_wait3A_281 : memref<1x128x128xf32, #tpu.memory_space<hbm>> -> memref<128x128xf32, #tpu.memory_space<hbm>>
    %dma_wait3A_283 = arith.constant 0 : i32
    %dma_wait3A_284 = tpu.memref_slice %arg4[%dma_wait3A_279, %mul3A_2, %dma_wait3A_283] : memref<50x4096x128xf32, #tpu.memory_space<hbm>> -> memref<1x128x128xf32, #tpu.memory_space<hbm>>
    %dma_wait3A_285 = tpu.memref_squeeze %dma_wait3A_284 : memref<1x128x128xf32, #tpu.memory_space<hbm>> -> memref<128x128xf32, #tpu.memory_space<hbm>>
    tpu.wait_dma2 semaphore(%arg16 : memref<!tpu.dma_semaphore, #tpu.memory_space<semaphore_mem>>) src(%arg8 : memref<128x128xf32, #tpu.memory_space<vmem>>) dst(%dma_wait3A_285 : memref<128x128xf32, #tpu.memory_space<hbm>>)
    %parallel_loop3A_286 = arith.constant 0 : i32
    %parallel_loop3A_287 = arith.constant 128 : i32
    %parallel_loop3A_288 = arith.constant 1 : i32
    scf.for %parallel_loop3A_347 = %parallel_loop3A_286 to %parallel_loop3A_287 step %parallel_loop3A_288  : i32 {
      %parallel_loop3A_348 = arith.index_cast %parallel_loop3A_347 : i32 to index
      %parallel_loop3A_349 = arith.constant 0 : index
      %parallel_loop3A_350 = tpu.vector_load %arg6[%parallel_loop3A_348, %parallel_loop3A_349] {strides = array<i32>} : memref<128x128xf32, #tpu.memory_space<vmem>>, vector<1x16xf32>,
      %parallel_loop3A_351 = vector.shape_cast %parallel_loop3A_350 : vector<1x16xf32> to vector<16xf32>
      %parallel_loop3A_352 = arith.constant 11.3137083 : f32
      %parallel_loop3A_353 = vector.broadcast %parallel_loop3A_352 : f32 to vector<16xf32>
      %parallel_loop3A_354 = arith.mulf %parallel_loop3A_351, %parallel_loop3A_353 : vector<16xf32>
      %parallel_loop3A_355 = arith.index_cast %parallel_loop3A_347 : i32 to index
      %parallel_loop3A_356 = arith.constant 0 : index
      %parallel_loop3A_357 = tpu.vector_load %arg6[%parallel_loop3A_355, %parallel_loop3A_356] {strides = array<i32>} : memref<128x128xf32, #tpu.memory_space<vmem>>, vector<1x16xf32>,
      %parallel_loop3A_358 = vector.shape_cast %parallel_loop3A_357 : vector<1x16xf32> to vector<16xf32>
      %parallel_loop3A_359 = vector.shape_cast %parallel_loop3A_354 : vector<16xf32> to vector<1x16xf32>
      tpu.vector_store %arg6[%parallel_loop3A_355, %parallel_loop3A_356], %parallel_loop3A_359 {strides = array<i32>} : memref<128x128xf32, #tpu.memory_space<vmem>>, vector<1x16xf32>,
      %parallel_loop3A_360 = arith.index_cast %parallel_loop3A_347 : i32 to index
      %parallel_loop3A_361 = arith.constant 16 : index
      %parallel_loop3A_362 = tpu.vector_load %arg6[%parallel_loop3A_360, %parallel_loop3A_361] {strides = array<i32>} : memref<128x128xf32, #tpu.memory_space<vmem>>, vector<1x16xf32>,
      %parallel_loop3A_363 = vector.shape_cast %parallel_loop3A_362 : vector<1x16xf32> to vector<16xf32>
      %parallel_loop3A_364 = arith.constant 11.3137083 : f32
      %parallel_loop3A_365 = vector.broadcast %parallel_loop3A_364 : f32 to vector<16xf32>
      %parallel_loop3A_366 = arith.mulf %parallel_loop3A_363, %parallel_loop3A_365 : vector<16xf32>
      %parallel_loop3A_367 = arith.index_cast %parallel_loop3A_347 : i32 to index
      %parallel_loop3A_368 = arith.constant 16 : index
      %parallel_loop3A_369 = tpu.vector_load %arg6[%parallel_loop3A_367, %parallel_loop3A_368] {strides = array<i32>} : memref<128x128xf32, #tpu.memory_space<vmem>>, vector<1x16xf32>,
      %parallel_loop3A_370 = vector.shape_cast %parallel_loop3A_369 : vector<1x16xf32> to vector<16xf32>
      %parallel_loop3A_371 = vector.shape_cast %parallel_loop3A_366 : vector<16xf32> to vector<1x16xf32>
      tpu.vector_store %arg6[%parallel_loop3A_367, %parallel_loop3A_368], %parallel_loop3A_371 {strides = array<i32>} : memref<128x128xf32, #tpu.memory_space<vmem>>, vector<1x16xf32>,
      %parallel_loop3A_372 = arith.index_cast %parallel_loop3A_347 : i32 to index
      %parallel_loop3A_373 = arith.constant 32 : index
      %parallel_loop3A_374 = tpu.vector_load %arg6[%parallel_loop3A_372, %parallel_loop3A_373] {strides = array<i32>} : memref<128x128xf32, #tpu.memory_space<vmem>>, vector<1x16xf32>,
      %parallel_loop3A_375 = vector.shape_cast %parallel_loop3A_374 : vector<1x16xf32> to vector<16xf32>
      %parallel_loop3A_376 = arith.constant 11.3137083 : f32
      %parallel_loop3A_377 = vector.broadcast %parallel_loop3A_376 : f32 to vector<16xf32>
      %parallel_loop3A_378 = arith.mulf %parallel_loop3A_375, %parallel_loop3A_377 : vector<16xf32>
      %parallel_loop3A_379 = arith.index_cast %parallel_loop3A_347 : i32 to index
      %parallel_loop3A_380 = arith.constant 32 : index
      %parallel_loop3A_381 = tpu.vector_load %arg6[%parallel_loop3A_379, %parallel_loop3A_380] {strides = array<i32>} : memref<128x128xf32, #tpu.memory_space<vmem>>, vector<1x16xf32>,
      %parallel_loop3A_382 = vector.shape_cast %parallel_loop3A_381 : vector<1x16xf32> to vector<16xf32>
      %parallel_loop3A_383 = vector.shape_cast %parallel_loop3A_378 : vector<16xf32> to vector<1x16xf32>
      tpu.vector_store %arg6[%parallel_loop3A_379, %parallel_loop3A_380], %parallel_loop3A_383 {strides = array<i32>} : memref<128x128xf32, #tpu.memory_space<vmem>>, vector<1x16xf32>,
      %parallel_loop3A_384 = arith.index_cast %parallel_loop3A_347 : i32 to index
      %parallel_loop3A_385 = arith.constant 48 : index
      %parallel_loop3A_386 = tpu.vector_load %arg6[%parallel_loop3A_384, %parallel_loop3A_385] {strides = array<i32>} : memref<128x128xf32, #tpu.memory_space<vmem>>, vector<1x16xf32>,
      %parallel_loop3A_387 = vector.shape_cast %parallel_loop3A_386 : vector<1x16xf32> to vector<16xf32>
      %parallel_loop3A_388 = arith.constant 11.3137083 : f32
      %parallel_loop3A_389 = vector.broadcast %parallel_loop3A_388 : f32 to vector<16xf32>
      %parallel_loop3A_390 = arith.mulf %parallel_loop3A_387, %parallel_loop3A_389 : vector<16xf32>
      %parallel_loop3A_391 = arith.index_cast %parallel_loop3A_347 : i32 to index
      %parallel_loop3A_392 = arith.constant 48 : index
      %parallel_loop3A_393 = tpu.vector_load %arg6[%parallel_loop3A_391, %parallel_loop3A_392] {strides = array<i32>} : memref<128x128xf32, #tpu.memory_space<vmem>>, vector<1x16xf32>,
      %parallel_loop3A_394 = vector.shape_cast %parallel_loop3A_393 : vector<1x16xf32> to vector<16xf32>
      %parallel_loop3A_395 = vector.shape_cast %parallel_loop3A_390 : vector<16xf32> to vector<1x16xf32>
      tpu.vector_store %arg6[%parallel_loop3A_391, %parallel_loop3A_392], %parallel_loop3A_395 {strides = array<i32>} : memref<128x128xf32, #tpu.memory_space<vmem>>, vector<1x16xf32>,
      %parallel_loop3A_396 = arith.index_cast %parallel_loop3A_347 : i32 to index
      %parallel_loop3A_397 = arith.constant 64 : index
      %parallel_loop3A_398 = tpu.vector_load %arg6[%parallel_loop3A_396, %parallel_loop3A_397] {strides = array<i32>} : memref<128x128xf32, #tpu.memory_space<vmem>>, vector<1x16xf32>,
      %parallel_loop3A_399 = vector.shape_cast %parallel_loop3A_398 : vector<1x16xf32> to vector<16xf32>
      %parallel_loop3A_400 = arith.constant 11.3137083 : f32
      %parallel_loop3A_401 = vector.broadcast %parallel_loop3A_400 : f32 to vector<16xf32>
      %parallel_loop3A_402 = arith.mulf %parallel_loop3A_399, %parallel_loop3A_401 : vector<16xf32>
      %parallel_loop3A_403 = arith.index_cast %parallel_loop3A_347 : i32 to index
      %parallel_loop3A_404 = arith.constant 64 : index
      %parallel_loop3A_405 = tpu.vector_load %arg6[%parallel_loop3A_403, %parallel_loop3A_404] {strides = array<i32>} : memref<128x128xf32, #tpu.memory_space<vmem>>, vector<1x16xf32>,
      %parallel_loop3A_406 = vector.shape_cast %parallel_loop3A_405 : vector<1x16xf32> to vector<16xf32>
      %parallel_loop3A_407 = vector.shape_cast %parallel_loop3A_402 : vector<16xf32> to vector<1x16xf32>
      tpu.vector_store %arg6[%parallel_loop3A_403, %parallel_loop3A_404], %parallel_loop3A_407 {strides = array<i32>} : memref<128x128xf32, #tpu.memory_space<vmem>>, vector<1x16xf32>,
      %parallel_loop3A_408 = arith.index_cast %parallel_loop3A_347 : i32 to index
      %parallel_loop3A_409 = arith.constant 80 : index
      %parallel_loop3A_410 = tpu.vector_load %arg6[%parallel_loop3A_408, %parallel_loop3A_409] {strides = array<i32>} : memref<128x128xf32, #tpu.memory_space<vmem>>, vector<1x16xf32>,
      %parallel_loop3A_411 = vector.shape_cast %parallel_loop3A_410 : vector<1x16xf32> to vector<16xf32>
      %parallel_loop3A_412 = arith.constant 11.3137083 : f32
      %parallel_loop3A_413 = vector.broadcast %parallel_loop3A_412 : f32 to vector<16xf32>
      %parallel_loop3A_414 = arith.mulf %parallel_loop3A_411, %parallel_loop3A_413 : vector<16xf32>
      %parallel_loop3A_415 = arith.index_cast %parallel_loop3A_347 : i32 to index
      %parallel_loop3A_416 = arith.constant 80 : index
      %parallel_loop3A_417 = tpu.vector_load %arg6[%parallel_loop3A_415, %parallel_loop3A_416] {strides = array<i32>} : memref<128x128xf32, #tpu.memory_space<vmem>>, vector<1x16xf32>,
      %parallel_loop3A_418 = vector.shape_cast %parallel_loop3A_417 : vector<1x16xf32> to vector<16xf32>
      %parallel_loop3A_419 = vector.shape_cast %parallel_loop3A_414 : vector<16xf32> to vector<1x16xf32>
      tpu.vector_store %arg6[%parallel_loop3A_415, %parallel_loop3A_416], %parallel_loop3A_419 {strides = array<i32>} : memref<128x128xf32, #tpu.memory_space<vmem>>, vector<1x16xf32>,
      %parallel_loop3A_420 = arith.index_cast %parallel_loop3A_347 : i32 to index
      %parallel_loop3A_421 = arith.constant 96 : index
      %parallel_loop3A_422 = tpu.vector_load %arg6[%parallel_loop3A_420, %parallel_loop3A_421] {strides = array<i32>} : memref<128x128xf32, #tpu.memory_space<vmem>>, vector<1x16xf32>,
      %parallel_loop3A_423 = vector.shape_cast %parallel_loop3A_422 : vector<1x16xf32> to vector<16xf32>
      %parallel_loop3A_424 = arith.constant 11.3137083 : f32
      %parallel_loop3A_425 = vector.broadcast %parallel_loop3A_424 : f32 to vector<16xf32>
      %parallel_loop3A_426 = arith.mulf %parallel_loop3A_423, %parallel_loop3A_425 : vector<16xf32>
      %parallel_loop3A_427 = arith.index_cast %parallel_loop3A_347 : i32 to index
      %parallel_loop3A_428 = arith.constant 96 : index
      %parallel_loop3A_429 = tpu.vector_load %arg6[%parallel_loop3A_427, %parallel_loop3A_428] {strides = array<i32>} : memref<128x128xf32, #tpu.memory_space<vmem>>, vector<1x16xf32>,
      %parallel_loop3A_430 = vector.shape_cast %parallel_loop3A_429 : vector<1x16xf32> to vector<16xf32>
      %parallel_loop3A_431 = vector.shape_cast %parallel_loop3A_426 : vector<16xf32> to vector<1x16xf32>
      tpu.vector_store %arg6[%parallel_loop3A_427, %parallel_loop3A_428], %parallel_loop3A_431 {strides = array<i32>} : memref<128x128xf32, #tpu.memory_space<vmem>>, vector<1x16xf32>,
      %parallel_loop3A_432 = arith.index_cast %parallel_loop3A_347 : i32 to index
      %parallel_loop3A_433 = arith.constant 112 : index
      %parallel_loop3A_434 = tpu.vector_load %arg6[%parallel_loop3A_432, %parallel_loop3A_433] {strides = array<i32>} : memref<128x128xf32, #tpu.memory_space<vmem>>, vector<1x16xf32>,
      %parallel_loop3A_435 = vector.shape_cast %parallel_loop3A_434 : vector<1x16xf32> to vector<16xf32>
      %parallel_loop3A_436 = arith.constant 11.3137083 : f32
      %parallel_loop3A_437 = vector.broadcast %parallel_loop3A_436 : f32 to vector<16xf32>
      %parallel_loop3A_438 = arith.mulf %parallel_loop3A_435, %parallel_loop3A_437 : vector<16xf32>
      %parallel_loop3A_439 = arith.index_cast %parallel_loop3A_347 : i32 to index
      %parallel_loop3A_440 = arith.constant 112 : index
      %parallel_loop3A_441 = tpu.vector_load %arg6[%parallel_loop3A_439, %parallel_loop3A_440] {strides = array<i32>} : memref<128x128xf32, #tpu.memory_space<vmem>>, vector<1x16xf32>,
      %parallel_loop3A_442 = vector.shape_cast %parallel_loop3A_441 : vector<1x16xf32> to vector<16xf32>
      %parallel_loop3A_443 = vector.shape_cast %parallel_loop3A_438 : vector<16xf32> to vector<1x16xf32>
      tpu.vector_store %arg6[%parallel_loop3A_439, %parallel_loop3A_440], %parallel_loop3A_443 {strides = array<i32>} : memref<128x128xf32, #tpu.memory_space<vmem>>, vector<1x16xf32>,
    } {sc.loop_unroll_factor = 2 : i64, sc.parallel_access}
    %dma_start3A_289 = arith.constant 48 : i32
    %dma_start3A_290 = arith.constant 0 : i32
    %dma_start3A_291 = tpu.memref_slice %arg4[%dma_start3A_289, %mul3A_2, %dma_start3A_290] : memref<50x4096x128xf32, #tpu.memory_space<hbm>> -> memref<1x128x128xf32, #tpu.memory_space<hbm>>
    %dma_start3A_292 = tpu.memref_squeeze %dma_start3A_291 : memref<1x128x128xf32, #tpu.memory_space<hbm>> -> memref<128x128xf32, #tpu.memory_space<hbm>>
    %dma_start3A_293 = arith.constant 0 : i32
    %dma_start3A_294 = tpu.memref_slice %arg4[%dma_start3A_289, %mul3A_2, %dma_start3A_293] : memref<50x4096x128xf32, #tpu.memory_space<hbm>> -> memref<1x128x128xf32, #tpu.memory_space<hbm>>
    %dma_start3A_295 = tpu.memref_squeeze %dma_start3A_294 : memref<1x128x128xf32, #tpu.memory_space<hbm>> -> memref<128x128xf32, #tpu.memory_space<hbm>>
    tpu.enqueue_dma source(%arg6 : memref<128x128xf32, #tpu.memory_space<vmem>>) target(%dma_start3A_295 : memref<128x128xf32, #tpu.memory_space<hbm>>) target_semaphore(%arg14 : memref<!tpu.dma_semaphore, #tpu.memory_space<semaphore_mem>>)
    %dma_wait3A_296 = arith.constant 49 : i32
    %dma_wait3A_297 = arith.constant 0 : i32
    %dma_wait3A_298 = arith.constant 0 : i32
    %dma_wait3A_299 = tpu.memref_slice %arg7[%dma_wait3A_297, %dma_wait3A_298] : memref<128x128xf32, #tpu.memory_space<vmem>> -> memref<64x128xf32, #tpu.memory_space<vmem>>
    %dma_wait3A_300 = arith.constant 0 : i32
    %dma_wait3A_301 = tpu.memref_slice %arg5[%dma_wait3A_296, %dma_wait3A_300] : memref<50x128xi32, #tpu.memory_space<vmem>> -> memref<1x64xi32, #tpu.memory_space<vmem>>
    %dma_wait3A_302 = tpu.memref_squeeze %dma_wait3A_301 : memref<1x64xi32, #tpu.memory_space<vmem>> -> memref<64xi32, #tpu.memory_space<vmem>>
    %dma_wait3A_303 = arith.constant 0 : i32
    %dma_wait3A_304 = arith.constant 0 : i32
    %dma_wait3A_305 = tpu.memref_slice %arg3[%dma_wait3A_303, %dma_wait3A_304] : memref<100000x128xf32, #tpu.memory_space<hbm>> -> memref<100000x128xf32, #tpu.memory_space<hbm>>
    tpu.wait_indirect_dma semaphore(%arg11 : memref<!tpu.dma_semaphore, #tpu.memory_space<semaphore_mem>>) src(%dma_wait3A_305 : memref<100000x128xf32, #tpu.memory_space<hbm>>) dst(%dma_wait3A_299 : memref<64x128xf32, #tpu.memory_space<vmem>>)
    %dma_wait3A_306 = arith.constant 49 : i32
    %dma_wait3A_307 = arith.constant 64 : i32
    %dma_wait3A_308 = arith.constant 0 : i32
    %dma_wait3A_309 = tpu.memref_slice %arg7[%dma_wait3A_307, %dma_wait3A_308] : memref<128x128xf32, #tpu.memory_space<vmem>> -> memref<64x128xf32, #tpu.memory_space<vmem>>
    %dma_wait3A_310 = arith.constant 64 : i32
    %dma_wait3A_311 = tpu.memref_slice %arg5[%dma_wait3A_306, %dma_wait3A_310] : memref<50x128xi32, #tpu.memory_space<vmem>> -> memref<1x64xi32, #tpu.memory_space<vmem>>
    %dma_wait3A_312 = tpu.memref_squeeze %dma_wait3A_311 : memref<1x64xi32, #tpu.memory_space<vmem>> -> memref<64xi32, #tpu.memory_space<vmem>>
    %dma_wait3A_313 = arith.constant 0 : i32
    %dma_wait3A_314 = arith.constant 0 : i32
    %dma_wait3A_315 = tpu.memref_slice %arg3[%dma_wait3A_313, %dma_wait3A_314] : memref<100000x128xf32, #tpu.memory_space<hbm>> -> memref<100000x128xf32, #tpu.memory_space<hbm>>
    tpu.wait_indirect_dma semaphore(%arg11 : memref<!tpu.dma_semaphore, #tpu.memory_space<semaphore_mem>>) src(%dma_wait3A_315 : memref<100000x128xf32, #tpu.memory_space<hbm>>) dst(%dma_wait3A_309 : memref<64x128xf32, #tpu.memory_space<vmem>>)
    %dma_wait3A_316 = arith.constant 47 : i32
    %dma_wait3A_317 = arith.constant 0 : i32
    %dma_wait3A_318 = tpu.memref_slice %arg4[%dma_wait3A_316, %mul3A_2, %dma_wait3A_317] : memref<50x4096x128xf32, #tpu.memory_space<hbm>> -> memref<1x128x128xf32, #tpu.memory_space<hbm>>
    %dma_wait3A_319 = tpu.memref_squeeze %dma_wait3A_318 : memref<1x128x128xf32, #tpu.memory_space<hbm>> -> memref<128x128xf32, #tpu.memory_space<hbm>>
    %dma_wait3A_320 = arith.constant 0 : i32
    %dma_wait3A_321 = tpu.memref_slice %arg4[%dma_wait3A_316, %mul3A_2, %dma_wait3A_320] : memref<50x4096x128xf32, #tpu.memory_space<hbm>> -> memref<1x128x128xf32, #tpu.memory_space<hbm>>
    %dma_wait3A_322 = tpu.memref_squeeze %dma_wait3A_321 : memref<1x128x128xf32, #tpu.memory_space<hbm>> -> memref<128x128xf32, #tpu.memory_space<hbm>>
    tpu.wait_dma2 semaphore(%arg17 : memref<!tpu.dma_semaphore, #tpu.memory_space<semaphore_mem>>) src(%arg9 : memref<128x128xf32, #tpu.memory_space<vmem>>) dst(%dma_wait3A_322 : memref<128x128xf32, #tpu.memory_space<hbm>>)
    %parallel_loop3A_323 = arith.constant 0 : i32
    %parallel_loop3A_324 = arith.constant 128 : i32
    %parallel_loop3A_325 = arith.constant 1 : i32
    scf.for %parallel_loop3A_347 = %parallel_loop3A_323 to %parallel_loop3A_324 step %parallel_loop3A_325  : i32 {
      %parallel_loop3A_348 = arith.index_cast %parallel_loop3A_347 : i32 to index
      %parallel_loop3A_349 = arith.constant 0 : index
      %parallel_loop3A_350 = tpu.vector_load %arg7[%parallel_loop3A_348, %parallel_loop3A_349] {strides = array<i32>} : memref<128x128xf32, #tpu.memory_space<vmem>>, vector<1x16xf32>,
      %parallel_loop3A_351 = vector.shape_cast %parallel_loop3A_350 : vector<1x16xf32> to vector<16xf32>
      %parallel_loop3A_352 = arith.constant 11.3137083 : f32
      %parallel_loop3A_353 = vector.broadcast %parallel_loop3A_352 : f32 to vector<16xf32>
      %parallel_loop3A_354 = arith.mulf %parallel_loop3A_351, %parallel_loop3A_353 : vector<16xf32>
      %parallel_loop3A_355 = arith.index_cast %parallel_loop3A_347 : i32 to index
      %parallel_loop3A_356 = arith.constant 0 : index
      %parallel_loop3A_357 = tpu.vector_load %arg7[%parallel_loop3A_355, %parallel_loop3A_356] {strides = array<i32>} : memref<128x128xf32, #tpu.memory_space<vmem>>, vector<1x16xf32>,
      %parallel_loop3A_358 = vector.shape_cast %parallel_loop3A_357 : vector<1x16xf32> to vector<16xf32>
      %parallel_loop3A_359 = vector.shape_cast %parallel_loop3A_354 : vector<16xf32> to vector<1x16xf32>
      tpu.vector_store %arg7[%parallel_loop3A_355, %parallel_loop3A_356], %parallel_loop3A_359 {strides = array<i32>} : memref<128x128xf32, #tpu.memory_space<vmem>>, vector<1x16xf32>,
      %parallel_loop3A_360 = arith.index_cast %parallel_loop3A_347 : i32 to index
      %parallel_loop3A_361 = arith.constant 16 : index
      %parallel_loop3A_362 = tpu.vector_load %arg7[%parallel_loop3A_360, %parallel_loop3A_361] {strides = array<i32>} : memref<128x128xf32, #tpu.memory_space<vmem>>, vector<1x16xf32>,
      %parallel_loop3A_363 = vector.shape_cast %parallel_loop3A_362 : vector<1x16xf32> to vector<16xf32>
      %parallel_loop3A_364 = arith.constant 11.3137083 : f32
      %parallel_loop3A_365 = vector.broadcast %parallel_loop3A_364 : f32 to vector<16xf32>
      %parallel_loop3A_366 = arith.mulf %parallel_loop3A_363, %parallel_loop3A_365 : vector<16xf32>
      %parallel_loop3A_367 = arith.index_cast %parallel_loop3A_347 : i32 to index
      %parallel_loop3A_368 = arith.constant 16 : index
      %parallel_loop3A_369 = tpu.vector_load %arg7[%parallel_loop3A_367, %parallel_loop3A_368] {strides = array<i32>} : memref<128x128xf32, #tpu.memory_space<vmem>>, vector<1x16xf32>,
      %parallel_loop3A_370 = vector.shape_cast %parallel_loop3A_369 : vector<1x16xf32> to vector<16xf32>
      %parallel_loop3A_371 = vector.shape_cast %parallel_loop3A_366 : vector<16xf32> to vector<1x16xf32>
      tpu.vector_store %arg7[%parallel_loop3A_367, %parallel_loop3A_368], %parallel_loop3A_371 {strides = array<i32>} : memref<128x128xf32, #tpu.memory_space<vmem>>, vector<1x16xf32>,
      %parallel_loop3A_372 = arith.index_cast %parallel_loop3A_347 : i32 to index
      %parallel_loop3A_373 = arith.constant 32 : index
      %parallel_loop3A_374 = tpu.vector_load %arg7[%parallel_loop3A_372, %parallel_loop3A_373] {strides = array<i32>} : memref<128x128xf32, #tpu.memory_space<vmem>>, vector<1x16xf32>,
      %parallel_loop3A_375 = vector.shape_cast %parallel_loop3A_374 : vector<1x16xf32> to vector<16xf32>
      %parallel_loop3A_376 = arith.constant 11.3137083 : f32
      %parallel_loop3A_377 = vector.broadcast %parallel_loop3A_376 : f32 to vector<16xf32>
      %parallel_loop3A_378 = arith.mulf %parallel_loop3A_375, %parallel_loop3A_377 : vector<16xf32>
      %parallel_loop3A_379 = arith.index_cast %parallel_loop3A_347 : i32 to index
      %parallel_loop3A_380 = arith.constant 32 : index
      %parallel_loop3A_381 = tpu.vector_load %arg7[%parallel_loop3A_379, %parallel_loop3A_380] {strides = array<i32>} : memref<128x128xf32, #tpu.memory_space<vmem>>, vector<1x16xf32>,
      %parallel_loop3A_382 = vector.shape_cast %parallel_loop3A_381 : vector<1x16xf32> to vector<16xf32>
      %parallel_loop3A_383 = vector.shape_cast %parallel_loop3A_378 : vector<16xf32> to vector<1x16xf32>
      tpu.vector_store %arg7[%parallel_loop3A_379, %parallel_loop3A_380], %parallel_loop3A_383 {strides = array<i32>} : memref<128x128xf32, #tpu.memory_space<vmem>>, vector<1x16xf32>,
      %parallel_loop3A_384 = arith.index_cast %parallel_loop3A_347 : i32 to index
      %parallel_loop3A_385 = arith.constant 48 : index
      %parallel_loop3A_386 = tpu.vector_load %arg7[%parallel_loop3A_384, %parallel_loop3A_385] {strides = array<i32>} : memref<128x128xf32, #tpu.memory_space<vmem>>, vector<1x16xf32>,
      %parallel_loop3A_387 = vector.shape_cast %parallel_loop3A_386 : vector<1x16xf32> to vector<16xf32>
      %parallel_loop3A_388 = arith.constant 11.3137083 : f32
      %parallel_loop3A_389 = vector.broadcast %parallel_loop3A_388 : f32 to vector<16xf32>
      %parallel_loop3A_390 = arith.mulf %parallel_loop3A_387, %parallel_loop3A_389 : vector<16xf32>
      %parallel_loop3A_391 = arith.index_cast %parallel_loop3A_347 : i32 to index
      %parallel_loop3A_392 = arith.constant 48 : index
      %parallel_loop3A_393 = tpu.vector_load %arg7[%parallel_loop3A_391, %parallel_loop3A_392] {strides = array<i32>} : memref<128x128xf32, #tpu.memory_space<vmem>>, vector<1x16xf32>,
      %parallel_loop3A_394 = vector.shape_cast %parallel_loop3A_393 : vector<1x16xf32> to vector<16xf32>
      %parallel_loop3A_395 = vector.shape_cast %parallel_loop3A_390 : vector<16xf32> to vector<1x16xf32>
      tpu.vector_store %arg7[%parallel_loop3A_391, %parallel_loop3A_392], %parallel_loop3A_395 {strides = array<i32>} : memref<128x128xf32, #tpu.memory_space<vmem>>, vector<1x16xf32>,
      %parallel_loop3A_396 = arith.index_cast %parallel_loop3A_347 : i32 to index
      %parallel_loop3A_397 = arith.constant 64 : index
      %parallel_loop3A_398 = tpu.vector_load %arg7[%parallel_loop3A_396, %parallel_loop3A_397] {strides = array<i32>} : memref<128x128xf32, #tpu.memory_space<vmem>>, vector<1x16xf32>,
      %parallel_loop3A_399 = vector.shape_cast %parallel_loop3A_398 : vector<1x16xf32> to vector<16xf32>
      %parallel_loop3A_400 = arith.constant 11.3137083 : f32
      %parallel_loop3A_401 = vector.broadcast %parallel_loop3A_400 : f32 to vector<16xf32>
      %parallel_loop3A_402 = arith.mulf %parallel_loop3A_399, %parallel_loop3A_401 : vector<16xf32>
      %parallel_loop3A_403 = arith.index_cast %parallel_loop3A_347 : i32 to index
      %parallel_loop3A_404 = arith.constant 64 : index
      %parallel_loop3A_405 = tpu.vector_load %arg7[%parallel_loop3A_403, %parallel_loop3A_404] {strides = array<i32>} : memref<128x128xf32, #tpu.memory_space<vmem>>, vector<1x16xf32>,
      %parallel_loop3A_406 = vector.shape_cast %parallel_loop3A_405 : vector<1x16xf32> to vector<16xf32>
      %parallel_loop3A_407 = vector.shape_cast %parallel_loop3A_402 : vector<16xf32> to vector<1x16xf32>
      tpu.vector_store %arg7[%parallel_loop3A_403, %parallel_loop3A_404], %parallel_loop3A_407 {strides = array<i32>} : memref<128x128xf32, #tpu.memory_space<vmem>>, vector<1x16xf32>,
      %parallel_loop3A_408 = arith.index_cast %parallel_loop3A_347 : i32 to index
      %parallel_loop3A_409 = arith.constant 80 : index
      %parallel_loop3A_410 = tpu.vector_load %arg7[%parallel_loop3A_408, %parallel_loop3A_409] {strides = array<i32>} : memref<128x128xf32, #tpu.memory_space<vmem>>, vector<1x16xf32>,
      %parallel_loop3A_411 = vector.shape_cast %parallel_loop3A_410 : vector<1x16xf32> to vector<16xf32>
      %parallel_loop3A_412 = arith.constant 11.3137083 : f32
      %parallel_loop3A_413 = vector.broadcast %parallel_loop3A_412 : f32 to vector<16xf32>
      %parallel_loop3A_414 = arith.mulf %parallel_loop3A_411, %parallel_loop3A_413 : vector<16xf32>
      %parallel_loop3A_415 = arith.index_cast %parallel_loop3A_347 : i32 to index
      %parallel_loop3A_416 = arith.constant 80 : index
      %parallel_loop3A_417 = tpu.vector_load %arg7[%parallel_loop3A_415, %parallel_loop3A_416] {strides = array<i32>} : memref<128x128xf32, #tpu.memory_space<vmem>>, vector<1x16xf32>,
      %parallel_loop3A_418 = vector.shape_cast %parallel_loop3A_417 : vector<1x16xf32> to vector<16xf32>
      %parallel_loop3A_419 = vector.shape_cast %parallel_loop3A_414 : vector<16xf32> to vector<1x16xf32>
      tpu.vector_store %arg7[%parallel_loop3A_415, %parallel_loop3A_416], %parallel_loop3A_419 {strides = array<i32>} : memref<128x128xf32, #tpu.memory_space<vmem>>, vector<1x16xf32>,
      %parallel_loop3A_420 = arith.index_cast %parallel_loop3A_347 : i32 to index
      %parallel_loop3A_421 = arith.constant 96 : index
      %parallel_loop3A_422 = tpu.vector_load %arg7[%parallel_loop3A_420, %parallel_loop3A_421] {strides = array<i32>} : memref<128x128xf32, #tpu.memory_space<vmem>>, vector<1x16xf32>,
      %parallel_loop3A_423 = vector.shape_cast %parallel_loop3A_422 : vector<1x16xf32> to vector<16xf32>
      %parallel_loop3A_424 = arith.constant 11.3137083 : f32
      %parallel_loop3A_425 = vector.broadcast %parallel_loop3A_424 : f32 to vector<16xf32>
      %parallel_loop3A_426 = arith.mulf %parallel_loop3A_423, %parallel_loop3A_425 : vector<16xf32>
      %parallel_loop3A_427 = arith.index_cast %parallel_loop3A_347 : i32 to index
      %parallel_loop3A_428 = arith.constant 96 : index
      %parallel_loop3A_429 = tpu.vector_load %arg7[%parallel_loop3A_427, %parallel_loop3A_428] {strides = array<i32>} : memref<128x128xf32, #tpu.memory_space<vmem>>, vector<1x16xf32>,
      %parallel_loop3A_430 = vector.shape_cast %parallel_loop3A_429 : vector<1x16xf32> to vector<16xf32>
      %parallel_loop3A_431 = vector.shape_cast %parallel_loop3A_426 : vector<16xf32> to vector<1x16xf32>
      tpu.vector_store %arg7[%parallel_loop3A_427, %parallel_loop3A_428], %parallel_loop3A_431 {strides = array<i32>} : memref<128x128xf32, #tpu.memory_space<vmem>>, vector<1x16xf32>,
      %parallel_loop3A_432 = arith.index_cast %parallel_loop3A_347 : i32 to index
      %parallel_loop3A_433 = arith.constant 112 : index
      %parallel_loop3A_434 = tpu.vector_load %arg7[%parallel_loop3A_432, %parallel_loop3A_433] {strides = array<i32>} : memref<128x128xf32, #tpu.memory_space<vmem>>, vector<1x16xf32>,
      %parallel_loop3A_435 = vector.shape_cast %parallel_loop3A_434 : vector<1x16xf32> to vector<16xf32>
      %parallel_loop3A_436 = arith.constant 11.3137083 : f32
      %parallel_loop3A_437 = vector.broadcast %parallel_loop3A_436 : f32 to vector<16xf32>
      %parallel_loop3A_438 = arith.mulf %parallel_loop3A_435, %parallel_loop3A_437 : vector<16xf32>
      %parallel_loop3A_439 = arith.index_cast %parallel_loop3A_347 : i32 to index
      %parallel_loop3A_440 = arith.constant 112 : index
      %parallel_loop3A_441 = tpu.vector_load %arg7[%parallel_loop3A_439, %parallel_loop3A_440] {strides = array<i32>} : memref<128x128xf32, #tpu.memory_space<vmem>>, vector<1x16xf32>,
      %parallel_loop3A_442 = vector.shape_cast %parallel_loop3A_441 : vector<1x16xf32> to vector<16xf32>
      %parallel_loop3A_443 = vector.shape_cast %parallel_loop3A_438 : vector<16xf32> to vector<1x16xf32>
      tpu.vector_store %arg7[%parallel_loop3A_439, %parallel_loop3A_440], %parallel_loop3A_443 {strides = array<i32>} : memref<128x128xf32, #tpu.memory_space<vmem>>, vector<1x16xf32>,
    } {sc.loop_unroll_factor = 2 : i64, sc.parallel_access}
    %dma_start3A_326 = arith.constant 49 : i32
    %dma_start3A_327 = arith.constant 0 : i32
    %dma_start3A_328 = tpu.memref_slice %arg4[%dma_start3A_326, %mul3A_2, %dma_start3A_327] : memref<50x4096x128xf32, #tpu.memory_space<hbm>> -> memref<1x128x128xf32, #tpu.memory_space<hbm>>
    %dma_start3A_329 = tpu.memref_squeeze %dma_start3A_328 : memref<1x128x128xf32, #tpu.memory_space<hbm>> -> memref<128x128xf32, #tpu.memory_space<hbm>>
    %dma_start3A_330 = arith.constant 0 : i32
    %dma_start3A_331 = tpu.memref_slice %arg4[%dma_start3A_326, %mul3A_2, %dma_start3A_330] : memref<50x4096x128xf32, #tpu.memory_space<hbm>> -> memref<1x128x128xf32, #tpu.memory_space<hbm>>
    %dma_start3A_332 = tpu.memref_squeeze %dma_start3A_331 : memref<1x128x128xf32, #tpu.memory_space<hbm>> -> memref<128x128xf32, #tpu.memory_space<hbm>>
    tpu.enqueue_dma source(%arg7 : memref<128x128xf32, #tpu.memory_space<vmem>>) target(%dma_start3A_332 : memref<128x128xf32, #tpu.memory_space<hbm>>) target_semaphore(%arg15 : memref<!tpu.dma_semaphore, #tpu.memory_space<semaphore_mem>>)
    %dma_wait3A_333 = arith.constant 48 : i32
    %dma_wait3A_334 = arith.constant 0 : i32
    %dma_wait3A_335 = tpu.memref_slice %arg4[%dma_wait3A_333, %mul3A_2, %dma_wait3A_334] : memref<50x4096x128xf32, #tpu.memory_space<hbm>> -> memref<1x128x128xf32, #tpu.memory_space<hbm>>
    %dma_wait3A_336 = tpu.memref_squeeze %dma_wait3A_335 : memref<1x128x128xf32, #tpu.memory_space<hbm>> -> memref<128x128xf32, #tpu.memory_space<hbm>>
    %dma_wait3A_337 = arith.constant 0 : i32
    %dma_wait3A_338 = tpu.memref_slice %arg4[%dma_wait3A_333, %mul3A_2, %dma_wait3A_337] : memref<50x4096x128xf32, #tpu.memory_space<hbm>> -> memref<1x128x128xf32, #tpu.memory_space<hbm>>
    %dma_wait3A_339 = tpu.memref_squeeze %dma_wait3A_338 : memref<1x128x128xf32, #tpu.memory_space<hbm>> -> memref<128x128xf32, #tpu.memory_space<hbm>>
    tpu.wait_dma2 semaphore(%arg14 : memref<!tpu.dma_semaphore, #tpu.memory_space<semaphore_mem>>) src(%arg6 : memref<128x128xf32, #tpu.memory_space<vmem>>) dst(%dma_wait3A_339 : memref<128x128xf32, #tpu.memory_space<hbm>>)
    %dma_wait3A_340 = arith.constant 49 : i32
    %dma_wait3A_341 = arith.constant 0 : i32
    %dma_wait3A_342 = tpu.memref_slice %arg4[%dma_wait3A_340, %mul3A_2, %dma_wait3A_341] : memref<50x4096x128xf32, #tpu.memory_space<hbm>> -> memref<1x128x128xf32, #tpu.memory_space<hbm>>
    %dma_wait3A_343 = tpu.memref_squeeze %dma_wait3A_342 : memref<1x128x128xf32, #tpu.memory_space<hbm>> -> memref<128x128xf32, #tpu.memory_space<hbm>>
    %dma_wait3A_344 = arith.constant 0 : i32
    %dma_wait3A_345 = tpu.memref_slice %arg4[%dma_wait3A_340, %mul3A_2, %dma_wait3A_344] : memref<50x4096x128xf32, #tpu.memory_space<hbm>> -> memref<1x128x128xf32, #tpu.memory_space<hbm>>
    %dma_wait3A_346 = tpu.memref_squeeze %dma_wait3A_345 : memref<1x128x128xf32, #tpu.memory_space<hbm>> -> memref<128x128xf32, #tpu.memory_space<hbm>>
    tpu.wait_dma2 semaphore(%arg15 : memref<!tpu.dma_semaphore, #tpu.memory_space<semaphore_mem>>) src(%arg7 : memref<128x128xf32, #tpu.memory_space<vmem>>) dst(%dma_wait3A_346 : memref<128x128xf32, #tpu.memory_space<hbm>>)
    return
  }
}

</mosaic_0001>

<sc_bundles>
// kernel: kernel.3.cloned.1.call-start
scs
__scs_entry_jumppad:
0x0: {  	(pc) =	sbr.rel $0x88, $3  }
0x1: {  	(tag) =	ssettag $0x0;
	lr =	simm.s32 $0x1  }
0x2: {  	[smem:$0x3F9F] =	sst lr;
	_ =	strace $0xD0000000  }
0x3: {  	_ = 	snop  }
0x4: {  	_ = 	snop  }
0x5: {  	_ = 	snop  }
0x6: {  	_ = 	snop  }
0x7: {  	_ = 	snop  }
__scs_overlays_trampoline_lowered:
0x8: {  	[smem:$0x3FAE] =	sst s0  }
0x9: {  	[smem:$0x3FAF] =	sst s1  }
0xa: {  	[smem:$0x3FB0] =	sst s2  }
0xb: {  	[smem:$0x3FB1] =	sst s3  }
0xc: {  	[smem:$0x3FB2] =	sst s4  }
0xd: {  	[smem:$0x3FB3] =	sst s5  }
0xe: {  	[smem:$0x3FB4] =	sst s6  }
0xf: {  	[smem:$0x3FB5] =	sst s7  }
0x10: {  	[smem:$0x3FB6] =	sst s8  }
0x11: {  	[smem:$0x3FB7] =	sst s9;
	s0 =	simm.s32 @!p0 $0x0  }
0x12: {  	s1 =	sld [smem:$0x3F9D];
	s0 =	simm.s32 @p0 $0x1  }
0x13: {  	[smem:$0x3FB8] =	sst s0;
	s0 =	simm.s32 @!p1 $0x0  }
0x14: {  	s2 =	sld [smem:$0x3F9C];
	s0 =	simm.s32 @p1 $0x1  }
0x15: {  	[smem:$0x3FB9] =	sst s0;
	s0 =	simm.s32 @!p2 $0x0  }
0x16: {  	s3 =	sld [smem:$0x3FDB];
	s0 =	simm.s32 @p2 $0x1  }
0x17: {  	s4 =	simm.s32 $0x1BF5;
	[smem:$0x3FBB] =	sst s0  }
0x18: {  	s0 =	sld [smem:$0x3F9E];
	_ =	swait.ge [sflag:s4], $0x0  }
0x19: {  	s7 =	sld [smem:$0x3F9F]  }
0x1a: {  	s8 =	sadd.s32 $0xFFFFE003, lr  }
0x1b: {  	s9 =	sadd.s32 $0xFFFFFEF7, lr;
	s5 =	simm.s32 $0xFFFFFFFF;
	p2 =	slt.u32 s8, $0xFFFFF086  }
0x1c: {  	p1 =	slt.u32 s9, $0xF7A;
	s5 =	simm.s32 @!p2 $0x0  }
0x1d: {  	s5 =	simm.s32 @p1 $0x1;
	p0 =	seq.s32 s7, s2  }
0x1e: {  	s7 =	smul.u32 @!p0 $0xF7A, s2;
	p2 =	seq.s32 @!p0 s5, $0x0  }
0x1f: {  	s9 =	smul.u32 $0xF7A, s1;
	s8 =	simm.s32 @!p0 $0x1BF5;
	p2 =	por !p2, p0  }
0x20: {  	[sflag:s8] =	ssyncset.s32 @!p0 $0xFFFFF086;
	s6 =	sadd.s32 @!p0 s3, s7;
	s7 =	simm.s32 @!p0 $0x108  }
0x21: {  	s3 =	sadd.s32 s3, s9;
	s6 =	sadd.s32 @!p0 $0x88, s6;
	s7 =	simm.s32 @p2 $0x1082  }
0x22: {  	[simem:s7], [sflag:s8] =	dma.local @!p0 [hbm:s6], $0xF7A  }
0x23: {  	s9 =	sor.u32 $0xD0000000, s2;
	s6 =	simm.s32 $0x108;
	_ =	swait.ge @!p0 [sflag:s8], $0x0  }
0x24: {  	s3 =	sadd.s32 $0x88, s3;
	s6 =	simm.s32 @!p1 $0x1082;
	[sflag:s4] =	ssyncset.s32 $0xFFFFF086  }
0x25: {  	[simem:s6], [sflag:s4] =	dma.local [hbm:s3], $0xF7A  }
0x26: {  	[smem:$0x3F9F] =	sst s1;
	(tag) =	ssettag s2;
	_ =	strace s9  }
0x27: {  	s1 =	sld [smem:$0x3FAF]  }
0x28: {  	s2 =	sld [smem:$0x3FB0]  }
0x29: {  	s4 =	sld [smem:$0x3FB2]  }
0x2a: {  	p0 =	seq.s32 s5, $0x0;
	s5 =	sld [smem:$0x3FB3]  }
0x2b: {  	s6 =	sld [smem:$0x3FB4]  }
0x2c: {  	s7 =	sld [smem:$0x3FB5]  }
0x2d: {  	s3 =	simm.s32 $0x108;
	s8 =	sld [smem:$0x3FB6]  }
0x2e: {  	s3 =	simm.s32 @!p0 $0x1082;
	s9 =	sld [smem:$0x3FB7]  }
0x2f: {  	lr =	sadd.s32 s0, s3;
	s0 =	sld [smem:$0x3FAE]  }
0x30: {  	s3 =	sld [smem:$0x3FB1]  }
0x31: {  	[smem:$0x3FBA] =	sst s10  }
0x32: {  	s10 =	sld [smem:$0x3FB8];
	_ =	sdelay $0x3  }
0x33: {  	p0 =	seq.s32 s10, $0x1;
	s10 =	sld [smem:$0x3FBA];
	_ =	sdelay $0x3  }
0x34: {  	[smem:$0x3FBA] =	sst s10  }
0x35: {  	s10 =	sld [smem:$0x3FB9];
	_ =	sdelay $0x3  }
0x36: {  	p1 =	seq.s32 s10, $0x1;
	s10 =	sld [smem:$0x3FBA];
	_ =	sdelay $0x3  }
0x37: {  	[smem:$0x3FBA] =	sst s10  }
0x38: {  	s10 =	sld [smem:$0x3FBB]  }
0x39: {  	_ = 	snop;
	(pc) =	sbr.ind lr, $3  }
0x3a: {  	_ = 	snop  }
0x3b: {  	_ = 	snop  }
0x3c: {  	p2 =	seq.s32 s10, $0x1;
	s10 =	sld [smem:$0x3FBA]  }
0x3d: {  	_ =	shalt  }
0x3e: {  	_ =	shalt  }
0x3f: {  	_ =	shalt  }
0x40: {  	_ =	shalt  }
0x41: {  	_ =	shalt  }
0x42: {  	_ =	shalt  }
0x43: {  	_ =	shalt  }
0x44: {  	_ =	shalt  }
0x45: {  	_ =	shalt  }
0x46: {  	_ =	shalt  }
0x47: {  	_ =	shalt  }
0x48: {  	_ =	shalt  }
0x49: {  	_ =	shalt  }
0x4a: {  	_ =	shalt  }
0x4b: {  	_ =	shalt  }
0x4c: {  	_ =	shalt  }
0x4d: {  	_ =	shalt  }
0x4e: {  	_ =	shalt  }
0x4f: {  	_ =	shalt  }
0x50: {  	_ =	shalt  }
0x51: {  	_ =	shalt  }
0x52: {  	_ =	shalt  }
0x53: {  	_ =	shalt  }
0x54: {  	_ =	shalt  }
0x55: {  	_ =	shalt  }
0x56: {  	_ =	shalt  }
0x57: {  	_ =	shalt  }
0x58: {  	_ =	shalt  }
0x59: {  	_ =	shalt  }
0x5a: {  	_ =	shalt  }
0x5b: {  	_ =	shalt  }
0x5c: {  	_ =	shalt  }
0x5d: {  	_ =	shalt  }
0x5e: {  	_ =	shalt  }
0x5f: {  	_ =	shalt  }
0x60: {  	_ =	shalt  }
0x61: {  	_ =	shalt  }
0x62: {  	_ =	shalt  }
0x63: {  	_ =	shalt  }
0x64: {  	_ =	shalt  }
0x65: {  	_ =	shalt  }
0x66: {  	_ =	shalt  }
0x67: {  	_ =	shalt  }
0x68: {  	_ =	shalt  }
0x69: {  	_ =	shalt  }
0x6a: {  	_ =	shalt  }
0x6b: {  	_ =	shalt  }
0x6c: {  	_ =	shalt  }
0x6d: {  	_ =	shalt  }
0x6e: {  	_ =	shalt  }
0x6f: {  	_ =	shalt  }
0x70: {  	_ =	shalt  }
0x71: {  	_ =	shalt  }
0x72: {  	_ =	shalt  }
0x73: {  	_ =	shalt  }
0x74: {  	_ =	shalt  }
0x75: {  	_ =	shalt  }
0x76: {  	_ =	shalt  }
0x77: {  	_ =	shalt  }
0x78: {  	_ =	shalt  }
0x79: {  	_ =	shalt  }
0x7a: {  	_ =	shalt  }
0x7b: {  	_ =	shalt  }
0x7c: {  	_ =	shalt  }
0x7d: {  	_ =	shalt  }
0x7e: {  	_ =	shalt  }
0x7f: {  	_ =	shalt  }
0x80: {  	_ =	shalt  }
0x81: {  	_ =	shalt  }
0x82: {  	_ =	shalt  }
0x83: {  	_ =	shalt  }
0x84: {  	_ =	shalt  }
0x85: {  	_ =	shalt  }
0x86: {  	_ =	shalt  }
0x87: {  	_ =	shalt  }
.Lfunc_end0:
.L_simem_size_0:
called_computation_lowered:
.L_overlay_start_0:
0x88: {  	s2 =	sld [smem:$0x3FD9]  }
0x89: {  	s3 =	sld [smem:$0x3FFE];
	_ =	sdelay $0x1  }
0x8a: {  	s1 =	srdreg.scid  }
0x8b: {  	s0 =	sand.u32 $0x1, s1  }
0x8c: {  	s17 =	sshll.u32 s0, $0xA;
	s2 =	sadd.s32 s3, s2  }
0x8d: {  	s2 =	sadd.s32 s2, s17  }
0x8e: {  	[smem:$0x3FC6] =	sst s2  }
0x8f: {  	_ = 	snop  }
0x90: {  	s2 =	sld [smem:$0x3FC8]  }
0x91: {  	s18 =	sld [smem:$0x3FD0];
	(tm) =	ssettm $0x1  }
0x92: {  	s4 =	sld [smem:$0x3FFB];
	_ =	sdelay $0x3  }
0x93: {  	_ =	strace s4  }
0x94: {  	s4 =	sld [smem:$0x3FFC];
	_ =	sdelay $0x3  }
0x95: {  	_ =	strace s4  }
0x96: {  	s4 =	sld [smem:$0x3FFD];
	_ =	sdelay $0x3  }
0x97: {  	_ =	strace s4  }
0x98: {  	_ =	strace $0x8FFFFFFF  }
0x99: {  	s19 =	sld [smem:$0x3FDB];
	_ =	sdelay $0x1  }
0x9a: {  	s5 =	simm.s32 $_scs_section_size  }
0x9b: {  	s6 =	simm.s32 $_size__tile_overlayer_lowered;
	s7 =	simm.s32 $_tile_overlayer_lowered  }
0x9c: {  	s22 =	simm.s32 $0x1BFF;
	s21 =	sshll.u32 s7, $0x1;
	s4 =	sadd.s32 s5, s19  }
0x9d: {  	s8 =	simm.s32 $0x0;
	s20 =	sshll.u32 s6, $0x1;
	s6 =	sadd.s32 s21, s4  }
0x9e: {  	[timem:s8], [sflag:s22] =	dma.local [hbm:s6], s20  }
0x9f: {  	_ =	swait.ge [sflag:s22], s20  }
0xa0: {  	s5 =	ssub.s32 $0x0, s20;
	[sflag:s22] =	ssyncset.done $0x0  }
0xa1: {  	[sflag:s22] =	ssyncadd.s32 s5;
	_ =	sdelay $0x1  }
0xa2: {  	s23 =	simm.s32 $0x1B8B  }
0xa3: {  	_ =	swait.ge [sflag:s23], $0x1  }
0xa4: {  	[sflag:s23] =	ssyncset.done $0x0  }
0xa5: {  	s25 =	simm.s32 $0x1B8E;
	s24 =	sld [smem:$0x3FFE];
	[sflag:s23] =	ssyncadd.s32 $0xFFFFFFFF  }
0xa6: {  	s26 =	simm.s32 $execute0_lowered;
	[smem:$0x3FD2] =	sst s25  }
0xa7: {  	s6 =	sshll.u32 s26, $0x1;
	_ =	strace $0x80000046;
	[dreg:$0x1] =	wrdreg $0xFFFFFFFF  }
0xa8: {  	s28 =	simm.s32 $_size_execute0_lowered;
	s4 =	sadd.s32 s4, s6;
	[dreg:$0x0] =	wrdreg $0x0  }
0xa9: {  	s6 =	sshll.u32 s28, $0x1;
	[dreg:$0x2] =	wrdreg s4  }
0xaa: {  	[dreg:$0x3] =	wrdreg s6  }
0xab: {  	[dreg:$0x4] =	wrdreg $0xC0  }
0xac: {  	_ =	task [dreg:s8], $0x5FFFF  }
0xad: {  	[dreg:$0x1] =	wrdreg $0xFFFFFFFF  }
0xae: {  	[dreg:$0x0] =	wrdreg $0x60  }
0xaf: {  	[dreg:$0x2] =	wrdreg s24  }
0xb0: {  	[dreg:$0x3] =	wrdreg s2  }
0xb1: {  	[dreg:$0x4] =	wrdreg s18  }
0xb2: {  	[dreg:$0x5] =	wrdreg $0x9  }
0xb3: {  	_ =	task.clear_ibuf [dreg:s8], $0x6FFFF;
	_ =	strace $0x90000046  }
0xb4: {  	s29 =	simm.s32 $0x9;
	_ =	strace $0x80000048  }
0xb5: {  	_ =	swait.ge [sflag:s29], $0x1  }
0xb6: {  	[sflag:s29] =	ssyncadd.s32 $0xFFFFFFFF  }
0xb7: {  	_ =	strace $0x90000048  }
0xb8: {  	_ =	sfence  }
0xb9: {  	s30 =	sld [smem:$0x0];
	_ =	sdelay $0x2  }
0xba: {  	s31 =	sshll.u32 s1, $0xD;
	s1 =	sshrl.u32 s1, $0x2  }
0xbb: {  	s3 =	sand.u32 $0x4000, s31;
	s1 =	sadd.s32 s1, s30  }
0xbc: {  	s0 =	sor.u32 s3, s0;
	s1 =	sshll.u32 s1, $0x11  }
0xbd: {  	s0 =	sor.u32 s1, s0  }
0xbe: {  	s0 =	sadd.s32 $0x8F2B, s0  }
0xbf: {  	[sflag:s0] =	ssyncadd.remote.s32 $0x1  }
0xc0: {  	_ =	sfence.sel $0xFFFF  }
0xc1: {  	[dreg:$0x0] =	wrdreg $0xFFFFFFFF;
	(pc) =	sbr.abs _section_cstart, $3  }
0xc2: {  	[dreg:$0x1] =	wrdreg $0xFFFFFFFF  }
0xc3: {  	_ =	task.clear_ibuf [dreg:s8], $0x2FFFF;
	_ =	strace $0x9FFFFFFF  }
0xc4: {  	(tm) =	ssettm $0x7FFFFFFF  }
0xc5: {  	_ =	shalt  }
tec
execute0_lowered:
.L_overlay_start_1:
0x0: {  	(tag) =	ssettag $0x1  }
0x1: {  	s0 =	rddreg [dreg:$0x0]  }
0x2: {  	s2 =	rddreg [dreg:$0x1]  }
0x3: {  	s3 =	rddreg [dreg:$0x2]  }
0x4: {  	s1 =	srdreg.scid;
	s5 =	stileid.u32;
	s4 =	simm.s32 $0x0  }
0x5: {  	s19 =	simm.s32 $0x40;
	s28 =	simm.s32 $0x9C00;
	s30 =	simm.s32 $0xBC00  }
0x6: {  	s31 =	simm.s32 $0x2;
	s29 =	simm.s32 $0x5;
	s17 =	simm.s32 $0x6  }
0x7: {  	s16 =	simm.s32 $0x7;
	s1 =	sand.u32 $0x1, s1;
	s5 =	sshll.u32 s5, $0x1  }
0x8: {  	s8 =	simm.s32 $0x0;
	[smem:$0x7FF] =	sst s4;
	s5 =	sor.u32 s1, s5  }
0x9: {  	_ =	strace $0x80000047;
	s1 =	ssub.s32 $0x2, s1;
	s6 =	sshll.u32 s5, $0x4  }
0xa: {  	s20 =	sshrl.u32 s1, $0x1;
	s7 =	sshll.u32 s5, $0xB;
	s0 =	sadd.s32 s6, s0  }
0xb: {  	s1 =	ssub.s32 s1, s20;
	s21 =	sadd.s32 s3, s7;
	s7 =	sshll.u32 s5, $0xE  }
0xc: {  	s20 =	simm.s32 $0x1C00;
	s0 =	sadd.s32 $0x400, s0;
	[dreg:$0x5] =	wrdreg s21  }
0xd: {  	s5 =	simm.s32 $0x8;
	s22 =	sadd.s32 $0x10000, s21;
	[dreg:$0x4] =	wrdreg s0  }
0xe: {  	s23 =	sadd.s32 $0x20000, s21;
	s24 =	sadd.s32 $0x30000, s21;
	[dreg:$0x6] =	wrdreg s22  }
0xf: {  	s11 =	sor.u32 $0x200000, s7;
	s12 =	sor.u32 $0x280000, s7;
	[dreg:$0x7] =	wrdreg s23  }
0x10: {  	s25 =	sadd.s32 $0x300000, s21;
	s26 =	smax.u32 s1, $0x1;
	[dreg:$0x8] =	wrdreg s24  }
0x11: {  	s1 =	simm.s32 $0xDC00;
	[dreg:$0x9] =	wrdreg s25;
	s0 =	sadd.s32 $0x310000, s21  }
0x12: {  	[dreg:$0xb] =	wrdreg s26;
	s21 =	simm.s32 $0x3C00;
	s22 =	simm.s32 $0x5C00  }
0x13: {  	s24 =	simm.s32 $0x7C00;
	s25 =	simm.s32 $0x1;
	s23 =	simm.s32 $0xFC00  }
0x14: {  	s26 =	simm.s32 $0x3;
	[dreg:$0xa] =	wrdreg s0;
	s0 =	simm.s32 $0x4  }
.LBB2_1:
0x15: {  	s6 =	rddreg [dreg:$0x4]  }
0x16: {  	s9 =	simm.s32 $0x80;
	s10 =	simm.s32 $0x1000;
	s13 =	simm.s32 $0x9  }
0x17: {  	[tilespmem:s4], [sflag:$0x9] =	stream.strided.gather [hbm4b:s6+s9], $0x1900, s10, s9, $0x38;
	[tilespmem:$0x11C00] =	vst v63  }
0x18: {  	_ =	swait.ge [sflag:s13], $0x1900  }
0x19: {  	[sflag:s13] =	ssyncset.done $0x0  }
0x1a: {  	[sflag:s13] =	ssyncadd.s32 $0xFFFFE700  }
0x1b: {  	[tilespmem:s20], [sflag:$0x1] =	stream.indirect.gather [hbm4b:s2+s19], $0x80, s4, s19, $0xb8;
	[tilespmem:$0x11C00] =	vst v63  }
0x1c: {  	_ = 	snop  }
0x1d: {  	[tilespmem:s21], [sflag:$0x1] =	stream.indirect.gather [hbm4b:s2+s19], $0x80, s19, s19, $0xb8;
	[tilespmem:$0x11C00] =	vst v63  }
0x1e: {  	_ = 	snop  }
0x1f: {  	[tilespmem:s22], [sflag:$0x2] =	stream.indirect.gather [hbm4b:s2+s19], $0x80, s9, s19, $0xb8;
	[tilespmem:$0x11C00] =	vst v63  }
0x20: {  	s14 =	simm.s32 $0xC0  }
0x21: {  	[tilespmem:s24], [sflag:$0x2] =	stream.indirect.gather [hbm4b:s2+s19], $0x80, s14, s19, $0xb8;
	[tilespmem:$0x11C00] =	vst v63  }
0x22: {  	_ =	swait.ge [sflag:s25], $0x2000  }
0x23: {  	[sflag:s25] =	ssyncset.done $0x0  }
0x24: {  	[sflag:s25] =	ssyncadd.s32 $0xFFFFE000  }
0x25: {  	_ =	swait.ge [sflag:s25], $0x2000  }
0x26: {  	[sflag:s25] =	ssyncset.done $0x0  }
0x27: {  	s15 =	simm.s32 $0x100;
	[sflag:s25] =	ssyncadd.s32 $0xFFFFE000  }
0x28: {  	[tilespmem:s28], [sflag:$0x3] =	stream.indirect.gather [hbm4b:s2+s19], $0x80, s15, s19, $0xb8;
	[tilespmem:$0x11C00] =	vst v63  }
0x29: {  	s18 =	simm.s32 $0x140;
	s9 =	simm.s32 $0x1C80  }
0x2a: {  	[tilespmem:s30], [sflag:$0x3] =	stream.indirect.gather [hbm4b:s2+s19], $0x80, s18, s19, $0xb8;
	[tilespmem:$0x11C00] =	vst v63  }
0x2b: {  	v0 =	vld [tilespmem:s9+$0x70]  }
0x2c: {  	v1 =	vld [tilespmem:s9+$0xFFFFFF90]  }
0x2d: {  	v2 =	vld [tilespmem:s9+$0xFFFFFFA0]  }
0x2e: {  	v3 =	vld [tilespmem:s9+$0xFFFFFFB0]  }
0x2f: {  	v4 =	vld [tilespmem:s9+$0xFFFFFFC0]  }
0x30: {  	v5 =	vld [tilespmem:s9+$0xFFFFFFD0];
	v0 =	vmul.f32 $1.131370830e+01, v0  }
0x31: {  	v6 =	vld [tilespmem:s9+$0xFFFFFFE0];
	v1 =	vmul.f32 $1.131370830e+01, v1  }
0x32: {  	v7 =	vld [tilespmem:s9+$0xFFFFFFF0];
	v2 =	vmul.f32 $1.131370830e+01, v2;
	[tilespmem:s9+$0x70] =	vst v0  }
0x33: {  	[tilespmem:s9+$0xFFFFFF90] =	vst v1;
	v0 =	vmul.f32 $1.131370830e+01, v3;
	v3 =	vld [tilespmem:s9+$0x0]  }
0x34: {  	[tilespmem:s9+$0xFFFFFFA0] =	vst v2;
	v1 =	vmul.f32 $1.131370830e+01, v4;
	v4 =	vld [tilespmem:s9+$0x10]  }
0x35: {  	v8 =	vld [tilespmem:s9+$0x20];
	v2 =	vmul.f32 $1.131370830e+01, v5;
	[tilespmem:s9+$0xFFFFFFB0] =	vst v0  }
0x36: {  	v5 =	vmul.f32 $1.131370830e+01, v6;
	[tilespmem:s9+$0xFFFFFFC0] =	vst v1;
	v0 =	vld [tilespmem:s9+$0x30]  }
0x37: {  	v6 =	vmul.f32 $1.131370830e+01, v7;
	[tilespmem:s9+$0xFFFFFFD0] =	vst v2;
	v1 =	vld [tilespmem:s9+$0x40]  }
0x38: {  	[tilespmem:s9+$0xFFFFFFE0] =	vst v5;
	v2 =	vld [tilespmem:s9+$0x50];
	v7 =	vmul.f32 $1.131370830e+01, v3  }
0x39: {  	[tilespmem:s9+$0xFFFFFFF0] =	vst v6;
	v3 =	vld [tilespmem:s9+$0x60];
	v5 =	vmul.f32 $1.131370830e+01, v4  }
0x3a: {  	s10 =	simm.s32 $0x0;
	s6 =	simm.s32 $0x1D80;
	v6 =	vmul.f32 $1.131370830e+01, v8;
	v4 =	vld [tilespmem:s9+$0xFFFFFF80];
	[tilespmem:s9+$0x0] =	vst v7  }
.LBB2_2:
0x3b: {  	v7 =	vld [tilespmem:s6+$0x70];
	s10 =	sadd.s32 $0x2, s10;
	[tilespmem:s9+$0x10] =	vst v5;
	v0 =	vmul.f32 $1.131370830e+01, v0  }
0x3c: {  	v5 =	vld [tilespmem:s6+$0xFFFFFF90];
	p0 =	slt.u32 s10, $0x7E;
	[tilespmem:s9+$0x20] =	vst v6;
	v1 =	vmul.f32 $1.131370830e+01, v1  }
0x3d: {  	v6 =	vld [tilespmem:s6+$0xFFFFFFA0];
	[tilespmem:s9+$0x30] =	vst v0;
	v0 =	vmul.f32 $1.131370830e+01, v2  }
0x3e: {  	v2 =	vld [tilespmem:s6+$0xFFFFFFB0];
	[tilespmem:s9+$0x40] =	vst v1;
	v1 =	vmul.f32 $1.131370830e+01, v3  }
0x3f: {  	v3 =	vld [tilespmem:s6+$0xFFFFFFC0];
	v4 =	vmul.f32 $1.131370830e+01, v4;
	[tilespmem:s9+$0x50] =	vst v0  }
0x40: {  	v0 =	vld [tilespmem:s6+$0xFFFFFFD0];
	v7 =	vmul.f32 $1.131370830e+01, v7;
	[tilespmem:s9+$0x60] =	vst v1  }
0x41: {  	v1 =	vmul.f32 $1.131370830e+01, v5;
	v5 =	vld [tilespmem:s6+$0xFFFFFFE0];
	[tilespmem:s9+$0xFFFFFF80] =	vst v4;
	s9 =	smov.u32 s6  }
0x42: {  	v4 =	vmul.f32 $1.131370830e+01, v6;
	v6 =	vld [tilespmem:s6+$0xFFFFFFF0];
	[tilespmem:s6+$0x70] =	vst v7  }
0x43: {  	[tilespmem:s6+$0xFFFFFF90] =	vst v1;
	v1 =	vmul.f32 $1.131370830e+01, v2;
	v2 =	vld [tilespmem:s6+$0x0]  }
0x44: {  	[tilespmem:s6+$0xFFFFFFA0] =	vst v4;
	v3 =	vmul.f32 $1.131370830e+01, v3;
	v4 =	vld [tilespmem:s6+$0x10]  }
0x45: {  	[tilespmem:s6+$0xFFFFFFB0] =	vst v1;
	v1 =	vmul.f32 $1.131370830e+01, v0;
	v7 =	vld [tilespmem:s6+$0x20]  }
.Ltmp0:
0x46: {  	[tilespmem:s6+$0xFFFFFFC0] =	vst v3;
	v3 =	vmul.f32 $1.131370830e+01, v5;
	v0 =	vld [tilespmem:s6+$0x30];
	(pc) =	sbr.rel @p0 .LBB2_2-.Ltmp0, $4  }
0x47: {  	[tilespmem:s6+$0xFFFFFFD0] =	vst v1;
	v5 =	vmul.f32 $1.131370830e+01, v6;
	v1 =	vld [tilespmem:s6+$0x40]  }
0x48: {  	[tilespmem:s6+$0xFFFFFFE0] =	vst v3;
	v6 =	vmul.f32 $1.131370830e+01, v2;
	v2 =	vld [tilespmem:s6+$0x50]  }
0x49: {  	[tilespmem:s6+$0xFFFFFFF0] =	vst v5;
	v5 =	vmul.f32 $1.131370830e+01, v4;
	v3 =	vld [tilespmem:s6+$0x60]  }
0x4a: {  	s6 =	sadd.s32 $0x100, s6;
	v4 =	vld [tilespmem:s9+$0xFFFFFF80];
	[tilespmem:s9+$0x0] =	vst v6;
	v6 =	vmul.f32 $1.131370830e+01, v7  }
0x4b: {  	[tilespmem:s9+$0x10] =	vst v5;
	v0 =	vmul.f32 $1.131370830e+01, v0  }
0x4c: {  	[tilespmem:s9+$0x20] =	vst v6;
	v1 =	vmul.f32 $1.131370830e+01, v1  }
0x4d: {  	[tilespmem:s9+$0x30] =	vst v0;
	v0 =	vmul.f32 $1.131370830e+01, v2  }
0x4e: {  	[tilespmem:s9+$0x40] =	vst v1;
	v1 =	vmul.f32 $1.131370830e+01, v3  }
0x4f: {  	v2 =	vmul.f32 $1.131370830e+01, v4;
	[tilespmem:s9+$0x50] =	vst v0  }
0x50: {  	[tilespmem:s9+$0x60] =	vst v1  }
0x51: {  	[tilespmem:s9+$0xFFFFFF80] =	vst v2  }
0x52: {  	s6 =	rddreg [dreg:$0x5]  }
0x53: {  	[hbm4b:s6+s4] =	stream.linear.scatter [tilespmem:s20], [sflag:$0x5], $0x4000, $0x38;
	[tilespmem:$0x11C00] =	vst v63  }
0x54: {  	_ =	swait.ge [sflag:s31], $0x2000  }
0x55: {  	[sflag:s31] =	ssyncset.done $0x0  }
0x56: {  	[sflag:s31] =	ssyncadd.s32 $0xFFFFE000  }
0x57: {  	_ =	swait.ge [sflag:s31], $0x2000  }
0x58: {  	[sflag:s31] =	ssyncset.done $0x0  }
0x59: {  	s15 =	simm.s32 $0x180;
	[sflag:s31] =	ssyncadd.s32 $0xFFFFE000  }
0x5a: {  	[tilespmem:s1], [sflag:$0x4] =	stream.indirect.gather [hbm4b:s2+s19], $0x80, s15, s19, $0xb8;
	[tilespmem:$0x11C00] =	vst v63  }
0x5b: {  	s18 =	simm.s32 $0x1C0;
	s9 =	simm.s32 $0x5C80  }
0x5c: {  	[tilespmem:s23], [sflag:$0x4] =	stream.indirect.gather [hbm4b:s2+s19], $0x80, s18, s19, $0xb8;
	[tilespmem:$0x11C00] =	vst v63  }
0x5d: {  	v0 =	vld [tilespmem:s9+$0x70]  }
0x5e: {  	v1 =	vld [tilespmem:s9+$0xFFFFFF90]  }
0x5f: {  	v2 =	vld [tilespmem:s9+$0xFFFFFFA0]  }
0x60: {  	v3 =	vld [tilespmem:s9+$0xFFFFFFB0]  }
0x61: {  	v4 =	vld [tilespmem:s9+$0xFFFFFFC0]  }
0x62: {  	v5 =	vld [tilespmem:s9+$0xFFFFFFD0];
	v0 =	vmul.f32 $1.131370830e+01, v0  }
0x63: {  	v6 =	vld [tilespmem:s9+$0xFFFFFFE0];
	v1 =	vmul.f32 $1.131370830e+01, v1  }
0x64: {  	v7 =	vld [tilespmem:s9+$0xFFFFFFF0];
	v2 =	vmul.f32 $1.131370830e+01, v2;
	[tilespmem:s9+$0x70] =	vst v0  }
0x65: {  	[tilespmem:s9+$0xFFFFFF90] =	vst v1;
	v0 =	vmul.f32 $1.131370830e+01, v3;
	v3 =	vld [tilespmem:s9+$0x0]  }
0x66: {  	[tilespmem:s9+$0xFFFFFFA0] =	vst v2;
	v1 =	vmul.f32 $1.131370830e+01, v4;
	v4 =	vld [tilespmem:s9+$0x10]  }
0x67: {  	v8 =	vld [tilespmem:s9+$0x20];
	v2 =	vmul.f32 $1.131370830e+01, v5;
	[tilespmem:s9+$0xFFFFFFB0] =	vst v0  }
0x68: {  	v5 =	vmul.f32 $1.131370830e+01, v6;
	[tilespmem:s9+$0xFFFFFFC0] =	vst v1;
	v0 =	vld [tilespmem:s9+$0x30]  }
0x69: {  	v6 =	vmul.f32 $1.131370830e+01, v7;
	[tilespmem:s9+$0xFFFFFFD0] =	vst v2;
	v1 =	vld [tilespmem:s9+$0x40]  }
0x6a: {  	[tilespmem:s9+$0xFFFFFFE0] =	vst v5;
	v2 =	vld [tilespmem:s9+$0x50];
	v7 =	vmul.f32 $1.131370830e+01, v3  }
0x6b: {  	[tilespmem:s9+$0xFFFFFFF0] =	vst v6;
	v3 =	vld [tilespmem:s9+$0x60];
	v5 =	vmul.f32 $1.131370830e+01, v4  }
0x6c: {  	s10 =	simm.s32 $0x0;
	s6 =	simm.s32 $0x5D80;
	v6 =	vmul.f32 $1.131370830e+01, v8;
	v4 =	vld [tilespmem:s9+$0xFFFFFF80];
	[tilespmem:s9+$0x0] =	vst v7  }
.LBB2_4:
0x6d: {  	v7 =	vld [tilespmem:s6+$0x70];
	s10 =	sadd.s32 $0x2, s10;
	[tilespmem:s9+$0x10] =	vst v5;
	v0 =	vmul.f32 $1.131370830e+01, v0  }
0x6e: {  	v5 =	vld [tilespmem:s6+$0xFFFFFF90];
	p0 =	slt.u32 s10, $0x7E;
	[tilespmem:s9+$0x20] =	vst v6;
	v1 =	vmul.f32 $1.131370830e+01, v1  }
0x6f: {  	v6 =	vld [tilespmem:s6+$0xFFFFFFA0];
	[tilespmem:s9+$0x30] =	vst v0;
	v0 =	vmul.f32 $1.131370830e+01, v2  }
0x70: {  	v2 =	vld [tilespmem:s6+$0xFFFFFFB0];
	[tilespmem:s9+$0x40] =	vst v1;
	v1 =	vmul.f32 $1.131370830e+01, v3  }
0x71: {  	v3 =	vld [tilespmem:s6+$0xFFFFFFC0];
	v4 =	vmul.f32 $1.131370830e+01, v4;
	[tilespmem:s9+$0x50] =	vst v0  }
0x72: {  	v0 =	vld [tilespmem:s6+$0xFFFFFFD0];
	v7 =	vmul.f32 $1.131370830e+01, v7;
	[tilespmem:s9+$0x60] =	vst v1  }
0x73: {  	v1 =	vmul.f32 $1.131370830e+01, v5;
	v5 =	vld [tilespmem:s6+$0xFFFFFFE0];
	[tilespmem:s9+$0xFFFFFF80] =	vst v4;
	s9 =	smov.u32 s6  }
0x74: {  	v4 =	vmul.f32 $1.131370830e+01, v6;
	v6 =	vld [tilespmem:s6+$0xFFFFFFF0];
	[tilespmem:s6+$0x70] =	vst v7  }
0x75: {  	[tilespmem:s6+$0xFFFFFF90] =	vst v1;
	v1 =	vmul.f32 $1.131370830e+01, v2;
	v2 =	vld [tilespmem:s6+$0x0]  }
0x76: {  	[tilespmem:s6+$0xFFFFFFA0] =	vst v4;
	v3 =	vmul.f32 $1.131370830e+01, v3;
	v4 =	vld [tilespmem:s6+$0x10]  }
0x77: {  	[tilespmem:s6+$0xFFFFFFB0] =	vst v1;
	v1 =	vmul.f32 $1.131370830e+01, v0;
	v7 =	vld [tilespmem:s6+$0x20]  }
.Ltmp1:
0x78: {  	[tilespmem:s6+$0xFFFFFFC0] =	vst v3;
	v3 =	vmul.f32 $1.131370830e+01, v5;
	v0 =	vld [tilespmem:s6+$0x30];
	(pc) =	sbr.rel @p0 .LBB2_4-.Ltmp1, $4  }
0x79: {  	[tilespmem:s6+$0xFFFFFFD0] =	vst v1;
	v5 =	vmul.f32 $1.131370830e+01, v6;
	v1 =	vld [tilespmem:s6+$0x40]  }
0x7a: {  	[tilespmem:s6+$0xFFFFFFE0] =	vst v3;
	v6 =	vmul.f32 $1.131370830e+01, v2;
	v2 =	vld [tilespmem:s6+$0x50]  }
0x7b: {  	[tilespmem:s6+$0xFFFFFFF0] =	vst v5;
	v5 =	vmul.f32 $1.131370830e+01, v4;
	v3 =	vld [tilespmem:s6+$0x60]  }
0x7c: {  	s6 =	sadd.s32 $0x100, s6;
	v4 =	vld [tilespmem:s9+$0xFFFFFF80];
	[tilespmem:s9+$0x0] =	vst v6;
	v6 =	vmul.f32 $1.131370830e+01, v7  }
0x7d: {  	[tilespmem:s9+$0x10] =	vst v5;
	v0 =	vmul.f32 $1.131370830e+01, v0  }
0x7e: {  	[tilespmem:s9+$0x20] =	vst v6;
	v1 =	vmul.f32 $1.131370830e+01, v1  }
0x7f: {  	[tilespmem:s9+$0x30] =	vst v0;
	v0 =	vmul.f32 $1.131370830e+01, v2  }
0x80: {  	[tilespmem:s9+$0x40] =	vst v1;
	v1 =	vmul.f32 $1.131370830e+01, v3  }
0x81: {  	v2 =	vmul.f32 $1.131370830e+01, v4;
	[tilespmem:s9+$0x50] =	vst v0  }
0x82: {  	[tilespmem:s9+$0x60] =	vst v1  }
0x83: {  	[tilespmem:s9+$0xFFFFFF80] =	vst v2  }
0x84: {  	s6 =	rddreg [dreg:$0x6]  }
0x85: {  	[hbm4b:s6+s4] =	stream.linear.scatter [tilespmem:s22], [sflag:$0x6], $0x4000, $0x38;
	[tilespmem:$0x11C00] =	vst v63  }
0x86: {  	_ =	swait.ge [sflag:s26], $0x2000  }
0x87: {  	[sflag:s26] =	ssyncset.done $0x0  }
0x88: {  	[sflag:s26] =	ssyncadd.s32 $0xFFFFE000  }
0x89: {  	_ =	swait.ge [sflag:s26], $0x2000  }
0x8a: {  	[sflag:s26] =	ssyncset.done $0x0  }
0x8b: {  	[sflag:s26] =	ssyncadd.s32 $0xFFFFE000  }
0x8c: {  	_ =	swait.ge [sflag:s29], $0x4000  }
0x8d: {  	[sflag:s29] =	ssyncset.done $0x0  }
0x8e: {  	s15 =	simm.s32 $0x200;
	[sflag:s29] =	ssyncadd.s32 $0xFFFFC000  }
0x8f: {  	[tilespmem:s20], [sflag:$0x1] =	stream.indirect.gather [hbm4b:s2+s19], $0x80, s15, s19, $0xb8;
	[tilespmem:$0x11C00] =	vst v63  }
0x90: {  	s18 =	simm.s32 $0x240;
	s9 =	simm.s32 $0x9C80  }
0x91: {  	[tilespmem:s21], [sflag:$0x1] =	stream.indirect.gather [hbm4b:s2+s19], $0x80, s18, s19, $0xb8;
	[tilespmem:$0x11C00] =	vst v63  }
0x92: {  	v0 =	vld [tilespmem:s9+$0x70]  }
0x93: {  	v1 =	vld [tilespmem:s9+$0xFFFFFF90]  }
0x94: {  	v2 =	vld [tilespmem:s9+$0xFFFFFFA0]  }
0x95: {  	v3 =	vld [tilespmem:s9+$0xFFFFFFB0]  }
0x96: {  	v4 =	vld [tilespmem:s9+$0xFFFFFFC0]  }
0x97: {  	v5 =	vld [tilespmem:s9+$0xFFFFFFD0];
	v0 =	vmul.f32 $1.131370830e+01, v0  }
0x98: {  	v6 =	vld [tilespmem:s9+$0xFFFFFFE0];
	v1 =	vmul.f32 $1.131370830e+01, v1  }
0x99: {  	v7 =	vld [tilespmem:s9+$0xFFFFFFF0];
	v2 =	vmul.f32 $1.131370830e+01, v2;
	[tilespmem:s9+$0x70] =	vst v0  }
0x9a: {  	[tilespmem:s9+$0xFFFFFF90] =	vst v1;
	v0 =	vmul.f32 $1.131370830e+01, v3;
	v3 =	vld [tilespmem:s9+$0x0]  }
0x9b: {  	[tilespmem:s9+$0xFFFFFFA0] =	vst v2;
	v1 =	vmul.f32 $1.131370830e+01, v4;
	v4 =	vld [tilespmem:s9+$0x10]  }
0x9c: {  	v8 =	vld [tilespmem:s9+$0x20];
	v2 =	vmul.f32 $1.131370830e+01, v5;
	[tilespmem:s9+$0xFFFFFFB0] =	vst v0  }
0x9d: {  	v5 =	vmul.f32 $1.131370830e+01, v6;
	[tilespmem:s9+$0xFFFFFFC0] =	vst v1;
	v0 =	vld [tilespmem:s9+$0x30]  }
0x9e: {  	v6 =	vmul.f32 $1.131370830e+01, v7;
	[tilespmem:s9+$0xFFFFFFD0] =	vst v2;
	v1 =	vld [tilespmem:s9+$0x40]  }
0x9f: {  	[tilespmem:s9+$0xFFFFFFE0] =	vst v5;
	v2 =	vld [tilespmem:s9+$0x50];
	v7 =	vmul.f32 $1.131370830e+01, v3  }
0xa0: {  	[tilespmem:s9+$0xFFFFFFF0] =	vst v6;
	v3 =	vld [tilespmem:s9+$0x60];
	v5 =	vmul.f32 $1.131370830e+01, v4  }
0xa1: {  	s10 =	simm.s32 $0x0;
	s6 =	simm.s32 $0x9D80;
	v6 =	vmul.f32 $1.131370830e+01, v8;
	v4 =	vld [tilespmem:s9+$0xFFFFFF80];
	[tilespmem:s9+$0x0] =	vst v7  }
.LBB2_6:
0xa2: {  	v7 =	vld [tilespmem:s6+$0x70];
	s10 =	sadd.s32 $0x2, s10;
	[tilespmem:s9+$0x10] =	vst v5;
	v0 =	vmul.f32 $1.131370830e+01, v0  }
0xa3: {  	v5 =	vld [tilespmem:s6+$0xFFFFFF90];
	p0 =	slt.u32 s10, $0x7E;
	[tilespmem:s9+$0x20] =	vst v6;
	v1 =	vmul.f32 $1.131370830e+01, v1  }
0xa4: {  	v6 =	vld [tilespmem:s6+$0xFFFFFFA0];
	[tilespmem:s9+$0x30] =	vst v0;
	v0 =	vmul.f32 $1.131370830e+01, v2  }
0xa5: {  	v2 =	vld [tilespmem:s6+$0xFFFFFFB0];
	[tilespmem:s9+$0x40] =	vst v1;
	v1 =	vmul.f32 $1.131370830e+01, v3  }
0xa6: {  	v3 =	vld [tilespmem:s6+$0xFFFFFFC0];
	v4 =	vmul.f32 $1.131370830e+01, v4;
	[tilespmem:s9+$0x50] =	vst v0  }
0xa7: {  	v0 =	vld [tilespmem:s6+$0xFFFFFFD0];
	v7 =	vmul.f32 $1.131370830e+01, v7;
	[tilespmem:s9+$0x60] =	vst v1  }
0xa8: {  	v1 =	vmul.f32 $1.131370830e+01, v5;
	v5 =	vld [tilespmem:s6+$0xFFFFFFE0];
	[tilespmem:s9+$0xFFFFFF80] =	vst v4;
	s9 =	smov.u32 s6  }
0xa9: {  	v4 =	vmul.f32 $1.131370830e+01, v6;
	v6 =	vld [tilespmem:s6+$0xFFFFFFF0];
	[tilespmem:s6+$0x70] =	vst v7  }
0xaa: {  	[tilespmem:s6+$0xFFFFFF90] =	vst v1;
	v1 =	vmul.f32 $1.131370830e+01, v2;
	v2 =	vld [tilespmem:s6+$0x0]  }
0xab: {  	[tilespmem:s6+$0xFFFFFFA0] =	vst v4;
	v3 =	vmul.f32 $1.131370830e+01, v3;
	v4 =	vld [tilespmem:s6+$0x10]  }
0xac: {  	[tilespmem:s6+$0xFFFFFFB0] =	vst v1;
	v1 =	vmul.f32 $1.131370830e+01, v0;
	v7 =	vld [tilespmem:s6+$0x20]  }
.Ltmp2:
0xad: {  	[tilespmem:s6+$0xFFFFFFC0] =	vst v3;
	v3 =	vmul.f32 $1.131370830e+01, v5;
	v0 =	vld [tilespmem:s6+$0x30];
	(pc) =	sbr.rel @p0 .LBB2_6-.Ltmp2, $4  }
0xae: {  	[tilespmem:s6+$0xFFFFFFD0] =	vst v1;
	v5 =	vmul.f32 $1.131370830e+01, v6;
	v1 =	vld [tilespmem:s6+$0x40]  }
0xaf: {  	[tilespmem:s6+$0xFFFFFFE0] =	vst v3;
	v6 =	vmul.f32 $1.131370830e+01, v2;
	v2 =	vld [tilespmem:s6+$0x50]  }
0xb0: {  	[tilespmem:s6+$0xFFFFFFF0] =	vst v5;
	v5 =	vmul.f32 $1.131370830e+01, v4;
	v3 =	vld [tilespmem:s6+$0x60]  }
0xb1: {  	s6 =	sadd.s32 $0x100, s6;
	v4 =	vld [tilespmem:s9+$0xFFFFFF80];
	[tilespmem:s9+$0x0] =	vst v6;
	v6 =	vmul.f32 $1.131370830e+01, v7  }
0xb2: {  	[tilespmem:s9+$0x10] =	vst v5;
	v0 =	vmul.f32 $1.131370830e+01, v0  }
0xb3: {  	[tilespmem:s9+$0x20] =	vst v6;
	v1 =	vmul.f32 $1.131370830e+01, v1  }
0xb4: {  	[tilespmem:s9+$0x30] =	vst v0;
	v0 =	vmul.f32 $1.131370830e+01, v2  }
0xb5: {  	[tilespmem:s9+$0x40] =	vst v1;
	v1 =	vmul.f32 $1.131370830e+01, v3  }
0xb6: {  	v2 =	vmul.f32 $1.131370830e+01, v4;
	[tilespmem:s9+$0x50] =	vst v0  }
0xb7: {  	[tilespmem:s9+$0x60] =	vst v1  }
0xb8: {  	[tilespmem:s9+$0xFFFFFF80] =	vst v2  }
0xb9: {  	s6 =	rddreg [dreg:$0x7]  }
0xba: {  	[hbm4b:s6+s4] =	stream.linear.scatter [tilespmem:s28], [sflag:$0x7], $0x4000, $0x38;
	[tilespmem:$0x11C00] =	vst v63  }
0xbb: {  	_ =	swait.ge [sflag:s0], $0x2000  }
0xbc: {  	[sflag:s0] =	ssyncset.done $0x0  }
0xbd: {  	[sflag:s0] =	ssyncadd.s32 $0xFFFFE000  }
0xbe: {  	_ =	swait.ge [sflag:s0], $0x2000  }
0xbf: {  	[sflag:s0] =	ssyncset.done $0x0  }
0xc0: {  	[sflag:s0] =	ssyncadd.s32 $0xFFFFE000  }
0xc1: {  	_ =	swait.ge [sflag:s17], $0x4000  }
0xc2: {  	[sflag:s17] =	ssyncset.done $0x0  }
0xc3: {  	s15 =	simm.s32 $0x280;
	[sflag:s17] =	ssyncadd.s32 $0xFFFFC000  }
0xc4: {  	[tilespmem:s22], [sflag:$0x2] =	stream.indirect.gather [hbm4b:s2+s19], $0x80, s15, s19, $0xb8;
	[tilespmem:$0x11C00] =	vst v63  }
0xc5: {  	s18 =	simm.s32 $0x2C0;
	s9 =	simm.s32 $0xDC80  }
0xc6: {  	[tilespmem:s24], [sflag:$0x2] =	stream.indirect.gather [hbm4b:s2+s19], $0x80, s18, s19, $0xb8;
	[tilespmem:$0x11C00] =	vst v63  }
0xc7: {  	v0 =	vld [tilespmem:s9+$0x70]  }
0xc8: {  	v1 =	vld [tilespmem:s9+$0xFFFFFF90]  }
0xc9: {  	v2 =	vld [tilespmem:s9+$0xFFFFFFA0]  }
0xca: {  	v3 =	vld [tilespmem:s9+$0xFFFFFFB0]  }
0xcb: {  	v4 =	vld [tilespmem:s9+$0xFFFFFFC0]  }
0xcc: {  	v5 =	vld [tilespmem:s9+$0xFFFFFFD0];
	v0 =	vmul.f32 $1.131370830e+01, v0  }
0xcd: {  	v6 =	vld [tilespmem:s9+$0xFFFFFFE0];
	v1 =	vmul.f32 $1.131370830e+01, v1  }
0xce: {  	v7 =	vld [tilespmem:s9+$0xFFFFFFF0];
	v2 =	vmul.f32 $1.131370830e+01, v2;
	[tilespmem:s9+$0x70] =	vst v0  }
0xcf: {  	[tilespmem:s9+$0xFFFFFF90] =	vst v1;
	v0 =	vmul.f32 $1.131370830e+01, v3;
	v3 =	vld [tilespmem:s9+$0x0]  }
0xd0: {  	[tilespmem:s9+$0xFFFFFFA0] =	vst v2;
	v1 =	vmul.f32 $1.131370830e+01, v4;
	v4 =	vld [tilespmem:s9+$0x10]  }
0xd1: {  	v8 =	vld [tilespmem:s9+$0x20];
	v2 =	vmul.f32 $1.131370830e+01, v5;
	[tilespmem:s9+$0xFFFFFFB0] =	vst v0  }
0xd2: {  	v5 =	vmul.f32 $1.131370830e+01, v6;
	[tilespmem:s9+$0xFFFFFFC0] =	vst v1;
	v0 =	vld [tilespmem:s9+$0x30]  }
0xd3: {  	v6 =	vmul.f32 $1.131370830e+01, v7;
	[tilespmem:s9+$0xFFFFFFD0] =	vst v2;
	v1 =	vld [tilespmem:s9+$0x40]  }
0xd4: {  	[tilespmem:s9+$0xFFFFFFE0] =	vst v5;
	v2 =	vld [tilespmem:s9+$0x50];
	v7 =	vmul.f32 $1.131370830e+01, v3  }
0xd5: {  	[tilespmem:s9+$0xFFFFFFF0] =	vst v6;
	v3 =	vld [tilespmem:s9+$0x60];
	v5 =	vmul.f32 $1.131370830e+01, v4  }
0xd6: {  	s10 =	simm.s32 $0x0;
	s6 =	simm.s32 $0xDD80;
	v6 =	vmul.f32 $1.131370830e+01, v8;
	v4 =	vld [tilespmem:s9+$0xFFFFFF80];
	[tilespmem:s9+$0x0] =	vst v7  }
.LBB2_8:
0xd7: {  	v7 =	vld [tilespmem:s6+$0x70];
	s10 =	sadd.s32 $0x2, s10;
	[tilespmem:s9+$0x10] =	vst v5;
	v0 =	vmul.f32 $1.131370830e+01, v0  }
0xd8: {  	v5 =	vld [tilespmem:s6+$0xFFFFFF90];
	p0 =	slt.u32 s10, $0x7E;
	[tilespmem:s9+$0x20] =	vst v6;
	v1 =	vmul.f32 $1.131370830e+01, v1  }
0xd9: {  	v6 =	vld [tilespmem:s6+$0xFFFFFFA0];
	[tilespmem:s9+$0x30] =	vst v0;
	v0 =	vmul.f32 $1.131370830e+01, v2  }
0xda: {  	v2 =	vld [tilespmem:s6+$0xFFFFFFB0];
	[tilespmem:s9+$0x40] =	vst v1;
	v1 =	vmul.f32 $1.131370830e+01, v3  }
0xdb: {  	v3 =	vld [tilespmem:s6+$0xFFFFFFC0];
	v4 =	vmul.f32 $1.131370830e+01, v4;
	[tilespmem:s9+$0x50] =	vst v0  }
0xdc: {  	v0 =	vld [tilespmem:s6+$0xFFFFFFD0];
	v7 =	vmul.f32 $1.131370830e+01, v7;
	[tilespmem:s9+$0x60] =	vst v1  }
0xdd: {  	v1 =	vmul.f32 $1.131370830e+01, v5;
	v5 =	vld [tilespmem:s6+$0xFFFFFFE0];
	[tilespmem:s9+$0xFFFFFF80] =	vst v4;
	s9 =	smov.u32 s6  }
0xde: {  	v4 =	vmul.f32 $1.131370830e+01, v6;
	v6 =	vld [tilespmem:s6+$0xFFFFFFF0];
	[tilespmem:s6+$0x70] =	vst v7  }
0xdf: {  	[tilespmem:s6+$0xFFFFFF90] =	vst v1;
	v1 =	vmul.f32 $1.131370830e+01, v2;
	v2 =	vld [tilespmem:s6+$0x0]  }
0xe0: {  	[tilespmem:s6+$0xFFFFFFA0] =	vst v4;
	v3 =	vmul.f32 $1.131370830e+01, v3;
	v4 =	vld [tilespmem:s6+$0x10]  }
0xe1: {  	[tilespmem:s6+$0xFFFFFFB0] =	vst v1;
	v1 =	vmul.f32 $1.131370830e+01, v0;
	v7 =	vld [tilespmem:s6+$0x20]  }
.Ltmp3:
0xe2: {  	[tilespmem:s6+$0xFFFFFFC0] =	vst v3;
	v3 =	vmul.f32 $1.131370830e+01, v5;
	v0 =	vld [tilespmem:s6+$0x30];
	(pc) =	sbr.rel @p0 .LBB2_8-.Ltmp3, $4  }
0xe3: {  	[tilespmem:s6+$0xFFFFFFD0] =	vst v1;
	v5 =	vmul.f32 $1.131370830e+01, v6;
	v1 =	vld [tilespmem:s6+$0x40]  }
0xe4: {  	[tilespmem:s6+$0xFFFFFFE0] =	vst v3;
	v6 =	vmul.f32 $1.131370830e+01, v2;
	v2 =	vld [tilespmem:s6+$0x50]  }
0xe5: {  	[tilespmem:s6+$0xFFFFFFF0] =	vst v5;
	v5 =	vmul.f32 $1.131370830e+01, v4;
	v3 =	vld [tilespmem:s6+$0x60]  }
0xe6: {  	s6 =	sadd.s32 $0x100, s6;
	v4 =	vld [tilespmem:s9+$0xFFFFFF80];
	[tilespmem:s9+$0x0] =	vst v6;
	v6 =	vmul.f32 $1.131370830e+01, v7  }
0xe7: {  	[tilespmem:s9+$0x10] =	vst v5;
	v0 =	vmul.f32 $1.131370830e+01, v0  }
0xe8: {  	[tilespmem:s9+$0x20] =	vst v6;
	v1 =	vmul.f32 $1.131370830e+01, v1  }
0xe9: {  	[tilespmem:s9+$0x30] =	vst v0;
	v61 =	vmul.f32 $1.131370830e+01, v2  }
0xea: {  	[tilespmem:s9+$0x40] =	vst v1;
	v62 =	vmul.f32 $1.131370830e+01, v3  }
0xeb: {  	v63 =	vmul.f32 $1.131370830e+01, v4;
	[tilespmem:s9+$0x50] =	vst v61  }
0xec: {  	[tilespmem:s9+$0x60] =	vst v62  }
0xed: {  	[tilespmem:s9+$0xFFFFFF80] =	vst v63  }
0xee: {  	s9 =	simm.s32 $0x0;
	s6 =	rddreg [dreg:$0x8]  }
0xef: {  	[hbm4b:s6+s9] =	stream.linear.scatter [tilespmem:s1], [sflag:$0x8], $0x4000, $0x38;
	[tilespmem:$0x11C00] =	vst v63  }
.LBB2_10:
0xf0: {  	_ =	swait.ge [sflag:s25], $0x2000  }
0xf1: {  	[sflag:s25] =	ssyncset.done $0x0  }
0xf2: {  	[sflag:s25] =	ssyncadd.s32 $0xFFFFE000  }
0xf3: {  	_ =	swait.ge [sflag:s25], $0x2000  }
0xf4: {  	[sflag:s25] =	ssyncset.done $0x0  }
0xf5: {  	s13 =	sshll.u32 s9, $0x2;
	[sflag:s25] =	ssyncadd.s32 $0xFFFFE000  }
0xf6: {  	s10 =	sadd.s32 $0x6, s13;
	_ =	swait.ge [sflag:s16], $0x4000  }
0xf7: {  	s6 =	sshll.u32 s10, $0x7;
	[sflag:s16] =	ssyncset.done $0x0  }
0xf8: {  	s6 =	sand.u32 $0x3FFFFF00, s6;
	[sflag:s16] =	ssyncadd.s32 $0xFFFFC000  }
0xf9: {  	[tilespmem:s28], [sflag:$0x3] =	stream.indirect.gather [hbm4b:s2+s19], $0x80, s6, s19, $0xb8;
	[tilespmem:$0x11C00] =	vst v63  }
0xfa: {  	s15 =	simm.s32 $0x1C80;
	s6 =	sor.u32 $0x40, s6  }
0xfb: {  	[tilespmem:s30], [sflag:$0x3] =	stream.indirect.gather [hbm4b:s2+s19], $0x80, s6, s19, $0xb8;
	[tilespmem:$0x11C00] =	vst v63  }
0xfc: {  	v0 =	vld [tilespmem:s15+$0x70]  }
0xfd: {  	v1 =	vld [tilespmem:s15+$0xFFFFFF90]  }
0xfe: {  	v2 =	vld [tilespmem:s15+$0xFFFFFFA0]  }
0xff: {  	v3 =	vld [tilespmem:s15+$0xFFFFFFB0]  }
0x100: {  	v4 =	vld [tilespmem:s15+$0xFFFFFFC0]  }
0x101: {  	v5 =	vld [tilespmem:s15+$0xFFFFFFD0];
	v0 =	vmul.f32 $1.131370830e+01, v0  }
0x102: {  	v6 =	vld [tilespmem:s15+$0xFFFFFFE0];
	v1 =	vmul.f32 $1.131370830e+01, v1  }
0x103: {  	v7 =	vld [tilespmem:s15+$0xFFFFFFF0];
	v2 =	vmul.f32 $1.131370830e+01, v2;
	[tilespmem:s15+$0x70] =	vst v0  }
0x104: {  	[tilespmem:s15+$0xFFFFFF90] =	vst v1;
	v0 =	vmul.f32 $1.131370830e+01, v3;
	v3 =	vld [tilespmem:s15+$0x0]  }
0x105: {  	[tilespmem:s15+$0xFFFFFFA0] =	vst v2;
	v1 =	vmul.f32 $1.131370830e+01, v4;
	v4 =	vld [tilespmem:s15+$0x10]  }
0x106: {  	v8 =	vld [tilespmem:s15+$0x20];
	v2 =	vmul.f32 $1.131370830e+01, v5;
	[tilespmem:s15+$0xFFFFFFB0] =	vst v0  }
0x107: {  	v5 =	vmul.f32 $1.131370830e+01, v6;
	[tilespmem:s15+$0xFFFFFFC0] =	vst v1;
	v0 =	vld [tilespmem:s15+$0x30]  }
0x108: {  	v6 =	vmul.f32 $1.131370830e+01, v7;
	[tilespmem:s15+$0xFFFFFFD0] =	vst v2;
	v1 =	vld [tilespmem:s15+$0x40]  }
0x109: {  	[tilespmem:s15+$0xFFFFFFE0] =	vst v5;
	v2 =	vld [tilespmem:s15+$0x50];
	v7 =	vmul.f32 $1.131370830e+01, v3  }
0x10a: {  	[tilespmem:s15+$0xFFFFFFF0] =	vst v6;
	v3 =	vld [tilespmem:s15+$0x60];
	v5 =	vmul.f32 $1.131370830e+01, v4  }
0x10b: {  	s14 =	simm.s32 $0x0;
	s6 =	simm.s32 $0x1D80;
	v6 =	vmul.f32 $1.131370830e+01, v8;
	v4 =	vld [tilespmem:s15+$0xFFFFFF80];
	[tilespmem:s15+$0x0] =	vst v7  }
.LBB2_11:
0x10c: {  	v7 =	vld [tilespmem:s6+$0x70];
	s14 =	sadd.s32 $0x2, s14;
	[tilespmem:s15+$0x10] =	vst v5;
	v0 =	vmul.f32 $1.131370830e+01, v0  }
0x10d: {  	v5 =	vld [tilespmem:s6+$0xFFFFFF90];
	p0 =	slt.u32 s14, $0x7E;
	[tilespmem:s15+$0x20] =	vst v6;
	v1 =	vmul.f32 $1.131370830e+01, v1  }
0x10e: {  	v6 =	vld [tilespmem:s6+$0xFFFFFFA0];
	[tilespmem:s15+$0x30] =	vst v0;
	v0 =	vmul.f32 $1.131370830e+01, v2  }
0x10f: {  	v2 =	vld [tilespmem:s6+$0xFFFFFFB0];
	[tilespmem:s15+$0x40] =	vst v1;
	v1 =	vmul.f32 $1.131370830e+01, v3  }
0x110: {  	v3 =	vld [tilespmem:s6+$0xFFFFFFC0];
	v4 =	vmul.f32 $1.131370830e+01, v4;
	[tilespmem:s15+$0x50] =	vst v0  }
0x111: {  	v0 =	vld [tilespmem:s6+$0xFFFFFFD0];
	v7 =	vmul.f32 $1.131370830e+01, v7;
	[tilespmem:s15+$0x60] =	vst v1  }
0x112: {  	v1 =	vmul.f32 $1.131370830e+01, v5;
	v5 =	vld [tilespmem:s6+$0xFFFFFFE0];
	[tilespmem:s15+$0xFFFFFF80] =	vst v4;
	s15 =	smov.u32 s6  }
0x113: {  	v4 =	vmul.f32 $1.131370830e+01, v6;
	v6 =	vld [tilespmem:s6+$0xFFFFFFF0];
	[tilespmem:s6+$0x70] =	vst v7  }
0x114: {  	[tilespmem:s6+$0xFFFFFF90] =	vst v1;
	v1 =	vmul.f32 $1.131370830e+01, v2;
	v2 =	vld [tilespmem:s6+$0x0]  }
0x115: {  	[tilespmem:s6+$0xFFFFFFA0] =	vst v4;
	v3 =	vmul.f32 $1.131370830e+01, v3;
	v4 =	vld [tilespmem:s6+$0x10]  }
0x116: {  	[tilespmem:s6+$0xFFFFFFB0] =	vst v1;
	v1 =	vmul.f32 $1.131370830e+01, v0;
	v7 =	vld [tilespmem:s6+$0x20]  }
.Ltmp4:
0x117: {  	[tilespmem:s6+$0xFFFFFFC0] =	vst v3;
	v3 =	vmul.f32 $1.131370830e+01, v5;
	v0 =	vld [tilespmem:s6+$0x30];
	(pc) =	sbr.rel @p0 .LBB2_11-.Ltmp4, $4  }
0x118: {  	[tilespmem:s6+$0xFFFFFFD0] =	vst v1;
	v5 =	vmul.f32 $1.131370830e+01, v6;
	v1 =	vld [tilespmem:s6+$0x40]  }
0x119: {  	[tilespmem:s6+$0xFFFFFFE0] =	vst v3;
	v6 =	vmul.f32 $1.131370830e+01, v2;
	v2 =	vld [tilespmem:s6+$0x50]  }
0x11a: {  	[tilespmem:s6+$0xFFFFFFF0] =	vst v5;
	v5 =	vmul.f32 $1.131370830e+01, v4;
	v3 =	vld [tilespmem:s6+$0x60]  }
0x11b: {  	s6 =	sadd.s32 $0x100, s6;
	v4 =	vld [tilespmem:s15+$0xFFFFFF80];
	[tilespmem:s15+$0x0] =	vst v6;
	v6 =	vmul.f32 $1.131370830e+01, v7  }
0x11c: {  	[tilespmem:s15+$0x10] =	vst v5;
	v0 =	vmul.f32 $1.131370830e+01, v0  }
0x11d: {  	[tilespmem:s15+$0x20] =	vst v6;
	v1 =	vmul.f32 $1.131370830e+01, v1  }
0x11e: {  	[tilespmem:s15+$0x30] =	vst v0;
	v0 =	vmul.f32 $1.131370830e+01, v2  }
0x11f: {  	s14 =	sshll.u32 s9, $0x15;
	[tilespmem:s15+$0x40] =	vst v1;
	v1 =	vmul.f32 $1.131370830e+01, v3  }
0x120: {  	s6 =	sadd.s32 s11, s14;
	v2 =	vmul.f32 $1.131370830e+01, v4;
	[tilespmem:s15+$0x50] =	vst v0  }
0x121: {  	s6 =	sshrl.u32 s6, $0x3;
	[tilespmem:s15+$0x60] =	vst v1  }
0x122: {  	s6 =	sadd.s32 s3, s6;
	[tilespmem:s15+$0xFFFFFF80] =	vst v2  }
0x123: {  	[hbm4b:s6+s4] =	stream.linear.scatter [tilespmem:s20], [sflag:$0x5], $0x4000, $0x38;
	[tilespmem:$0x11C00] =	vst v63  }
0x124: {  	_ =	swait.ge [sflag:s31], $0x2000  }
0x125: {  	[sflag:s31] =	ssyncset.done $0x0  }
0x126: {  	[sflag:s31] =	ssyncadd.s32 $0xFFFFE000  }
0x127: {  	_ =	swait.ge [sflag:s31], $0x2000  }
0x128: {  	[sflag:s31] =	ssyncset.done $0x0  }
0x129: {  	[sflag:s31] =	ssyncadd.s32 $0xFFFFE000  }
0x12a: {  	s13 =	sadd.s32 $0x7, s13;
	_ =	swait.ge [sflag:s5], $0x4000  }
0x12b: {  	s18 =	sshll.u32 s13, $0x7;
	[sflag:s5] =	ssyncset.done $0x0  }
0x12c: {  	s6 =	sand.u32 $0x3FFFFF80, s18;
	[sflag:s5] =	ssyncadd.s32 $0xFFFFC000  }
0x12d: {  	[tilespmem:s1], [sflag:$0x4] =	stream.indirect.gather [hbm4b:s2+s19], $0x80, s6, s19, $0xb8;
	[tilespmem:$0x11C00] =	vst v63  }
0x12e: {  	s15 =	simm.s32 $0x5C80;
	s6 =	sor.u32 $0x40, s6  }
0x12f: {  	[tilespmem:s23], [sflag:$0x4] =	stream.indirect.gather [hbm4b:s2+s19], $0x80, s6, s19, $0xb8;
	[tilespmem:$0x11C00] =	vst v63  }
0x130: {  	v0 =	vld [tilespmem:s15+$0x70]  }
0x131: {  	v1 =	vld [tilespmem:s15+$0xFFFFFF90]  }
0x132: {  	v2 =	vld [tilespmem:s15+$0xFFFFFFA0]  }
0x133: {  	v3 =	vld [tilespmem:s15+$0xFFFFFFB0]  }
0x134: {  	v4 =	vld [tilespmem:s15+$0xFFFFFFC0]  }
0x135: {  	v5 =	vld [tilespmem:s15+$0xFFFFFFD0];
	v0 =	vmul.f32 $1.131370830e+01, v0  }
0x136: {  	v6 =	vld [tilespmem:s15+$0xFFFFFFE0];
	v1 =	vmul.f32 $1.131370830e+01, v1  }
0x137: {  	v7 =	vld [tilespmem:s15+$0xFFFFFFF0];
	v2 =	vmul.f32 $1.131370830e+01, v2;
	[tilespmem:s15+$0x70] =	vst v0  }
0x138: {  	[tilespmem:s15+$0xFFFFFF90] =	vst v1;
	v0 =	vmul.f32 $1.131370830e+01, v3;
	v3 =	vld [tilespmem:s15+$0x0]  }
0x139: {  	[tilespmem:s15+$0xFFFFFFA0] =	vst v2;
	v1 =	vmul.f32 $1.131370830e+01, v4;
	v4 =	vld [tilespmem:s15+$0x10]  }
0x13a: {  	v8 =	vld [tilespmem:s15+$0x20];
	v2 =	vmul.f32 $1.131370830e+01, v5;
	[tilespmem:s15+$0xFFFFFFB0] =	vst v0  }
0x13b: {  	v5 =	vmul.f32 $1.131370830e+01, v6;
	[tilespmem:s15+$0xFFFFFFC0] =	vst v1;
	v0 =	vld [tilespmem:s15+$0x30]  }
0x13c: {  	v6 =	vmul.f32 $1.131370830e+01, v7;
	[tilespmem:s15+$0xFFFFFFD0] =	vst v2;
	v1 =	vld [tilespmem:s15+$0x40]  }
0x13d: {  	[tilespmem:s15+$0xFFFFFFE0] =	vst v5;
	v2 =	vld [tilespmem:s15+$0x50];
	v7 =	vmul.f32 $1.131370830e+01, v3  }
0x13e: {  	[tilespmem:s15+$0xFFFFFFF0] =	vst v6;
	v3 =	vld [tilespmem:s15+$0x60];
	v5 =	vmul.f32 $1.131370830e+01, v4  }
0x13f: {  	s18 =	simm.s32 $0x5D80;
	s6 =	simm.s32 $0x0;
	v6 =	vmul.f32 $1.131370830e+01, v8;
	v4 =	vld [tilespmem:s15+$0xFFFFFF80];
	[tilespmem:s15+$0x0] =	vst v7  }
.LBB2_13:
0x140: {  	v7 =	vld [tilespmem:s18+$0x70];
	s6 =	sadd.s32 $0x2, s6;
	[tilespmem:s15+$0x10] =	vst v5;
	v0 =	vmul.f32 $1.131370830e+01, v0  }
0x141: {  	v5 =	vld [tilespmem:s18+$0xFFFFFF90];
	p0 =	slt.u32 s6, $0x7E;
	[tilespmem:s15+$0x20] =	vst v6;
	v1 =	vmul.f32 $1.131370830e+01, v1  }
0x142: {  	v6 =	vld [tilespmem:s18+$0xFFFFFFA0];
	[tilespmem:s15+$0x30] =	vst v0;
	v0 =	vmul.f32 $1.131370830e+01, v2  }
0x143: {  	v2 =	vld [tilespmem:s18+$0xFFFFFFB0];
	[tilespmem:s15+$0x40] =	vst v1;
	v1 =	vmul.f32 $1.131370830e+01, v3  }
0x144: {  	v3 =	vld [tilespmem:s18+$0xFFFFFFC0];
	v4 =	vmul.f32 $1.131370830e+01, v4;
	[tilespmem:s15+$0x50] =	vst v0  }
0x145: {  	v0 =	vld [tilespmem:s18+$0xFFFFFFD0];
	v7 =	vmul.f32 $1.131370830e+01, v7;
	[tilespmem:s15+$0x60] =	vst v1  }
0x146: {  	v1 =	vmul.f32 $1.131370830e+01, v5;
	v5 =	vld [tilespmem:s18+$0xFFFFFFE0];
	[tilespmem:s15+$0xFFFFFF80] =	vst v4;
	s15 =	smov.u32 s18  }
0x147: {  	v4 =	vmul.f32 $1.131370830e+01, v6;
	v6 =	vld [tilespmem:s18+$0xFFFFFFF0];
	[tilespmem:s18+$0x70] =	vst v7  }
0x148: {  	[tilespmem:s18+$0xFFFFFF90] =	vst v1;
	v1 =	vmul.f32 $1.131370830e+01, v2;
	v2 =	vld [tilespmem:s18+$0x0]  }
0x149: {  	[tilespmem:s18+$0xFFFFFFA0] =	vst v4;
	v3 =	vmul.f32 $1.131370830e+01, v3;
	v4 =	vld [tilespmem:s18+$0x10]  }
0x14a: {  	[tilespmem:s18+$0xFFFFFFB0] =	vst v1;
	v1 =	vmul.f32 $1.131370830e+01, v0;
	v7 =	vld [tilespmem:s18+$0x20]  }
.Ltmp5:
0x14b: {  	[tilespmem:s18+$0xFFFFFFC0] =	vst v3;
	v3 =	vmul.f32 $1.131370830e+01, v5;
	v0 =	vld [tilespmem:s18+$0x30];
	(pc) =	sbr.rel @p0 .LBB2_13-.Ltmp5, $4  }
0x14c: {  	[tilespmem:s18+$0xFFFFFFD0] =	vst v1;
	v5 =	vmul.f32 $1.131370830e+01, v6;
	v1 =	vld [tilespmem:s18+$0x40]  }
0x14d: {  	[tilespmem:s18+$0xFFFFFFE0] =	vst v3;
	v6 =	vmul.f32 $1.131370830e+01, v2;
	v2 =	vld [tilespmem:s18+$0x50]  }
0x14e: {  	[tilespmem:s18+$0xFFFFFFF0] =	vst v5;
	v5 =	vmul.f32 $1.131370830e+01, v4;
	v3 =	vld [tilespmem:s18+$0x60]  }
0x14f: {  	s18 =	sadd.s32 $0x100, s18;
	v4 =	vld [tilespmem:s15+$0xFFFFFF80];
	[tilespmem:s15+$0x0] =	vst v6;
	v6 =	vmul.f32 $1.131370830e+01, v7  }
0x150: {  	[tilespmem:s15+$0x10] =	vst v5;
	v0 =	vmul.f32 $1.131370830e+01, v0  }
0x151: {  	[tilespmem:s15+$0x20] =	vst v6;
	v1 =	vmul.f32 $1.131370830e+01, v1  }
0x152: {  	[tilespmem:s15+$0x30] =	vst v0;
	v0 =	vmul.f32 $1.131370830e+01, v2  }
0x153: {  	[tilespmem:s15+$0x40] =	vst v1;
	v1 =	vmul.f32 $1.131370830e+01, v3  }
0x154: {  	s6 =	sadd.s32 s12, s14;
	v2 =	vmul.f32 $1.131370830e+01, v4;
	[tilespmem:s15+$0x50] =	vst v0  }
0x155: {  	s6 =	sshrl.u32 s6, $0x3;
	[tilespmem:s15+$0x60] =	vst v1  }
0x156: {  	s6 =	sadd.s32 s3, s6;
	[tilespmem:s15+$0xFFFFFF80] =	vst v2  }
0x157: {  	[hbm4b:s6+s4] =	stream.linear.scatter [tilespmem:s22], [sflag:$0x6], $0x4000, $0x38;
	[tilespmem:$0x11C00] =	vst v63  }
0x158: {  	_ =	swait.ge [sflag:s26], $0x2000  }
0x159: {  	[sflag:s26] =	ssyncset.done $0x0  }
0x15a: {  	[sflag:s26] =	ssyncadd.s32 $0xFFFFE000  }
0x15b: {  	_ =	swait.ge [sflag:s26], $0x2000  }
0x15c: {  	[sflag:s26] =	ssyncset.done $0x0  }
0x15d: {  	[sflag:s26] =	ssyncadd.s32 $0xFFFFE000  }
0x15e: {  	s15 =	sshll.u32 s9, $0x9;
	_ =	swait.ge [sflag:s29], $0x4000  }
0x15f: {  	s14 =	sand.u32 $0x3FFFFE00, s15;
	[sflag:s29] =	ssyncset.done $0x0  }
0x160: {  	s6 =	sadd.s32 $0x400, s14;
	[sflag:s29] =	ssyncadd.s32 $0xFFFFC000  }
0x161: {  	[tilespmem:s20], [sflag:$0x1] =	stream.indirect.gather [hbm4b:s2+s19], $0x80, s6, s19, $0xb8;
	[tilespmem:$0x11C00] =	vst v63  }
0x162: {  	s15 =	simm.s32 $0x9C80;
	s18 =	sadd.s32 $0x440, s14  }
0x163: {  	[tilespmem:s21], [sflag:$0x1] =	stream.indirect.gather [hbm4b:s2+s19], $0x80, s18, s19, $0xb8;
	[tilespmem:$0x11C00] =	vst v63  }
0x164: {  	v0 =	vld [tilespmem:s15+$0x70]  }
0x165: {  	v1 =	vld [tilespmem:s15+$0xFFFFFF90]  }
0x166: {  	v2 =	vld [tilespmem:s15+$0xFFFFFFA0]  }
0x167: {  	v3 =	vld [tilespmem:s15+$0xFFFFFFB0]  }
0x168: {  	v4 =	vld [tilespmem:s15+$0xFFFFFFC0]  }
0x169: {  	v5 =	vld [tilespmem:s15+$0xFFFFFFD0];
	v0 =	vmul.f32 $1.131370830e+01, v0  }
0x16a: {  	v6 =	vld [tilespmem:s15+$0xFFFFFFE0];
	v1 =	vmul.f32 $1.131370830e+01, v1  }
0x16b: {  	v7 =	vld [tilespmem:s15+$0xFFFFFFF0];
	v2 =	vmul.f32 $1.131370830e+01, v2;
	[tilespmem:s15+$0x70] =	vst v0  }
0x16c: {  	[tilespmem:s15+$0xFFFFFF90] =	vst v1;
	v0 =	vmul.f32 $1.131370830e+01, v3;
	v3 =	vld [tilespmem:s15+$0x0]  }
0x16d: {  	[tilespmem:s15+$0xFFFFFFA0] =	vst v2;
	v1 =	vmul.f32 $1.131370830e+01, v4;
	v4 =	vld [tilespmem:s15+$0x10]  }
0x16e: {  	v8 =	vld [tilespmem:s15+$0x20];
	v2 =	vmul.f32 $1.131370830e+01, v5;
	[tilespmem:s15+$0xFFFFFFB0] =	vst v0  }
0x16f: {  	v5 =	vmul.f32 $1.131370830e+01, v6;
	[tilespmem:s15+$0xFFFFFFC0] =	vst v1;
	v0 =	vld [tilespmem:s15+$0x30]  }
0x170: {  	v6 =	vmul.f32 $1.131370830e+01, v7;
	[tilespmem:s15+$0xFFFFFFD0] =	vst v2;
	v1 =	vld [tilespmem:s15+$0x40]  }
0x171: {  	[tilespmem:s15+$0xFFFFFFE0] =	vst v5;
	v2 =	vld [tilespmem:s15+$0x50];
	v7 =	vmul.f32 $1.131370830e+01, v3  }
0x172: {  	[tilespmem:s15+$0xFFFFFFF0] =	vst v6;
	v3 =	vld [tilespmem:s15+$0x60];
	v5 =	vmul.f32 $1.131370830e+01, v4  }
0x173: {  	s6 =	simm.s32 $0x0;
	s18 =	simm.s32 $0x9D80;
	v6 =	vmul.f32 $1.131370830e+01, v8;
	v4 =	vld [tilespmem:s15+$0xFFFFFF80];
	[tilespmem:s15+$0x0] =	vst v7  }
.LBB2_15:
0x174: {  	v7 =	vld [tilespmem:s18+$0x70];
	s6 =	sadd.s32 $0x2, s6;
	[tilespmem:s15+$0x10] =	vst v5;
	v0 =	vmul.f32 $1.131370830e+01, v0  }
0x175: {  	v5 =	vld [tilespmem:s18+$0xFFFFFF90];
	p0 =	slt.u32 s6, $0x7E;
	[tilespmem:s15+$0x20] =	vst v6;
	v1 =	vmul.f32 $1.131370830e+01, v1  }
0x176: {  	v6 =	vld [tilespmem:s18+$0xFFFFFFA0];
	[tilespmem:s15+$0x30] =	vst v0;
	v0 =	vmul.f32 $1.131370830e+01, v2  }
0x177: {  	v2 =	vld [tilespmem:s18+$0xFFFFFFB0];
	[tilespmem:s15+$0x40] =	vst v1;
	v1 =	vmul.f32 $1.131370830e+01, v3  }
0x178: {  	v3 =	vld [tilespmem:s18+$0xFFFFFFC0];
	v4 =	vmul.f32 $1.131370830e+01, v4;
	[tilespmem:s15+$0x50] =	vst v0  }
0x179: {  	v0 =	vld [tilespmem:s18+$0xFFFFFFD0];
	v7 =	vmul.f32 $1.131370830e+01, v7;
	[tilespmem:s15+$0x60] =	vst v1  }
0x17a: {  	v1 =	vmul.f32 $1.131370830e+01, v5;
	v5 =	vld [tilespmem:s18+$0xFFFFFFE0];
	[tilespmem:s15+$0xFFFFFF80] =	vst v4;
	s15 =	smov.u32 s18  }
0x17b: {  	v4 =	vmul.f32 $1.131370830e+01, v6;
	v6 =	vld [tilespmem:s18+$0xFFFFFFF0];
	[tilespmem:s18+$0x70] =	vst v7  }
0x17c: {  	[tilespmem:s18+$0xFFFFFF90] =	vst v1;
	v1 =	vmul.f32 $1.131370830e+01, v2;
	v2 =	vld [tilespmem:s18+$0x0]  }
0x17d: {  	[tilespmem:s18+$0xFFFFFFA0] =	vst v4;
	v3 =	vmul.f32 $1.131370830e+01, v3;
	v4 =	vld [tilespmem:s18+$0x10]  }
0x17e: {  	[tilespmem:s18+$0xFFFFFFB0] =	vst v1;
	v1 =	vmul.f32 $1.131370830e+01, v0;
	v7 =	vld [tilespmem:s18+$0x20]  }
.Ltmp6:
0x17f: {  	[tilespmem:s18+$0xFFFFFFC0] =	vst v3;
	v3 =	vmul.f32 $1.131370830e+01, v5;
	v0 =	vld [tilespmem:s18+$0x30];
	(pc) =	sbr.rel @p0 .LBB2_15-.Ltmp6, $4  }
0x180: {  	[tilespmem:s18+$0xFFFFFFD0] =	vst v1;
	v5 =	vmul.f32 $1.131370830e+01, v6;
	v1 =	vld [tilespmem:s18+$0x40]  }
0x181: {  	[tilespmem:s18+$0xFFFFFFE0] =	vst v3;
	v6 =	vmul.f32 $1.131370830e+01, v2;
	v2 =	vld [tilespmem:s18+$0x50]  }
0x182: {  	[tilespmem:s18+$0xFFFFFFF0] =	vst v5;
	v5 =	vmul.f32 $1.131370830e+01, v4;
	v3 =	vld [tilespmem:s18+$0x60]  }
0x183: {  	s18 =	sadd.s32 $0x100, s18;
	v4 =	vld [tilespmem:s15+$0xFFFFFF80];
	[tilespmem:s15+$0x0] =	vst v6;
	v6 =	vmul.f32 $1.131370830e+01, v7  }
0x184: {  	[tilespmem:s15+$0x10] =	vst v5;
	v0 =	vmul.f32 $1.131370830e+01, v0  }
0x185: {  	[tilespmem:s15+$0x20] =	vst v6;
	v1 =	vmul.f32 $1.131370830e+01, v1  }
0x186: {  	[tilespmem:s15+$0x30] =	vst v0;
	v0 =	vmul.f32 $1.131370830e+01, v2  }
0x187: {  	s6 =	sshll.u32 s10, $0x13;
	[tilespmem:s15+$0x40] =	vst v1;
	v1 =	vmul.f32 $1.131370830e+01, v3  }
0x188: {  	s6 =	sor.u32 s7, s6;
	v2 =	vmul.f32 $1.131370830e+01, v4;
	[tilespmem:s15+$0x50] =	vst v0  }
0x189: {  	s6 =	sshrl.u32 s6, $0x3;
	[tilespmem:s15+$0x60] =	vst v1  }
0x18a: {  	s6 =	sadd.s32 s3, s6;
	[tilespmem:s15+$0xFFFFFF80] =	vst v2  }
0x18b: {  	[hbm4b:s6+s4] =	stream.linear.scatter [tilespmem:s28], [sflag:$0x7], $0x4000, $0x38;
	[tilespmem:$0x11C00] =	vst v63  }
0x18c: {  	_ =	swait.ge [sflag:s0], $0x2000  }
0x18d: {  	[sflag:s0] =	ssyncset.done $0x0  }
0x18e: {  	[sflag:s0] =	ssyncadd.s32 $0xFFFFE000  }
0x18f: {  	_ =	swait.ge [sflag:s0], $0x2000  }
0x190: {  	[sflag:s0] =	ssyncset.done $0x0  }
0x191: {  	[sflag:s0] =	ssyncadd.s32 $0xFFFFE000  }
0x192: {  	_ =	swait.ge [sflag:s17], $0x4000  }
0x193: {  	[sflag:s17] =	ssyncset.done $0x0  }
0x194: {  	s15 =	sadd.s32 $0x480, s14;
	[sflag:s17] =	ssyncadd.s32 $0xFFFFC000  }
0x195: {  	[tilespmem:s22], [sflag:$0x2] =	stream.indirect.gather [hbm4b:s2+s19], $0x80, s15, s19, $0xb8;
	[tilespmem:$0x11C00] =	vst v63  }
0x196: {  	s18 =	sadd.s32 $0x4C0, s14;
	s10 =	simm.s32 $0xDC80  }
0x197: {  	[tilespmem:s24], [sflag:$0x2] =	stream.indirect.gather [hbm4b:s2+s19], $0x80, s18, s19, $0xb8;
	[tilespmem:$0x11C00] =	vst v63  }
0x198: {  	v0 =	vld [tilespmem:s10+$0x70]  }
0x199: {  	v1 =	vld [tilespmem:s10+$0xFFFFFF90]  }
0x19a: {  	v2 =	vld [tilespmem:s10+$0xFFFFFFA0]  }
0x19b: {  	v3 =	vld [tilespmem:s10+$0xFFFFFFB0]  }
0x19c: {  	v4 =	vld [tilespmem:s10+$0xFFFFFFC0]  }
0x19d: {  	v5 =	vld [tilespmem:s10+$0xFFFFFFD0];
	v0 =	vmul.f32 $1.131370830e+01, v0  }
0x19e: {  	v6 =	vld [tilespmem:s10+$0xFFFFFFE0];
	v1 =	vmul.f32 $1.131370830e+01, v1  }
0x19f: {  	v7 =	vld [tilespmem:s10+$0xFFFFFFF0];
	v2 =	vmul.f32 $1.131370830e+01, v2;
	[tilespmem:s10+$0x70] =	vst v0  }
0x1a0: {  	[tilespmem:s10+$0xFFFFFF90] =	vst v1;
	v0 =	vmul.f32 $1.131370830e+01, v3;
	v3 =	vld [tilespmem:s10+$0x0]  }
0x1a1: {  	[tilespmem:s10+$0xFFFFFFA0] =	vst v2;
	v1 =	vmul.f32 $1.131370830e+01, v4;
	v4 =	vld [tilespmem:s10+$0x10]  }
0x1a2: {  	v8 =	vld [tilespmem:s10+$0x20];
	v2 =	vmul.f32 $1.131370830e+01, v5;
	[tilespmem:s10+$0xFFFFFFB0] =	vst v0  }
0x1a3: {  	v5 =	vmul.f32 $1.131370830e+01, v6;
	[tilespmem:s10+$0xFFFFFFC0] =	vst v1;
	v0 =	vld [tilespmem:s10+$0x30]  }
0x1a4: {  	v6 =	vmul.f32 $1.131370830e+01, v7;
	[tilespmem:s10+$0xFFFFFFD0] =	vst v2;
	v1 =	vld [tilespmem:s10+$0x40]  }
0x1a5: {  	[tilespmem:s10+$0xFFFFFFE0] =	vst v5;
	v2 =	vld [tilespmem:s10+$0x50];
	v7 =	vmul.f32 $1.131370830e+01, v3  }
0x1a6: {  	[tilespmem:s10+$0xFFFFFFF0] =	vst v6;
	v3 =	vld [tilespmem:s10+$0x60];
	v5 =	vmul.f32 $1.131370830e+01, v4  }
0x1a7: {  	s14 =	simm.s32 $0xDD80;
	s6 =	simm.s32 $0x0;
	v6 =	vmul.f32 $1.131370830e+01, v8;
	v4 =	vld [tilespmem:s10+$0xFFFFFF80];
	[tilespmem:s10+$0x0] =	vst v7  }
.LBB2_17:
0x1a8: {  	v7 =	vld [tilespmem:s14+$0x70];
	s6 =	sadd.s32 $0x2, s6;
	[tilespmem:s10+$0x10] =	vst v5;
	v0 =	vmul.f32 $1.131370830e+01, v0  }
0x1a9: {  	v5 =	vld [tilespmem:s14+$0xFFFFFF90];
	p0 =	slt.u32 s6, $0x7E;
	[tilespmem:s10+$0x20] =	vst v6;
	v1 =	vmul.f32 $1.131370830e+01, v1  }
0x1aa: {  	v6 =	vld [tilespmem:s14+$0xFFFFFFA0];
	[tilespmem:s10+$0x30] =	vst v0;
	v0 =	vmul.f32 $1.131370830e+01, v2  }
0x1ab: {  	v2 =	vld [tilespmem:s14+$0xFFFFFFB0];
	[tilespmem:s10+$0x40] =	vst v1;
	v1 =	vmul.f32 $1.131370830e+01, v3  }
0x1ac: {  	v3 =	vld [tilespmem:s14+$0xFFFFFFC0];
	v4 =	vmul.f32 $1.131370830e+01, v4;
	[tilespmem:s10+$0x50] =	vst v0  }
0x1ad: {  	v0 =	vld [tilespmem:s14+$0xFFFFFFD0];
	v7 =	vmul.f32 $1.131370830e+01, v7;
	[tilespmem:s10+$0x60] =	vst v1  }
0x1ae: {  	v1 =	vmul.f32 $1.131370830e+01, v5;
	v5 =	vld [tilespmem:s14+$0xFFFFFFE0];
	[tilespmem:s10+$0xFFFFFF80] =	vst v4;
	s10 =	smov.u32 s14  }
0x1af: {  	v4 =	vmul.f32 $1.131370830e+01, v6;
	v6 =	vld [tilespmem:s14+$0xFFFFFFF0];
	[tilespmem:s14+$0x70] =	vst v7  }
0x1b0: {  	[tilespmem:s14+$0xFFFFFF90] =	vst v1;
	v1 =	vmul.f32 $1.131370830e+01, v2;
	v2 =	vld [tilespmem:s14+$0x0]  }
0x1b1: {  	[tilespmem:s14+$0xFFFFFFA0] =	vst v4;
	v3 =	vmul.f32 $1.131370830e+01, v3;
	v4 =	vld [tilespmem:s14+$0x10]  }
0x1b2: {  	[tilespmem:s14+$0xFFFFFFB0] =	vst v1;
	v1 =	vmul.f32 $1.131370830e+01, v0;
	v7 =	vld [tilespmem:s14+$0x20]  }
.Ltmp7:
0x1b3: {  	[tilespmem:s14+$0xFFFFFFC0] =	vst v3;
	v3 =	vmul.f32 $1.131370830e+01, v5;
	v0 =	vld [tilespmem:s14+$0x30];
	(pc) =	sbr.rel @p0 .LBB2_17-.Ltmp7, $4  }
0x1b4: {  	[tilespmem:s14+$0xFFFFFFD0] =	vst v1;
	v5 =	vmul.f32 $1.131370830e+01, v6;
	v1 =	vld [tilespmem:s14+$0x40]  }
0x1b5: {  	[tilespmem:s14+$0xFFFFFFE0] =	vst v3;
	v6 =	vmul.f32 $1.131370830e+01, v2;
	v2 =	vld [tilespmem:s14+$0x50]  }
0x1b6: {  	[tilespmem:s14+$0xFFFFFFF0] =	vst v5;
	v5 =	vmul.f32 $1.131370830e+01, v4;
	v3 =	vld [tilespmem:s14+$0x60]  }
0x1b7: {  	s14 =	sadd.s32 $0x100, s14;
	v4 =	vld [tilespmem:s10+$0xFFFFFF80];
	[tilespmem:s10+$0x0] =	vst v6;
	v6 =	vmul.f32 $1.131370830e+01, v7  }
0x1b8: {  	[tilespmem:s10+$0x10] =	vst v5;
	v0 =	vmul.f32 $1.131370830e+01, v0  }
0x1b9: {  	s9 =	sadd.s32 $0x1, s9;
	[tilespmem:s10+$0x20] =	vst v6;
	v1 =	vmul.f32 $1.131370830e+01, v1  }
0x1ba: {  	p0 =	sne.s32 s9, $0xB;
	[tilespmem:s10+$0x30] =	vst v0;
	v61 =	vmul.f32 $1.131370830e+01, v2  }
.Ltmp8:
0x1bb: {  	s6 =	sshll.u32 s13, $0x13;
	[tilespmem:s10+$0x40] =	vst v1;
	v62 =	vmul.f32 $1.131370830e+01, v3;
	(pc) =	sbr.rel @p0 .LBB2_10-.Ltmp8, $4  }
0x1bc: {  	s6 =	sor.u32 s7, s6;
	v63 =	vmul.f32 $1.131370830e+01, v4;
	[tilespmem:s10+$0x50] =	vst v61  }
0x1bd: {  	s6 =	sshrl.u32 s6, $0x3;
	[tilespmem:s10+$0x60] =	vst v62  }
0x1be: {  	s6 =	sadd.s32 s3, s6;
	[tilespmem:s10+$0xFFFFFF80] =	vst v63  }
0x1bf: {  	[hbm4b:s6+s4] =	stream.linear.scatter [tilespmem:s1], [sflag:$0x8], $0x4000, $0x38;
	[tilespmem:$0x11C00] =	vst v63  }
0x1c0: {  	_ =	swait.ge [sflag:s25], $0x2000  }
0x1c1: {  	[sflag:s25] =	ssyncset.done $0x0  }
0x1c2: {  	[sflag:s25] =	ssyncadd.s32 $0xFFFFE000  }
0x1c3: {  	_ =	swait.ge [sflag:s25], $0x2000  }
0x1c4: {  	[sflag:s25] =	ssyncset.done $0x0  }
0x1c5: {  	[sflag:s25] =	ssyncadd.s32 $0xFFFFE000  }
0x1c6: {  	_ =	swait.ge [sflag:s16], $0x4000  }
0x1c7: {  	[sflag:s16] =	ssyncset.done $0x0  }
0x1c8: {  	s9 =	simm.s32 $0x1C80;
	[sflag:s16] =	ssyncadd.s32 $0xFFFFC000  }
0x1c9: {  	v0 =	vld [tilespmem:s9+$0x70]  }
0x1ca: {  	v1 =	vld [tilespmem:s9+$0xFFFFFF90]  }
0x1cb: {  	v2 =	vld [tilespmem:s9+$0xFFFFFFA0]  }
0x1cc: {  	v3 =	vld [tilespmem:s9+$0xFFFFFFB0]  }
0x1cd: {  	v4 =	vld [tilespmem:s9+$0xFFFFFFC0]  }
0x1ce: {  	v5 =	vld [tilespmem:s9+$0xFFFFFFD0];
	v0 =	vmul.f32 $1.131370830e+01, v0  }
0x1cf: {  	v6 =	vld [tilespmem:s9+$0xFFFFFFE0];
	v1 =	vmul.f32 $1.131370830e+01, v1  }
0x1d0: {  	v7 =	vld [tilespmem:s9+$0xFFFFFFF0];
	v2 =	vmul.f32 $1.131370830e+01, v2;
	[tilespmem:s9+$0x70] =	vst v0  }
0x1d1: {  	[tilespmem:s9+$0xFFFFFF90] =	vst v1;
	v0 =	vmul.f32 $1.131370830e+01, v3;
	v3 =	vld [tilespmem:s9+$0x0]  }
0x1d2: {  	[tilespmem:s9+$0xFFFFFFA0] =	vst v2;
	v1 =	vmul.f32 $1.131370830e+01, v4;
	v4 =	vld [tilespmem:s9+$0x10]  }
0x1d3: {  	v8 =	vld [tilespmem:s9+$0x20];
	v2 =	vmul.f32 $1.131370830e+01, v5;
	[tilespmem:s9+$0xFFFFFFB0] =	vst v0  }
0x1d4: {  	v5 =	vmul.f32 $1.131370830e+01, v6;
	[tilespmem:s9+$0xFFFFFFC0] =	vst v1;
	v0 =	vld [tilespmem:s9+$0x30]  }
0x1d5: {  	v6 =	vmul.f32 $1.131370830e+01, v7;
	[tilespmem:s9+$0xFFFFFFD0] =	vst v2;
	v1 =	vld [tilespmem:s9+$0x40]  }
0x1d6: {  	[tilespmem:s9+$0xFFFFFFE0] =	vst v5;
	v2 =	vld [tilespmem:s9+$0x50];
	v7 =	vmul.f32 $1.131370830e+01, v3  }
0x1d7: {  	[tilespmem:s9+$0xFFFFFFF0] =	vst v6;
	v3 =	vld [tilespmem:s9+$0x60];
	v5 =	vmul.f32 $1.131370830e+01, v4  }
0x1d8: {  	s6 =	simm.s32 $0x0;
	s10 =	simm.s32 $0x1D80;
	v6 =	vmul.f32 $1.131370830e+01, v8;
	v4 =	vld [tilespmem:s9+$0xFFFFFF80];
	[tilespmem:s9+$0x0] =	vst v7  }
.LBB2_20:
0x1d9: {  	v7 =	vld [tilespmem:s10+$0x70];
	s6 =	sadd.s32 $0x2, s6;
	[tilespmem:s9+$0x10] =	vst v5;
	v0 =	vmul.f32 $1.131370830e+01, v0  }
0x1da: {  	v5 =	vld [tilespmem:s10+$0xFFFFFF90];
	p0 =	slt.u32 s6, $0x7E;
	[tilespmem:s9+$0x20] =	vst v6;
	v1 =	vmul.f32 $1.131370830e+01, v1  }
0x1db: {  	v6 =	vld [tilespmem:s10+$0xFFFFFFA0];
	[tilespmem:s9+$0x30] =	vst v0;
	v0 =	vmul.f32 $1.131370830e+01, v2  }
0x1dc: {  	v2 =	vld [tilespmem:s10+$0xFFFFFFB0];
	[tilespmem:s9+$0x40] =	vst v1;
	v1 =	vmul.f32 $1.131370830e+01, v3  }
0x1dd: {  	v3 =	vld [tilespmem:s10+$0xFFFFFFC0];
	v4 =	vmul.f32 $1.131370830e+01, v4;
	[tilespmem:s9+$0x50] =	vst v0  }
0x1de: {  	v0 =	vld [tilespmem:s10+$0xFFFFFFD0];
	v7 =	vmul.f32 $1.131370830e+01, v7;
	[tilespmem:s9+$0x60] =	vst v1  }
0x1df: {  	v1 =	vmul.f32 $1.131370830e+01, v5;
	v5 =	vld [tilespmem:s10+$0xFFFFFFE0];
	[tilespmem:s9+$0xFFFFFF80] =	vst v4;
	s9 =	smov.u32 s10  }
0x1e0: {  	v4 =	vmul.f32 $1.131370830e+01, v6;
	v6 =	vld [tilespmem:s10+$0xFFFFFFF0];
	[tilespmem:s10+$0x70] =	vst v7  }
0x1e1: {  	[tilespmem:s10+$0xFFFFFF90] =	vst v1;
	v1 =	vmul.f32 $1.131370830e+01, v2;
	v2 =	vld [tilespmem:s10+$0x0]  }
0x1e2: {  	[tilespmem:s10+$0xFFFFFFA0] =	vst v4;
	v3 =	vmul.f32 $1.131370830e+01, v3;
	v4 =	vld [tilespmem:s10+$0x10]  }
0x1e3: {  	[tilespmem:s10+$0xFFFFFFB0] =	vst v1;
	v1 =	vmul.f32 $1.131370830e+01, v0;
	v7 =	vld [tilespmem:s10+$0x20]  }
.Ltmp9:
0x1e4: {  	[tilespmem:s10+$0xFFFFFFC0] =	vst v3;
	v3 =	vmul.f32 $1.131370830e+01, v5;
	v0 =	vld [tilespmem:s10+$0x30];
	(pc) =	sbr.rel @p0 .LBB2_20-.Ltmp9, $4  }
0x1e5: {  	[tilespmem:s10+$0xFFFFFFD0] =	vst v1;
	v5 =	vmul.f32 $1.131370830e+01, v6;
	v1 =	vld [tilespmem:s10+$0x40]  }
0x1e6: {  	[tilespmem:s10+$0xFFFFFFE0] =	vst v3;
	v6 =	vmul.f32 $1.131370830e+01, v2;
	v2 =	vld [tilespmem:s10+$0x50]  }
0x1e7: {  	[tilespmem:s10+$0xFFFFFFF0] =	vst v5;
	v5 =	vmul.f32 $1.131370830e+01, v4;
	v3 =	vld [tilespmem:s10+$0x60]  }
0x1e8: {  	s10 =	sadd.s32 $0x100, s10;
	v4 =	vld [tilespmem:s9+$0xFFFFFF80];
	[tilespmem:s9+$0x0] =	vst v6;
	v6 =	vmul.f32 $1.131370830e+01, v7  }
0x1e9: {  	[tilespmem:s9+$0x10] =	vst v5;
	v0 =	vmul.f32 $1.131370830e+01, v0  }
0x1ea: {  	[tilespmem:s9+$0x20] =	vst v6;
	v1 =	vmul.f32 $1.131370830e+01, v1  }
0x1eb: {  	[tilespmem:s9+$0x30] =	vst v0;
	v0 =	vmul.f32 $1.131370830e+01, v2  }
0x1ec: {  	[tilespmem:s9+$0x40] =	vst v1;
	v1 =	vmul.f32 $1.131370830e+01, v3  }
0x1ed: {  	v2 =	vmul.f32 $1.131370830e+01, v4;
	[tilespmem:s9+$0x50] =	vst v0  }
0x1ee: {  	[tilespmem:s9+$0x60] =	vst v1  }
0x1ef: {  	[tilespmem:s9+$0xFFFFFF80] =	vst v2  }
0x1f0: {  	s6 =	rddreg [dreg:$0x9]  }
0x1f1: {  	[hbm4b:s6+s4] =	stream.linear.scatter [tilespmem:s20], [sflag:$0x5], $0x4000, $0x38;
	[tilespmem:$0x11C00] =	vst v63  }
0x1f2: {  	_ =	swait.ge [sflag:s31], $0x2000  }
0x1f3: {  	[sflag:s31] =	ssyncset.done $0x0  }
0x1f4: {  	[sflag:s31] =	ssyncadd.s32 $0xFFFFE000  }
0x1f5: {  	_ =	swait.ge [sflag:s31], $0x2000  }
0x1f6: {  	[sflag:s31] =	ssyncset.done $0x0  }
0x1f7: {  	[sflag:s31] =	ssyncadd.s32 $0xFFFFE000  }
0x1f8: {  	_ =	swait.ge [sflag:s5], $0x4000  }
0x1f9: {  	[sflag:s5] =	ssyncset.done $0x0  }
0x1fa: {  	s9 =	simm.s32 $0x5C80;
	[sflag:s5] =	ssyncadd.s32 $0xFFFFC000  }
0x1fb: {  	v0 =	vld [tilespmem:s9+$0x70]  }
0x1fc: {  	v1 =	vld [tilespmem:s9+$0xFFFFFF90]  }
0x1fd: {  	v2 =	vld [tilespmem:s9+$0xFFFFFFA0]  }
0x1fe: {  	v3 =	vld [tilespmem:s9+$0xFFFFFFB0]  }
0x1ff: {  	v4 =	vld [tilespmem:s9+$0xFFFFFFC0]  }
0x200: {  	v5 =	vld [tilespmem:s9+$0xFFFFFFD0];
	v0 =	vmul.f32 $1.131370830e+01, v0  }
0x201: {  	v6 =	vld [tilespmem:s9+$0xFFFFFFE0];
	v1 =	vmul.f32 $1.131370830e+01, v1  }
0x202: {  	v7 =	vld [tilespmem:s9+$0xFFFFFFF0];
	v2 =	vmul.f32 $1.131370830e+01, v2;
	[tilespmem:s9+$0x70] =	vst v0  }
0x203: {  	[tilespmem:s9+$0xFFFFFF90] =	vst v1;
	v0 =	vmul.f32 $1.131370830e+01, v3;
	v3 =	vld [tilespmem:s9+$0x0]  }
0x204: {  	[tilespmem:s9+$0xFFFFFFA0] =	vst v2;
	v1 =	vmul.f32 $1.131370830e+01, v4;
	v4 =	vld [tilespmem:s9+$0x10]  }
0x205: {  	v8 =	vld [tilespmem:s9+$0x20];
	v2 =	vmul.f32 $1.131370830e+01, v5;
	[tilespmem:s9+$0xFFFFFFB0] =	vst v0  }
0x206: {  	v5 =	vmul.f32 $1.131370830e+01, v6;
	[tilespmem:s9+$0xFFFFFFC0] =	vst v1;
	v0 =	vld [tilespmem:s9+$0x30]  }
0x207: {  	v6 =	vmul.f32 $1.131370830e+01, v7;
	[tilespmem:s9+$0xFFFFFFD0] =	vst v2;
	v1 =	vld [tilespmem:s9+$0x40]  }
0x208: {  	[tilespmem:s9+$0xFFFFFFE0] =	vst v5;
	v2 =	vld [tilespmem:s9+$0x50];
	v7 =	vmul.f32 $1.131370830e+01, v3  }
0x209: {  	[tilespmem:s9+$0xFFFFFFF0] =	vst v6;
	v3 =	vld [tilespmem:s9+$0x60];
	v5 =	vmul.f32 $1.131370830e+01, v4  }
0x20a: {  	s10 =	simm.s32 $0x5D80;
	s6 =	simm.s32 $0x0;
	v6 =	vmul.f32 $1.131370830e+01, v8;
	v4 =	vld [tilespmem:s9+$0xFFFFFF80];
	[tilespmem:s9+$0x0] =	vst v7  }
.LBB2_22:
0x20b: {  	v7 =	vld [tilespmem:s10+$0x70];
	s6 =	sadd.s32 $0x2, s6;
	[tilespmem:s9+$0x10] =	vst v5;
	v0 =	vmul.f32 $1.131370830e+01, v0  }
0x20c: {  	v5 =	vld [tilespmem:s10+$0xFFFFFF90];
	p0 =	slt.u32 s6, $0x7E;
	[tilespmem:s9+$0x20] =	vst v6;
	v1 =	vmul.f32 $1.131370830e+01, v1  }
0x20d: {  	v6 =	vld [tilespmem:s10+$0xFFFFFFA0];
	[tilespmem:s9+$0x30] =	vst v0;
	v0 =	vmul.f32 $1.131370830e+01, v2  }
0x20e: {  	v2 =	vld [tilespmem:s10+$0xFFFFFFB0];
	[tilespmem:s9+$0x40] =	vst v1;
	v1 =	vmul.f32 $1.131370830e+01, v3  }
0x20f: {  	v3 =	vld [tilespmem:s10+$0xFFFFFFC0];
	v4 =	vmul.f32 $1.131370830e+01, v4;
	[tilespmem:s9+$0x50] =	vst v0  }
0x210: {  	v0 =	vld [tilespmem:s10+$0xFFFFFFD0];
	v7 =	vmul.f32 $1.131370830e+01, v7;
	[tilespmem:s9+$0x60] =	vst v1  }
0x211: {  	v1 =	vmul.f32 $1.131370830e+01, v5;
	v5 =	vld [tilespmem:s10+$0xFFFFFFE0];
	[tilespmem:s9+$0xFFFFFF80] =	vst v4;
	s9 =	smov.u32 s10  }
0x212: {  	v4 =	vmul.f32 $1.131370830e+01, v6;
	v6 =	vld [tilespmem:s10+$0xFFFFFFF0];
	[tilespmem:s10+$0x70] =	vst v7  }
0x213: {  	[tilespmem:s10+$0xFFFFFF90] =	vst v1;
	v1 =	vmul.f32 $1.131370830e+01, v2;
	v2 =	vld [tilespmem:s10+$0x0]  }
0x214: {  	[tilespmem:s10+$0xFFFFFFA0] =	vst v4;
	v3 =	vmul.f32 $1.131370830e+01, v3;
	v4 =	vld [tilespmem:s10+$0x10]  }
0x215: {  	[tilespmem:s10+$0xFFFFFFB0] =	vst v1;
	v1 =	vmul.f32 $1.131370830e+01, v0;
	v7 =	vld [tilespmem:s10+$0x20]  }
.Ltmp10:
0x216: {  	[tilespmem:s10+$0xFFFFFFC0] =	vst v3;
	v3 =	vmul.f32 $1.131370830e+01, v5;
	v0 =	vld [tilespmem:s10+$0x30];
	(pc) =	sbr.rel @p0 .LBB2_22-.Ltmp10, $4  }
0x217: {  	[tilespmem:s10+$0xFFFFFFD0] =	vst v1;
	v5 =	vmul.f32 $1.131370830e+01, v6;
	v1 =	vld [tilespmem:s10+$0x40]  }
0x218: {  	[tilespmem:s10+$0xFFFFFFE0] =	vst v3;
	v6 =	vmul.f32 $1.131370830e+01, v2;
	v2 =	vld [tilespmem:s10+$0x50]  }
0x219: {  	[tilespmem:s10+$0xFFFFFFF0] =	vst v5;
	v5 =	vmul.f32 $1.131370830e+01, v4;
	v3 =	vld [tilespmem:s10+$0x60]  }
0x21a: {  	s10 =	sadd.s32 $0x100, s10;
	v4 =	vld [tilespmem:s9+$0xFFFFFF80];
	[tilespmem:s9+$0x0] =	vst v6;
	v6 =	vmul.f32 $1.131370830e+01, v7  }
0x21b: {  	[tilespmem:s9+$0x10] =	vst v5;
	v0 =	vmul.f32 $1.131370830e+01, v0  }
0x21c: {  	[tilespmem:s9+$0x20] =	vst v6;
	v1 =	vmul.f32 $1.131370830e+01, v1  }
0x21d: {  	[tilespmem:s9+$0x30] =	vst v0;
	v61 =	vmul.f32 $1.131370830e+01, v2  }
0x21e: {  	[tilespmem:s9+$0x40] =	vst v1;
	v62 =	vmul.f32 $1.131370830e+01, v3  }
0x21f: {  	v63 =	vmul.f32 $1.131370830e+01, v4;
	[tilespmem:s9+$0x50] =	vst v61  }
0x220: {  	[tilespmem:s9+$0x60] =	vst v62  }
0x221: {  	[tilespmem:s9+$0xFFFFFF80] =	vst v63  }
0x222: {  	s6 =	rddreg [dreg:$0xa]  }
0x223: {  	[hbm4b:s6+s4] =	stream.linear.scatter [tilespmem:s22], [sflag:$0x6], $0x4000, $0x38;
	[tilespmem:$0x11C00] =	vst v63  }
0x224: {  	_ =	swait.ge [sflag:s29], $0x4000  }
0x225: {  	[sflag:s29] =	ssyncset.done $0x0  }
0x226: {  	[sflag:s29] =	ssyncadd.s32 $0xFFFFC000  }
0x227: {  	_ =	swait.ge [sflag:s17], $0x4000  }
0x228: {  	s8 =	sadd.s32 $0x1, s8;
	s18 =	rddreg [dreg:$0xb]  }
0x229: {  	p0 =	sne.s32 s8, s18  }
.Ltmp11:
0x22a: {  	_ = 	snop;
	(pc) =	sbr.rel @p0 .LBB2_1-.Ltmp11, $3  }
0x22b: {  	_ =	sdelay $0x1  }
0x22c: {  	[sflag:s17] =	ssyncset.done $0x0  }
0x22d: {  	[sflag:s17] =	ssyncadd.s32 $0xFFFFC000  }
0x22e: {  	_ =	sfence.sel $0x180000  }
0x22f: {  	[bflag:$0x0] =	sbarrier.arrive $0xFFFF  }
0x230: {  	_ =	strace $0x90000047  }
0x231: {  	s0 =	stileid.u32;
	[bflag:$0x2] =	sbarrier.arrive $0xFFFF  }
0x232: {  	p0 =	sne.s32 s0, $0x0;
	s0 =	rddreg [dreg:$0x3]  }
0x233: {  	s0 =	sadd.s32 @!p0 $0x100000, s0  }
0x234: {  	[sflag:s0] =	ssyncadd.tile.s32 @!p0 $0x1;
	_ =	shalt  }
.Lfunc_end2:
_tile_overlayer_lowered:
.L_overlay_start_2:
0x235: {  	(tag) =	ssettag $0x2  }
0x236: {  	s0 =	rddreg [dreg:$0x0];
	s2 =	stileid.u32  }
0x237: {  	s1 =	rddreg [dreg:$0x1];
	p0 =	sne.s32 s2, $0x0  }
0x238: {  	s3 =	rddreg [dreg:$0x2];
	[bflag:$0x3] =	sbarrier.arrive $0xFFFF;
	s2 =	simm.s32 @!p0 $0x1C09  }
0x239: {  	[timem:s3], [sflag:s2] =	dma.local @!p0 [hbm:s0], s1  }
0x23a: {  	s0 =	simm.s32 @!p0 $0x9  }
0x23b: {  	_ =	swait.ge @!p0 [sflag:s0], s1  }
0x23c: {  	s1 =	ssub.s32 @!p0 $0x0, s1;
	[sflag:s0] =	ssyncset.done @!p0 $0x0  }
0x23d: {  	[sflag:s0] =	ssyncadd.s32 @!p0 s1  }
0x23e: {  	[bflag:$0x3] =	sbarrier.arrive $0xFFFF  }
0x23f: {  	_ =	shalt  }

</sc_bundles>
